<compile_context>
chip_gen: v7x
topology: tpu7x:2x2x1
jax: 0.10.2.dev20260603
libtpu: 0.0.44.dev20260713+nightly
codegen_flags: <defaults>
</compile_context>

<pallas_src>
import functools

import jax
import jax.numpy as jnp
from jax import lax
from jax.experimental import pallas as pl
from jax.experimental.pallas import tpu as pltpu
from jax.experimental.pallas import tpu_sc as plsc

_N = 10000
_E = 320000
_NPAD = 10112
_NW = 32
_CH = 128
_KCH = 80
_EPAD = _NW * _KCH * _CH
_EPW = _KCH * _CH
_RPT = _NPAD // 16
_SC2 = 64
_TCH = _EPAD // _SC2
_SPS = _TCH // 16
_K0 = 224


def _sc_mesh():
    return plsc.VectorSubcoreMesh(core_axis_name="c", subcore_axis_name="s")


@functools.partial(
    pl.kernel,
    out_type=jax.ShapeDtypeStruct((2, _NPAD, 128), jnp.float32),
    mesh=_sc_mesh(),
    scratch_types=[
        pltpu.VMEM((_KCH, _CH), jnp.int32),
        pltpu.VMEM((_CH, 128), jnp.float32),
        pltpu.VMEM_SHARED((_NPAD, 128), jnp.float32),
        pltpu.SemaphoreType.DMA,
    ],
    compiler_params=pltpu.CompilerParams(use_tc_tiling_on_sc=False),
)
def _deg_sc(dst_hbm, ones_hbm, zeros_hbm, out_hbm, idx_v, ones_v, acc_sh,
            ssem):
    c = lax.axis_index("c")
    s = lax.axis_index("s")
    w = s * 2 + c
    pltpu.sync_copy(zeros_hbm, acc_sh.at[pl.ds(s * _RPT, _RPT)])
    pltpu.sync_copy(dst_hbm.at[w], idx_v)
    pltpu.sync_copy(ones_hbm, ones_v)
    plsc.subcore_barrier()

    def body(j, carry):
        pltpu.async_copy(ones_v, acc_sh.at[idx_v.at[j]], ssem, add=True)

        @pl.when(j >= 4)
        def _():
            pltpu.make_async_copy(ones_v, acc_sh.at[idx_v.at[0]],
                                  ssem).wait()

        return carry

    lax.fori_loop(0, _KCH, body, 0)

    def drain(j, carry):
        pltpu.make_async_copy(ones_v, acc_sh.at[idx_v.at[0]], ssem).wait()
        return carry

    lax.fori_loop(0, 4, drain, 0)
    plsc.subcore_barrier()
    pltpu.sync_copy(acc_sh.at[pl.ds(s * _RPT, _RPT)],
                    out_hbm.at[c, pl.ds(s * _RPT, _RPT)])


_IB = 16


def _make_scatter(d):
    @functools.partial(
        pl.kernel,
        out_type=jax.ShapeDtypeStruct((2, _NPAD, d), jnp.float32),
        mesh=_sc_mesh(),
        scratch_types=[
            pltpu.VMEM((2, _IB, 2, _SC2), jnp.int32),
            pltpu.VMEM((4, _SC2, d), jnp.float32),
            pltpu.VMEM_SHARED((_NPAD, d), jnp.float32),
            pltpu.SemaphoreType.DMA,
            pltpu.SemaphoreType.DMA,
            pltpu.SemaphoreType.DMA,
            pltpu.SemaphoreType.DMA,
        ],
        compiler_params=pltpu.CompilerParams(use_tc_tiling_on_sc=False),
    )
    def scat(g_hbm, ei_hbm, zeros_hbm, out_hbm, idx_v, rows_v, acc_sh,
             gsa, gsb, gsc, gsd):
        c = lax.axis_index("c")
        s = lax.axis_index("s")
        pltpu.sync_copy(zeros_hbm, acc_sh.at[pl.ds(s * _RPT, _RPT)])
        plsc.subcore_barrier()

        base = s * _SPS + c * _K0
        myk = jnp.where(c == 0, _K0, _SPS - _K0)
        sems = (gsa, gsb, gsc, gsd)

        def body(j, carry):
            @pl.when(jnp.logical_and(j < myk, j % _IB == 0))
            def _():
                pltpu.sync_copy(ei_hbm.at[pl.ds(base + j, _IB)],
                                idx_v.at[(j // _IB) % 2])

            @pl.when(j < myk)
            def _():
                wj = (j // _IB) % 2
                sj = j % _IB
                for q in range(4):
                    @pl.when(j % 4 == q)
                    def _(q=q):
                        pltpu.async_copy(g_hbm.at[idx_v.at[wj, sj, 0]],
                                         rows_v.at[q], sems[q])

            @pl.when(j >= 3)
            def _():
                jm = j - 3
                wm = (jm // _IB) % 2
                sm = jm % _IB
                for q in range(4):
                    @pl.when(jm % 4 == q)
                    def _(q=q):
                        pltpu.make_async_copy(g_hbm.at[idx_v.at[0, 0, 0]],
                                              rows_v.at[q], sems[q]).wait()

                pltpu.sync_copy(rows_v.at[jm % 4],
                                acc_sh.at[idx_v.at[wm, sm, 1]], add=True)

            return carry

        lax.fori_loop(0, myk + 3, body, 0)
        plsc.subcore_barrier()
        pltpu.sync_copy(acc_sh.at[pl.ds(s * _RPT, _RPT)],
                        out_hbm.at[c, pl.ds(s * _RPT, _RPT)])

    return scat


_scatter128 = _make_scatter(128)
_scatter64 = _make_scatter(64)


def _tca_body(x_ref, w1_ref, degp_ref, g1_ref, dinv_ref):
    deg = degp_ref[0, :, 0:1] + degp_ref[1, :, 0:1] + 1.0
    dinv = lax.rsqrt(deg)
    h = jnp.dot(x_ref[...], w1_ref[...], preferred_element_type=jnp.float32)
    g1_ref[...] = dinv * h
    dinv_ref[...] = jnp.broadcast_to(dinv, dinv_ref.shape)


_BLK = 632


def _tc_a(x_pad, W1, degT):
    n_blk = _NPAD // _BLK
    return pl.pallas_call(
        _tca_body,
        grid=(n_blk,),
        in_specs=[
            pl.BlockSpec((_BLK, 128), lambda i: (i, 0)),
            pl.BlockSpec((128, 128), lambda i: (0, 0)),
            pl.BlockSpec((2, _BLK, 128), lambda i: (0, i, 0)),
        ],
        out_specs=[
            pl.BlockSpec((_BLK, 128), lambda i: (i, 0)),
            pl.BlockSpec((_BLK, 8), lambda i: (i, 0)),
        ],
        out_shape=[
            jax.ShapeDtypeStruct((_NPAD, 128), jnp.float32),
            jax.ShapeDtypeStruct((_NPAD, 8), jnp.float32),
        ],
    )(x_pad, W1, degT)


def _tcb_body(acc_ref, g1_ref, dinv_ref, b1_ref, lw1_ref, lb1_ref,
              lw2_ref, lb2_ref, w2_ref, g2_ref):
    dinv = dinv_ref[:, 0:1]
    s = acc_ref[0] + acc_ref[1] + g1_ref[...]
    out1 = jnp.maximum(dinv * s + b1_ref[...], 0.0)
    h2 = jnp.maximum(
        jnp.dot(out1, lw1_ref[...], preferred_element_type=jnp.float32)
        + lb1_ref[...], 0.0)
    h3 = jnp.maximum(
        jnp.dot(h2, lw2_ref[...], preferred_element_type=jnp.float32)
        + lb2_ref[...], 0.0)
    g2_ref[...] = dinv * jnp.dot(h3, w2_ref[...],
                                 preferred_element_type=jnp.float32)


def _tc_b(acc1, g1, dinv8, b1, Lw1, Lb1, Lw2, Lb2, W2):
    n_blk = _NPAD // _BLK
    return pl.pallas_call(
        _tcb_body,
        grid=(n_blk,),
        in_specs=[
            pl.BlockSpec((2, _BLK, 128), lambda i: (0, i, 0)),
            pl.BlockSpec((_BLK, 128), lambda i: (i, 0)),
            pl.BlockSpec((_BLK, 8), lambda i: (i, 0)),
            pl.BlockSpec((1, 128), lambda i: (0, 0)),
            pl.BlockSpec((128, 128), lambda i: (0, 0)),
            pl.BlockSpec((1, 128), lambda i: (0, 0)),
            pl.BlockSpec((128, 128), lambda i: (0, 0)),
            pl.BlockSpec((1, 128), lambda i: (0, 0)),
            pl.BlockSpec((128, 64), lambda i: (0, 0)),
        ],
        out_specs=pl.BlockSpec((_BLK, 64), lambda i: (i, 0)),
        out_shape=jax.ShapeDtypeStruct((_NPAD, 64), jnp.float32),
    )(acc1, g1, dinv8, b1, Lw1, Lb1, Lw2, Lb2, W2)


def _tcc_body(acc_ref, g2_ref, dinv_ref, b2_ref, out_ref):
    dinv = dinv_ref[:, 0:1]
    s = acc_ref[0] + acc_ref[1] + g2_ref[...]
    out_ref[...] = dinv * s + b2_ref[...]


_CBLK = 2000


def _tc_c(acc2, g2, dinv8, b2):
    n_blk = _N // _CBLK
    return pl.pallas_call(
        _tcc_body,
        grid=(n_blk,),
        in_specs=[
            pl.BlockSpec((2, _CBLK, 64), lambda i: (0, i, 0)),
            pl.BlockSpec((_CBLK, 64), lambda i: (i, 0)),
            pl.BlockSpec((_CBLK, 8), lambda i: (i, 0)),
            pl.BlockSpec((1, 64), lambda i: (0, 0)),
        ],
        out_specs=pl.BlockSpec((_CBLK, 64), lambda i: (i, 0)),
        out_shape=jax.ShapeDtypeStruct((_N, 64), jnp.float32),
    )(acc2, g2, dinv8, b2)


def kernel(x, edge_index, W1, b1, Lw1, Lb1, Lw2, Lb2, W2, b2):
    src = edge_index[0]
    dst = edge_index[1]
    pad = jnp.full((_EPAD - _E,), _N, jnp.int32)
    srcf = jnp.concatenate([src, pad])
    dstf = jnp.concatenate([dst, pad])
    dstp = dstf.reshape(_NW, _KCH, _CH)
    ei = jnp.stack([srcf.reshape(_TCH, _SC2), dstf.reshape(_TCH, _SC2)],
                   axis=1)
    x_pad = jnp.zeros((_NPAD, 128), jnp.float32).at[:_N].set(x)

    ones128 = jnp.ones((_CH, 128), jnp.float32)
    zeros128 = jnp.zeros((_RPT, 128), jnp.float32)

    degp = _deg_sc(dstp, ones128, zeros128)
    g1, dinv8 = _tc_a(x_pad, W1, degp)
    acc1 = _scatter128(g1, ei, zeros128)
    g2 = _tc_b(acc1, g1, dinv8, b1.reshape(1, 128), Lw1,
               Lb1.reshape(1, 128), Lw2, Lb2.reshape(1, 128), W2)
    zeros64 = jnp.zeros((_RPT, 64), jnp.float32)
    acc2 = _scatter64(g2, ei, zeros64)
    return _tc_c(acc2, g2, dinv8, b2.reshape(1, 64))

# --- scband reference (transcript-rebuilt; emitter-appended) ---
"""Pipeline reference for scband-gcn-89498528514672 (READ-ONLY COPY).

The authoritative reference and input builder live on the scoring server;
editing this copy changes nothing except your own understanding.
"""

import jax, jax.numpy as jnp
import numpy as np

N = 10000
E = 320000
D_IN = 128
D_HID = 128
D_OUT = 64


def setup_inputs(seed: int = 0) -> dict:
    key = jax.random.key(seed)
    ks = jax.random.split(key, 12)
    x = jax.random.normal(ks[0], (N, D_IN), dtype=jnp.float32)
    edge_index = jax.random.randint(ks[1], (2, E), 0, N, dtype=jnp.int32)
    s1 = 1.0 / np.sqrt(D_IN)
    s2 = 1.0 / np.sqrt(D_HID)
    W1 = jax.random.uniform(ks[2], (D_IN, D_HID), jnp.float32, -s1, s1)
    b1 = jnp.zeros((D_HID,), dtype=jnp.float32)
    Lw1 = jax.random.uniform(ks[3], (D_HID, 128), jnp.float32, -s2, s2)
    Lb1 = jax.random.uniform(ks[4], (128,), jnp.float32, -s2, s2)
    Lw2 = jax.random.uniform(ks[5], (128, D_HID), jnp.float32, -1.0 / np.sqrt(128), 1.0 / np.sqrt(128))
    Lb2 = jax.random.uniform(ks[6], (D_HID,), jnp.float32, -1.0 / np.sqrt(128), 1.0 / np.sqrt(128))
    W2 = jax.random.uniform(ks[7], (D_HID, D_OUT), jnp.float32, -s2, s2)
    b2 = jnp.zeros((D_OUT,), dtype=jnp.float32)
    return {"x": x, "edge_index": edge_index, "W1": W1, "b1": b1, "Lw1": Lw1, "Lb1": Lb1, "Lw2": Lw2, "Lb2": Lb2, "W2": W2, "b2": b2}


def _gcn_conv(x, edge_index, W, b):
    # GCNConv with normalize=True: add self-loops, sym-normalize, message-pass
    src = edge_index[0]
    dst = edge_index[1]
    loop = jnp.arange(N, dtype=src.dtype)
    src2 = jnp.concatenate([src, loop])
    dst2 = jnp.concatenate([dst, loop])
    ew = jnp.ones(src2.shape[0], dtype=jnp.float32)
    deg = jnp.zeros((N,), dtype=jnp.float32).at[dst2].add(ew)
    dinv = jnp.where(deg > 0, deg ** -0.5, 0.0)
    norm = dinv[src2] * ew * dinv[dst2]
    h = x @ W
    msgs = h[src2] * norm[:, None]
    out = jnp.zeros((N, W.shape[1]), dtype=jnp.float32).at[dst2].add(msgs)
    return out + b


def reference(x, edge_index, W1, b1, Lw1, Lb1, Lw2, Lb2, W2, b2):
    # eval mode: dropout is identity
    h = jax.nn.relu(_gcn_conv(x, edge_index, W1, b1))
    h = jax.nn.relu(h @ Lw1 + Lb1)
    h = jax.nn.relu(h @ Lw2 + Lb2)
    out = _gcn_conv(h, edge_index, W2, b2)
    return out

if __name__ == "__main__":
    import jax
    _d = setup_inputs()
    print(jax.jit(kernel)(*tuple(_d.values())))

</pallas_src>

<mosaic_0001>
#map = affine_map<(d0, d1) -> (0, 0, 0)>
#map1 = affine_map<(d0, d1) -> (0, 0)>
module attributes {stable_mosaic.version = 14 : i64} {
  func.func @_deg_sc(%arg0: i32, %arg1: i32, %arg2: memref<32x80x128xi32, #tpu.memory_space<hbm>>, %arg3: memref<128x128xf32, #tpu.memory_space<hbm>>, %arg4: memref<632x128xf32, #tpu.memory_space<hbm>>, %arg5: memref<2x10112x128xf32, #tpu.memory_space<hbm>>, %arg6: memref<80x128xi32, #tpu.memory_space<vmem>>, %arg7: memref<128x128xf32, #tpu.memory_space<vmem>>, %arg8: memref<10112x128xf32, #tpu.memory_space<vmem_shared>>, %arg9: memref<!tpu.dma_semaphore, #tpu.memory_space<semaphore_mem>>) attributes {dimension_semantics = [#tpu.dimension_semantics<core_parallel>, #tpu.dimension_semantics<subcore_parallel>], iteration_bounds = array<i64: 2, 16>, scalar_prefetch = 0 : i64, scratch_operands = 4 : i64, tpu.core_type = #tpu.core_type<sc_vector_subcore>, window_params = [{transform_indices = #map}, {transform_indices = #map1}, {transform_indices = #map1}, {transform_indices = #map}]} {
    %mul3A = arith.constant 2 : i32
    %mul3A_0 = arith.muli %arg1, %mul3A : i32
    %add3A = arith.addi %mul3A_0, %arg0 : i32
    %mul3A_1 = arith.constant 632 : i32
    %mul3A_2 = arith.muli %arg1, %mul3A_1 : i32
    "tpu.region"() ({
      %run_scoped3A = tpu.sem_alloc : memref<!tpu.dma_semaphore, #tpu.memory_space<semaphore_mem>>
      %dma_start3A = arith.constant 0 : i32
      %dma_start3A_19 = tpu.memref_slice %arg8[%mul3A_2, %dma_start3A] : memref<10112x128xf32, #tpu.memory_space<vmem_shared>> -> memref<632x128xf32, #tpu.memory_space<vmem_shared>>
      tpu.enqueue_dma source(%arg4 : memref<632x128xf32, #tpu.memory_space<hbm>>) target(%dma_start3A_19 : memref<632x128xf32, #tpu.memory_space<vmem_shared>>) target_semaphore(%run_scoped3A : memref<!tpu.dma_semaphore, #tpu.memory_space<semaphore_mem>>)
      %dma_wait3A = arith.constant 0 : i32
      %dma_wait3A_20 = tpu.memref_slice %arg8[%mul3A_2, %dma_wait3A] : memref<10112x128xf32, #tpu.memory_space<vmem_shared>> -> memref<632x128xf32, #tpu.memory_space<vmem_shared>>
      tpu.wait_dma2 semaphore(%run_scoped3A : memref<!tpu.dma_semaphore, #tpu.memory_space<semaphore_mem>>) src(%arg4 : memref<632x128xf32, #tpu.memory_space<hbm>>) dst(%dma_wait3A_20 : memref<632x128xf32, #tpu.memory_space<vmem_shared>>)
      tpu.yield
    }) : () -> ()
    "tpu.region"() ({
      %run_scoped3A = tpu.sem_alloc : memref<!tpu.dma_semaphore, #tpu.memory_space<semaphore_mem>>
      %dma_start3A = arith.constant 0 : i32
      %dma_start3A_19 = arith.constant 0 : i32
      %dma_start3A_20 = tpu.memref_slice %arg2[%add3A, %dma_start3A, %dma_start3A_19] : memref<32x80x128xi32, #tpu.memory_space<hbm>> -> memref<1x80x128xi32, #tpu.memory_space<hbm>>
      %dma_start3A_21 = tpu.memref_squeeze %dma_start3A_20 : memref<1x80x128xi32, #tpu.memory_space<hbm>> -> memref<80x128xi32, #tpu.memory_space<hbm>>
      %dma_start3A_22 = arith.constant 0 : i32
      %dma_start3A_23 = arith.constant 0 : i32
      %dma_start3A_24 = tpu.memref_slice %arg2[%add3A, %dma_start3A_22, %dma_start3A_23] : memref<32x80x128xi32, #tpu.memory_space<hbm>> -> memref<1x80x128xi32, #tpu.memory_space<hbm>>
      %dma_start3A_25 = tpu.memref_squeeze %dma_start3A_24 : memref<1x80x128xi32, #tpu.memory_space<hbm>> -> memref<80x128xi32, #tpu.memory_space<hbm>>
      tpu.enqueue_dma source(%dma_start3A_25 : memref<80x128xi32, #tpu.memory_space<hbm>>) target(%arg6 : memref<80x128xi32, #tpu.memory_space<vmem>>) target_semaphore(%run_scoped3A : memref<!tpu.dma_semaphore, #tpu.memory_space<semaphore_mem>>)
      %dma_wait3A = arith.constant 0 : i32
      %dma_wait3A_26 = arith.constant 0 : i32
      %dma_wait3A_27 = tpu.memref_slice %arg2[%add3A, %dma_wait3A, %dma_wait3A_26] : memref<32x80x128xi32, #tpu.memory_space<hbm>> -> memref<1x80x128xi32, #tpu.memory_space<hbm>>
      %dma_wait3A_28 = tpu.memref_squeeze %dma_wait3A_27 : memref<1x80x128xi32, #tpu.memory_space<hbm>> -> memref<80x128xi32, #tpu.memory_space<hbm>>
      %dma_wait3A_29 = arith.constant 0 : i32
      %dma_wait3A_30 = arith.constant 0 : i32
      %dma_wait3A_31 = tpu.memref_slice %arg2[%add3A, %dma_wait3A_29, %dma_wait3A_30] : memref<32x80x128xi32, #tpu.memory_space<hbm>> -> memref<1x80x128xi32, #tpu.memory_space<hbm>>
      %dma_wait3A_32 = tpu.memref_squeeze %dma_wait3A_31 : memref<1x80x128xi32, #tpu.memory_space<hbm>> -> memref<80x128xi32, #tpu.memory_space<hbm>>
      tpu.wait_dma2 semaphore(%run_scoped3A : memref<!tpu.dma_semaphore, #tpu.memory_space<semaphore_mem>>) src(%dma_wait3A_32 : memref<80x128xi32, #tpu.memory_space<hbm>>) dst(%arg6 : memref<80x128xi32, #tpu.memory_space<vmem>>)
      tpu.yield
    }) : () -> ()
    "tpu.region"() ({
      %run_scoped3A = tpu.sem_alloc : memref<!tpu.dma_semaphore, #tpu.memory_space<semaphore_mem>>
      tpu.enqueue_dma source(%arg3 : memref<128x128xf32, #tpu.memory_space<hbm>>) target(%arg7 : memref<128x128xf32, #tpu.memory_space<vmem>>) target_semaphore(%run_scoped3A : memref<!tpu.dma_semaphore, #tpu.memory_space<semaphore_mem>>)
      tpu.wait_dma2 semaphore(%run_scoped3A : memref<!tpu.dma_semaphore, #tpu.memory_space<semaphore_mem>>) src(%arg3 : memref<128x128xf32, #tpu.memory_space<hbm>>) dst(%arg7 : memref<128x128xf32, #tpu.memory_space<vmem>>)
      tpu.yield
    }) : () -> ()
    %barrier3A = arith.constant 0 : index
    tpu.barrier barrier_id(%barrier3A)
    %scan3A = arith.constant 0 : i32
    %scan3A_3 = arith.constant 0 : i32
    %scan3A_4 = arith.constant 80 : i32
    %scan3A_5 = arith.addi %scan3A_3, %scan3A_4 : i32
    %scan3A_6 = arith.constant 1 : i32
    scf.for %scan3A_19 = %scan3A_3 to %scan3A_5 step %scan3A_6  : i32 {
      %dma_start3A = arith.constant 0 : i32
      %dma_start3A_20 = tpu.memref_slice %arg6[%scan3A_19, %dma_start3A] : memref<80x128xi32, #tpu.memory_space<vmem>> -> memref<1x128xi32, #tpu.memory_space<vmem>>
      %dma_start3A_21 = tpu.memref_squeeze %dma_start3A_20 : memref<1x128xi32, #tpu.memory_space<vmem>> -> memref<128xi32, #tpu.memory_space<vmem>>
      %dma_start3A_22 = arith.constant 0 : i32
      %dma_start3A_23 = arith.constant 0 : i32
      %dma_start3A_24 = tpu.memref_slice %arg8[%dma_start3A_22, %dma_start3A_23] : memref<10112x128xf32, #tpu.memory_space<vmem_shared>> -> memref<10112x128xf32, #tpu.memory_space<vmem_shared>>
      tpu.enqueue_indirect_dma source(%arg7 : memref<128x128xf32, #tpu.memory_space<vmem>>) target(%dma_start3A_24 : memref<10112x128xf32, #tpu.memory_space<vmem_shared>>) offsets(%dma_start3A_21 : memref<128xi32, #tpu.memory_space<vmem>>) semaphore(%arg9 : memref<!tpu.dma_semaphore, #tpu.memory_space<semaphore_mem>>) {add = true}
      %ge3A = arith.constant 4 : i32
      %ge3A_25 = arith.cmpi sge, %scan3A_19, %ge3A : i32
      %convert_element_type3A = arith.extui %ge3A_25 : i1 to i32
      %cond3A = arith.constant 0 : i32
      %cond3A_26 = arith.cmpi ne, %convert_element_type3A, %cond3A : i32
      scf.if %cond3A_26 {
        %dma_wait3A = arith.constant 0 : i32
        %dma_wait3A_27 = arith.constant 0 : i32
        %dma_wait3A_28 = tpu.memref_slice %arg6[%dma_wait3A, %dma_wait3A_27] : memref<80x128xi32, #tpu.memory_space<vmem>> -> memref<1x128xi32, #tpu.memory_space<vmem>>
        %dma_wait3A_29 = tpu.memref_squeeze %dma_wait3A_28 : memref<1x128xi32, #tpu.memory_space<vmem>> -> memref<128xi32, #tpu.memory_space<vmem>>
        %dma_wait3A_30 = arith.constant 0 : i32
        %dma_wait3A_31 = arith.constant 0 : i32
        %dma_wait3A_32 = tpu.memref_slice %arg8[%dma_wait3A_30, %dma_wait3A_31] : memref<10112x128xf32, #tpu.memory_space<vmem_shared>> -> memref<10112x128xf32, #tpu.memory_space<vmem_shared>>
        tpu.wait_indirect_dma semaphore(%arg9 : memref<!tpu.dma_semaphore, #tpu.memory_space<semaphore_mem>>) src(%arg7 : memref<128x128xf32, #tpu.memory_space<vmem>>) dst(%dma_wait3A_32 : memref<10112x128xf32, #tpu.memory_space<vmem_shared>>)
      } else {
      }
    }
    %scan3A_7 = arith.constant 80 : i32
    %scan3A_8 = arith.constant 0 : i32
    %scan3A_9 = arith.constant 0 : i32
    %scan3A_10 = arith.constant 4 : i32
    %scan3A_11 = arith.addi %scan3A_9, %scan3A_10 : i32
    %scan3A_12 = arith.constant 1 : i32
    scf.for %scan3A_19 = %scan3A_9 to %scan3A_11 step %scan3A_12  : i32 {
      %dma_wait3A = arith.constant 0 : i32
      %dma_wait3A_20 = arith.constant 0 : i32
      %dma_wait3A_21 = tpu.memref_slice %arg6[%dma_wait3A, %dma_wait3A_20] : memref<80x128xi32, #tpu.memory_space<vmem>> -> memref<1x128xi32, #tpu.memory_space<vmem>>
      %dma_wait3A_22 = tpu.memref_squeeze %dma_wait3A_21 : memref<1x128xi32, #tpu.memory_space<vmem>> -> memref<128xi32, #tpu.memory_space<vmem>>
      %dma_wait3A_23 = arith.constant 0 : i32
      %dma_wait3A_24 = arith.constant 0 : i32
      %dma_wait3A_25 = tpu.memref_slice %arg8[%dma_wait3A_23, %dma_wait3A_24] : memref<10112x128xf32, #tpu.memory_space<vmem_shared>> -> memref<10112x128xf32, #tpu.memory_space<vmem_shared>>
      tpu.wait_indirect_dma semaphore(%arg9 : memref<!tpu.dma_semaphore, #tpu.memory_space<semaphore_mem>>) src(%arg7 : memref<128x128xf32, #tpu.memory_space<vmem>>) dst(%dma_wait3A_25 : memref<10112x128xf32, #tpu.memory_space<vmem_shared>>)
    }
    %scan3A_13 = arith.constant 4 : i32
    %barrier3A_14 = arith.constant 0 : index
    tpu.barrier barrier_id(%barrier3A_14)
    %mul3A_15 = arith.constant 632 : i32
    %mul3A_16 = arith.muli %arg1, %mul3A_15 : i32
    %mul3A_17 = arith.constant 632 : i32
    %mul3A_18 = arith.muli %arg1, %mul3A_17 : i32
    "tpu.region"() ({
      %run_scoped3A = tpu.sem_alloc : memref<!tpu.dma_semaphore, #tpu.memory_space<semaphore_mem>>
      %dma_start3A = arith.constant 0 : i32
      %dma_start3A_19 = tpu.memref_slice %arg5[%arg0, %mul3A_18, %dma_start3A] : memref<2x10112x128xf32, #tpu.memory_space<hbm>> -> memref<1x632x128xf32, #tpu.memory_space<hbm>>
      %dma_start3A_20 = tpu.memref_squeeze %dma_start3A_19 : memref<1x632x128xf32, #tpu.memory_space<hbm>> -> memref<632x128xf32, #tpu.memory_space<hbm>>
      %dma_start3A_21 = arith.constant 0 : i32
      %dma_start3A_22 = tpu.memref_slice %arg8[%mul3A_16, %dma_start3A_21] : memref<10112x128xf32, #tpu.memory_space<vmem_shared>> -> memref<632x128xf32, #tpu.memory_space<vmem_shared>>
      tpu.enqueue_dma source(%dma_start3A_22 : memref<632x128xf32, #tpu.memory_space<vmem_shared>>) target(%dma_start3A_20 : memref<632x128xf32, #tpu.memory_space<hbm>>) target_semaphore(%run_scoped3A : memref<!tpu.dma_semaphore, #tpu.memory_space<semaphore_mem>>)
      %dma_wait3A = arith.constant 0 : i32
      %dma_wait3A_23 = tpu.memref_slice %arg5[%arg0, %mul3A_18, %dma_wait3A] : memref<2x10112x128xf32, #tpu.memory_space<hbm>> -> memref<1x632x128xf32, #tpu.memory_space<hbm>>
      %dma_wait3A_24 = tpu.memref_squeeze %dma_wait3A_23 : memref<1x632x128xf32, #tpu.memory_space<hbm>> -> memref<632x128xf32, #tpu.memory_space<hbm>>
      %dma_wait3A_25 = arith.constant 0 : i32
      %dma_wait3A_26 = tpu.memref_slice %arg8[%mul3A_16, %dma_wait3A_25] : memref<10112x128xf32, #tpu.memory_space<vmem_shared>> -> memref<632x128xf32, #tpu.memory_space<vmem_shared>>
      tpu.wait_dma2 semaphore(%run_scoped3A : memref<!tpu.dma_semaphore, #tpu.memory_space<semaphore_mem>>) src(%dma_wait3A_26 : memref<632x128xf32, #tpu.memory_space<vmem_shared>>) dst(%dma_wait3A_24 : memref<632x128xf32, #tpu.memory_space<hbm>>)
      tpu.yield
    }) : () -> ()
    return
  }
}

#map = affine_map<(d0, d1) -> (0, 0)>
#map1 = affine_map<(d0, d1) -> (0, 0, 0)>
module attributes {stable_mosaic.version = 14 : i64} {
  func.func @scat(%arg0: i32, %arg1: i32, %arg2: memref<10112x128xf32, #tpu.memory_space<hbm>>, %arg3: memref<5120x2x64xi32, #tpu.memory_space<hbm>>, %arg4: memref<632x128xf32, #tpu.memory_space<hbm>>, %arg5: memref<2x10112x128xf32, #tpu.memory_space<hbm>>, %arg6: memref<2x16x2x64xi32, #tpu.memory_space<vmem>>, %arg7: memref<4x64x128xf32, #tpu.memory_space<vmem>>, %arg8: memref<10112x128xf32, #tpu.memory_space<vmem_shared>>, %arg9: memref<!tpu.dma_semaphore, #tpu.memory_space<semaphore_mem>>, %arg10: memref<!tpu.dma_semaphore, #tpu.memory_space<semaphore_mem>>, %arg11: memref<!tpu.dma_semaphore, #tpu.memory_space<semaphore_mem>>, %arg12: memref<!tpu.dma_semaphore, #tpu.memory_space<semaphore_mem>>) attributes {dimension_semantics = [#tpu.dimension_semantics<core_parallel>, #tpu.dimension_semantics<subcore_parallel>], iteration_bounds = array<i64: 2, 16>, scalar_prefetch = 0 : i64, scratch_operands = 7 : i64, tpu.core_type = #tpu.core_type<sc_vector_subcore>, window_params = [{transform_indices = #map}, {transform_indices = #map1}, {transform_indices = #map}, {transform_indices = #map1}]} {
    %mul3A = arith.constant 632 : i32
    %mul3A_0 = arith.muli %arg1, %mul3A : i32
    "tpu.region"() ({
      %run_scoped3A = tpu.sem_alloc : memref<!tpu.dma_semaphore, #tpu.memory_space<semaphore_mem>>
      %dma_start3A = arith.constant 0 : i32
      %dma_start3A_23 = tpu.memref_slice %arg8[%mul3A_0, %dma_start3A] : memref<10112x128xf32, #tpu.memory_space<vmem_shared>> -> memref<632x128xf32, #tpu.memory_space<vmem_shared>>
      tpu.enqueue_dma source(%arg4 : memref<632x128xf32, #tpu.memory_space<hbm>>) target(%dma_start3A_23 : memref<632x128xf32, #tpu.memory_space<vmem_shared>>) target_semaphore(%run_scoped3A : memref<!tpu.dma_semaphore, #tpu.memory_space<semaphore_mem>>)
      %dma_wait3A = arith.constant 0 : i32
      %dma_wait3A_24 = tpu.memref_slice %arg8[%mul3A_0, %dma_wait3A] : memref<10112x128xf32, #tpu.memory_space<vmem_shared>> -> memref<632x128xf32, #tpu.memory_space<vmem_shared>>
      tpu.wait_dma2 semaphore(%run_scoped3A : memref<!tpu.dma_semaphore, #tpu.memory_space<semaphore_mem>>) src(%arg4 : memref<632x128xf32, #tpu.memory_space<hbm>>) dst(%dma_wait3A_24 : memref<632x128xf32, #tpu.memory_space<vmem_shared>>)
      tpu.yield
    }) : () -> ()
    %barrier3A = arith.constant 0 : index
    tpu.barrier barrier_id(%barrier3A)
    %mul3A_1 = arith.constant 320 : i32
    %mul3A_2 = arith.muli %arg1, %mul3A_1 : i32
    %mul3A_3 = arith.constant 224 : i32
    %mul3A_4 = arith.muli %arg0, %mul3A_3 : i32
    %add3A = arith.addi %mul3A_2, %mul3A_4 : i32
    %eq3A = arith.constant 0 : i32
    %eq3A_5 = arith.cmpi eq, %arg0, %eq3A : i32
    %jit3A = arith.constant 224 : i32
    %jit3A_6 = arith.constant 96 : i32
    %select_n3A = arith.select %eq3A_5, %jit3A, %jit3A_6 : i32
    %add3A_7 = arith.constant 3 : i32
    %add3A_8 = arith.addi %select_n3A, %add3A_7 : i32
    %while3A = arith.constant 0 : i32
    %while3A_9 = arith.constant 0 : i32
    %while3A_10 = arith.subi %add3A_8, %while3A_9 : i32
    %while3A_11 = arith.addi %while3A_9, %while3A_10 : i32
    %while3A_12 = arith.constant 1 : i32
    %while3A_13 = arith.divsi %while3A_10, %while3A_12 : i32
    %while3A_14 = arith.muli %while3A_13, %while3A_12 : i32
    %while3A_15 = arith.addi %while3A_9, %while3A_14 : i32
    %while3A_16 = arith.constant 1 : i32
    scf.for %while3A_23 = %while3A_9 to %while3A_15 step %while3A_16  : i32 {
      %lt3A = arith.cmpi slt, %while3A_23, %select_n3A : i32
      %jit3A_24 = arith.constant 16 : i32
      %eq3A_25 = arith.constant 0 : i32
      %eq3A_26 = arith.cmpi eq, %jit3A_24, %eq3A_25 : i32
      %jit3A_27 = arith.constant 1 : i32
      %select_n3A_28 = arith.select %eq3A_26, %jit3A_27, %jit3A_24 : i32
      %rem3A = arith.remsi %while3A_23, %select_n3A_28 : i32
      %ne3A = arith.constant 0 : i32
      %ne3A_29 = arith.cmpi ne, %rem3A, %ne3A : i32
      %lt3A_30 = arith.constant 0 : i32
      %lt3A_31 = arith.cmpi slt, %rem3A, %lt3A_30 : i32
      %lt3A_32 = arith.constant 0 : i32
      %lt3A_33 = arith.cmpi slt, %select_n3A_28, %lt3A_32 : i32
      %ne3A_34 = arith.xori %lt3A_31, %lt3A_33 : i1
      %and3A = arith.andi %ne3A_34, %ne3A_29 : i1
      %add3A_35 = arith.addi %rem3A, %select_n3A_28 : i32
      %select_n3A_36 = arith.select %and3A, %add3A_35, %rem3A : i32
      %eq3A_37 = arith.constant 0 : i32
      %eq3A_38 = arith.cmpi eq, %select_n3A_36, %eq3A_37 : i32
      %and3A_39 = arith.andi %lt3A, %eq3A_38 : i1
      %convert_element_type3A = arith.extui %and3A_39 : i1 to i32
      %cond3A = arith.constant 0 : i32
      %cond3A_40 = arith.cmpi ne, %convert_element_type3A, %cond3A : i32
      scf.if %cond3A_40 {
        %add3A_49 = arith.addi %add3A, %while3A_23 : i32
        %jit3A_50 = arith.constant 16 : i32
        %div3A = arith.divsi %while3A_23, %jit3A_50 : i32
        %sign3A = arith.constant 0 : i32
        %sign3A_51 = arith.cmpi sgt, %while3A_23, %sign3A : i32
        %sign3A_52 = arith.extui %sign3A_51 : i1 to i32
        %sign3A_53 = arith.constant 0 : i32
        %sign3A_54 = arith.cmpi slt, %while3A_23, %sign3A_53 : i32
        %sign3A_55 = arith.extui %sign3A_54 : i1 to i32
        %sign3A_56 = arith.subi %sign3A_52, %sign3A_55 : i32
        %sign3A_57 = arith.constant 0 : i32
        %sign3A_58 = arith.cmpi sgt, %jit3A_50, %sign3A_57 : i32
        %sign3A_59 = arith.extui %sign3A_58 : i1 to i32
        %sign3A_60 = arith.constant 0 : i32
        %sign3A_61 = arith.cmpi slt, %jit3A_50, %sign3A_60 : i32
        %sign3A_62 = arith.extui %sign3A_61 : i1 to i32
        %sign3A_63 = arith.subi %sign3A_59, %sign3A_62 : i32
        %ne3A_64 = arith.cmpi ne, %sign3A_56, %sign3A_63 : i32
        %rem3A_65 = arith.remsi %while3A_23, %jit3A_50 : i32
        %ne3A_66 = arith.constant 0 : i32
        %ne3A_67 = arith.cmpi ne, %rem3A_65, %ne3A_66 : i32
        %and3A_68 = arith.andi %ne3A_64, %ne3A_67 : i1
        %sub3A = arith.constant 1 : i32
        %sub3A_69 = arith.subi %div3A, %sub3A : i32
        %select_n3A_70 = arith.select %and3A_68, %sub3A_69, %div3A : i32
        %jit3A_71 = arith.constant 2 : i32
        %eq3A_72 = arith.constant 0 : i32
        %eq3A_73 = arith.cmpi eq, %jit3A_71, %eq3A_72 : i32
        %jit3A_74 = arith.constant 1 : i32
        %select_n3A_75 = arith.select %eq3A_73, %jit3A_74, %jit3A_71 : i32
        %rem3A_76 = arith.remsi %select_n3A_70, %select_n3A_75 : i32
        %ne3A_77 = arith.constant 0 : i32
        %ne3A_78 = arith.cmpi ne, %rem3A_76, %ne3A_77 : i32
        %lt3A_79 = arith.constant 0 : i32
        %lt3A_80 = arith.cmpi slt, %rem3A_76, %lt3A_79 : i32
        %lt3A_81 = arith.constant 0 : i32
        %lt3A_82 = arith.cmpi slt, %select_n3A_75, %lt3A_81 : i32
        %ne3A_83 = arith.xori %lt3A_80, %lt3A_82 : i1
        %and3A_84 = arith.andi %ne3A_83, %ne3A_78 : i1
        %add3A_85 = arith.addi %rem3A_76, %select_n3A_75 : i32
        %select_n3A_86 = arith.select %and3A_84, %add3A_85, %rem3A_76 : i32
        "tpu.region"() ({
          %run_scoped3A = tpu.sem_alloc : memref<!tpu.dma_semaphore, #tpu.memory_space<semaphore_mem>>
          %dma_start3A = arith.constant 0 : i32
          %dma_start3A_87 = arith.constant 0 : i32
          %dma_start3A_88 = arith.constant 0 : i32
          %dma_start3A_89 = tpu.memref_slice %arg6[%select_n3A_86, %dma_start3A, %dma_start3A_87, %dma_start3A_88] : memref<2x16x2x64xi32, #tpu.memory_space<vmem>> -> memref<1x16x2x64xi32, #tpu.memory_space<vmem>>
          %dma_start3A_90 = tpu.memref_squeeze %dma_start3A_89 : memref<1x16x2x64xi32, #tpu.memory_space<vmem>> -> memref<16x2x64xi32, #tpu.memory_space<vmem>>
          %dma_start3A_91 = arith.constant 0 : i32
          %dma_start3A_92 = arith.constant 0 : i32
          %dma_start3A_93 = tpu.memref_slice %arg3[%add3A_49, %dma_start3A_91, %dma_start3A_92] : memref<5120x2x64xi32, #tpu.memory_space<hbm>> -> memref<16x2x64xi32, #tpu.memory_space<hbm>>
          %dma_start3A_94 = arith.constant 0 : i32
          %dma_start3A_95 = arith.constant 0 : i32
          %dma_start3A_96 = arith.constant 0 : i32
          %dma_start3A_97 = tpu.memref_slice %arg6[%select_n3A_86, %dma_start3A_94, %dma_start3A_95, %dma_start3A_96] : memref<2x16x2x64xi32, #tpu.memory_space<vmem>> -> memref<1x16x2x64xi32, #tpu.memory_space<vmem>>
          %dma_start3A_98 = tpu.memref_squeeze %dma_start3A_97 : memref<1x16x2x64xi32, #tpu.memory_space<vmem>> -> memref<16x2x64xi32, #tpu.memory_space<vmem>>
          %dma_start3A_99 = arith.constant 0 : i32
          %dma_start3A_100 = arith.constant 0 : i32
          %dma_start3A_101 = tpu.memref_slice %arg3[%add3A_49, %dma_start3A_99, %dma_start3A_100] : memref<5120x2x64xi32, #tpu.memory_space<hbm>> -> memref<16x2x64xi32, #tpu.memory_space<hbm>>
          tpu.enqueue_dma source(%dma_start3A_101 : memref<16x2x64xi32, #tpu.memory_space<hbm>>) target(%dma_start3A_98 : memref<16x2x64xi32, #tpu.memory_space<vmem>>) target_semaphore(%run_scoped3A : memref<!tpu.dma_semaphore, #tpu.memory_space<semaphore_mem>>)
          %dma_wait3A = arith.constant 0 : i32
          %dma_wait3A_102 = arith.constant 0 : i32
          %dma_wait3A_103 = arith.constant 0 : i32
          %dma_wait3A_104 = tpu.memref_slice %arg6[%select_n3A_86, %dma_wait3A, %dma_wait3A_102, %dma_wait3A_103] : memref<2x16x2x64xi32, #tpu.memory_space<vmem>> -> memref<1x16x2x64xi32, #tpu.memory_space<vmem>>
          %dma_wait3A_105 = tpu.memref_squeeze %dma_wait3A_104 : memref<1x16x2x64xi32, #tpu.memory_space<vmem>> -> memref<16x2x64xi32, #tpu.memory_space<vmem>>
          %dma_wait3A_106 = arith.constant 0 : i32
          %dma_wait3A_107 = arith.constant 0 : i32
          %dma_wait3A_108 = tpu.memref_slice %arg3[%add3A_49, %dma_wait3A_106, %dma_wait3A_107] : memref<5120x2x64xi32, #tpu.memory_space<hbm>> -> memref<16x2x64xi32, #tpu.memory_space<hbm>>
          %dma_wait3A_109 = arith.constant 0 : i32
          %dma_wait3A_110 = arith.constant 0 : i32
          %dma_wait3A_111 = arith.constant 0 : i32
          %dma_wait3A_112 = tpu.memref_slice %arg6[%select_n3A_86, %dma_wait3A_109, %dma_wait3A_110, %dma_wait3A_111] : memref<2x16x2x64xi32, #tpu.memory_space<vmem>> -> memref<1x16x2x64xi32, #tpu.memory_space<vmem>>
          %dma_wait3A_113 = tpu.memref_squeeze %dma_wait3A_112 : memref<1x16x2x64xi32, #tpu.memory_space<vmem>> -> memref<16x2x64xi32, #tpu.memory_space<vmem>>
          %dma_wait3A_114 = arith.constant 0 : i32
          %dma_wait3A_115 = arith.constant 0 : i32
          %dma_wait3A_116 = tpu.memref_slice %arg3[%add3A_49, %dma_wait3A_114, %dma_wait3A_115] : memref<5120x2x64xi32, #tpu.memory_space<hbm>> -> memref<16x2x64xi32, #tpu.memory_space<hbm>>
          tpu.wait_dma2 semaphore(%run_scoped3A : memref<!tpu.dma_semaphore, #tpu.memory_space<semaphore_mem>>) src(%dma_wait3A_116 : memref<16x2x64xi32, #tpu.memory_space<hbm>>) dst(%dma_wait3A_113 : memref<16x2x64xi32, #tpu.memory_space<vmem>>)
          tpu.yield
        }) : () -> ()
      } else {
      }
      %lt3A_41 = arith.cmpi slt, %while3A_23, %select_n3A : i32
      %convert_element_type3A_42 = arith.extui %lt3A_41 : i1 to i32
      %cond3A_43 = arith.constant 0 : i32
      %cond3A_44 = arith.cmpi ne, %convert_element_type3A_42, %cond3A_43 : i32
      scf.if %cond3A_44 {
        %jit3A_49 = arith.constant 16 : i32
        %div3A = arith.divsi %while3A_23, %jit3A_49 : i32
        %sign3A = arith.constant 0 : i32
        %sign3A_50 = arith.cmpi sgt, %while3A_23, %sign3A : i32
        %sign3A_51 = arith.extui %sign3A_50 : i1 to i32
        %sign3A_52 = arith.constant 0 : i32
        %sign3A_53 = arith.cmpi slt, %while3A_23, %sign3A_52 : i32
        %sign3A_54 = arith.extui %sign3A_53 : i1 to i32
        %sign3A_55 = arith.subi %sign3A_51, %sign3A_54 : i32
        %sign3A_56 = arith.constant 0 : i32
        %sign3A_57 = arith.cmpi sgt, %jit3A_49, %sign3A_56 : i32
        %sign3A_58 = arith.extui %sign3A_57 : i1 to i32
        %sign3A_59 = arith.constant 0 : i32
        %sign3A_60 = arith.cmpi slt, %jit3A_49, %sign3A_59 : i32
        %sign3A_61 = arith.extui %sign3A_60 : i1 to i32
        %sign3A_62 = arith.subi %sign3A_58, %sign3A_61 : i32
        %ne3A_63 = arith.cmpi ne, %sign3A_55, %sign3A_62 : i32
        %rem3A_64 = arith.remsi %while3A_23, %jit3A_49 : i32
        %ne3A_65 = arith.constant 0 : i32
        %ne3A_66 = arith.cmpi ne, %rem3A_64, %ne3A_65 : i32
        %and3A_67 = arith.andi %ne3A_63, %ne3A_66 : i1
        %sub3A = arith.constant 1 : i32
        %sub3A_68 = arith.subi %div3A, %sub3A : i32
        %select_n3A_69 = arith.select %and3A_67, %sub3A_68, %div3A : i32
        %jit3A_70 = arith.constant 2 : i32
        %eq3A_71 = arith.constant 0 : i32
        %eq3A_72 = arith.cmpi eq, %jit3A_70, %eq3A_71 : i32
        %jit3A_73 = arith.constant 1 : i32
        %select_n3A_74 = arith.select %eq3A_72, %jit3A_73, %jit3A_70 : i32
        %rem3A_75 = arith.remsi %select_n3A_69, %select_n3A_74 : i32
        %ne3A_76 = arith.constant 0 : i32
        %ne3A_77 = arith.cmpi ne, %rem3A_75, %ne3A_76 : i32
        %lt3A_78 = arith.constant 0 : i32
        %lt3A_79 = arith.cmpi slt, %rem3A_75, %lt3A_78 : i32
        %lt3A_80 = arith.constant 0 : i32
        %lt3A_81 = arith.cmpi slt, %select_n3A_74, %lt3A_80 : i32
        %ne3A_82 = arith.xori %lt3A_79, %lt3A_81 : i1
        %and3A_83 = arith.andi %ne3A_82, %ne3A_77 : i1
        %add3A_84 = arith.addi %rem3A_75, %select_n3A_74 : i32
        %select_n3A_85 = arith.select %and3A_83, %add3A_84, %rem3A_75 : i32
        %jit3A_86 = arith.constant 16 : i32
        %eq3A_87 = arith.constant 0 : i32
        %eq3A_88 = arith.cmpi eq, %jit3A_86, %eq3A_87 : i32
        %jit3A_89 = arith.constant 1 : i32
        %select_n3A_90 = arith.select %eq3A_88, %jit3A_89, %jit3A_86 : i32
        %rem3A_91 = arith.remsi %while3A_23, %select_n3A_90 : i32
        %ne3A_92 = arith.constant 0 : i32
        %ne3A_93 = arith.cmpi ne, %rem3A_91, %ne3A_92 : i32
        %lt3A_94 = arith.constant 0 : i32
        %lt3A_95 = arith.cmpi slt, %rem3A_91, %lt3A_94 : i32
        %lt3A_96 = arith.constant 0 : i32
        %lt3A_97 = arith.cmpi slt, %select_n3A_90, %lt3A_96 : i32
        %ne3A_98 = arith.xori %lt3A_95, %lt3A_97 : i1
        %and3A_99 = arith.andi %ne3A_98, %ne3A_93 : i1
        %add3A_100 = arith.addi %rem3A_91, %select_n3A_90 : i32
        %select_n3A_101 = arith.select %and3A_99, %add3A_100, %rem3A_91 : i32
        %jit3A_102 = arith.constant 4 : i32
        %eq3A_103 = arith.constant 0 : i32
        %eq3A_104 = arith.cmpi eq, %jit3A_102, %eq3A_103 : i32
        %jit3A_105 = arith.constant 1 : i32
        %select_n3A_106 = arith.select %eq3A_104, %jit3A_105, %jit3A_102 : i32
        %rem3A_107 = arith.remsi %while3A_23, %select_n3A_106 : i32
        %ne3A_108 = arith.constant 0 : i32
        %ne3A_109 = arith.cmpi ne, %rem3A_107, %ne3A_108 : i32
        %lt3A_110 = arith.constant 0 : i32
        %lt3A_111 = arith.cmpi slt, %rem3A_107, %lt3A_110 : i32
        %lt3A_112 = arith.constant 0 : i32
        %lt3A_113 = arith.cmpi slt, %select_n3A_106, %lt3A_112 : i32
        %ne3A_114 = arith.xori %lt3A_111, %lt3A_113 : i1
        %and3A_115 = arith.andi %ne3A_114, %ne3A_109 : i1
        %add3A_116 = arith.addi %rem3A_107, %select_n3A_106 : i32
        %select_n3A_117 = arith.select %and3A_115, %add3A_116, %rem3A_107 : i32
        %eq3A_118 = arith.constant 0 : i32
        %eq3A_119 = arith.cmpi eq, %select_n3A_117, %eq3A_118 : i32
        %convert_element_type3A_120 = arith.extui %eq3A_119 : i1 to i32
        %cond3A_121 = arith.constant 0 : i32
        %cond3A_122 = arith.cmpi ne, %convert_element_type3A_120, %cond3A_121 : i32
        scf.if %cond3A_122 {
          %dma_start3A = arith.constant 0 : i32
          %dma_start3A_186 = arith.constant 0 : i32
          %dma_start3A_187 = arith.constant 0 : i32
          %dma_start3A_188 = arith.constant 0 : i32
          %dma_start3A_189 = tpu.memref_slice %arg7[%dma_start3A_186, %dma_start3A_187, %dma_start3A_188] : memref<4x64x128xf32, #tpu.memory_space<vmem>> -> memref<1x64x128xf32, #tpu.memory_space<vmem>>
          %dma_start3A_190 = tpu.memref_squeeze %dma_start3A_189 : memref<1x64x128xf32, #tpu.memory_space<vmem>> -> memref<64x128xf32, #tpu.memory_space<vmem>>
          %dma_start3A_191 = arith.constant 0 : i32
          %dma_start3A_192 = tpu.memref_slice %arg6[%select_n3A_85, %select_n3A_101, %dma_start3A, %dma_start3A_191] : memref<2x16x2x64xi32, #tpu.memory_space<vmem>> -> memref<1x1x1x64xi32, #tpu.memory_space<vmem>>
          %dma_start3A_193 = tpu.memref_squeeze %dma_start3A_192 : memref<1x1x1x64xi32, #tpu.memory_space<vmem>> -> memref<64xi32, #tpu.memory_space<vmem>>
          %dma_start3A_194 = arith.constant 0 : i32
          %dma_start3A_195 = arith.constant 0 : i32
          %dma_start3A_196 = tpu.memref_slice %arg2[%dma_start3A_194, %dma_start3A_195] : memref<10112x128xf32, #tpu.memory_space<hbm>> -> memref<10112x128xf32, #tpu.memory_space<hbm>>
          tpu.enqueue_indirect_dma source(%dma_start3A_196 : memref<10112x128xf32, #tpu.memory_space<hbm>>) target(%dma_start3A_190 : memref<64x128xf32, #tpu.memory_space<vmem>>) offsets(%dma_start3A_193 : memref<64xi32, #tpu.memory_space<vmem>>) semaphore(%arg9 : memref<!tpu.dma_semaphore, #tpu.memory_space<semaphore_mem>>)
        } else {
        }
        %jit3A_123 = arith.constant 4 : i32
        %eq3A_124 = arith.constant 0 : i32
        %eq3A_125 = arith.cmpi eq, %jit3A_123, %eq3A_124 : i32
        %jit3A_126 = arith.constant 1 : i32
        %select_n3A_127 = arith.select %eq3A_125, %jit3A_126, %jit3A_123 : i32
        %rem3A_128 = arith.remsi %while3A_23, %select_n3A_127 : i32
        %ne3A_129 = arith.constant 0 : i32
        %ne3A_130 = arith.cmpi ne, %rem3A_128, %ne3A_129 : i32
        %lt3A_131 = arith.constant 0 : i32
        %lt3A_132 = arith.cmpi slt, %rem3A_128, %lt3A_131 : i32
        %lt3A_133 = arith.constant 0 : i32
        %lt3A_134 = arith.cmpi slt, %select_n3A_127, %lt3A_133 : i32
        %ne3A_135 = arith.xori %lt3A_132, %lt3A_134 : i1
        %and3A_136 = arith.andi %ne3A_135, %ne3A_130 : i1
        %add3A_137 = arith.addi %rem3A_128, %select_n3A_127 : i32
        %select_n3A_138 = arith.select %and3A_136, %add3A_137, %rem3A_128 : i32
        %eq3A_139 = arith.constant 1 : i32
        %eq3A_140 = arith.cmpi eq, %select_n3A_138, %eq3A_139 : i32
        %convert_element_type3A_141 = arith.extui %eq3A_140 : i1 to i32
        %cond3A_142 = arith.constant 0 : i32
        %cond3A_143 = arith.cmpi ne, %convert_element_type3A_141, %cond3A_142 : i32
        scf.if %cond3A_143 {
          %dma_start3A = arith.constant 0 : i32
          %dma_start3A_186 = arith.constant 1 : i32
          %dma_start3A_187 = arith.constant 0 : i32
          %dma_start3A_188 = arith.constant 0 : i32
          %dma_start3A_189 = tpu.memref_slice %arg7[%dma_start3A_186, %dma_start3A_187, %dma_start3A_188] : memref<4x64x128xf32, #tpu.memory_space<vmem>> -> memref<1x64x128xf32, #tpu.memory_space<vmem>>
          %dma_start3A_190 = tpu.memref_squeeze %dma_start3A_189 : memref<1x64x128xf32, #tpu.memory_space<vmem>> -> memref<64x128xf32, #tpu.memory_space<vmem>>
          %dma_start3A_191 = arith.constant 0 : i32
          %dma_start3A_192 = tpu.memref_slice %arg6[%select_n3A_85, %select_n3A_101, %dma_start3A, %dma_start3A_191] : memref<2x16x2x64xi32, #tpu.memory_space<vmem>> -> memref<1x1x1x64xi32, #tpu.memory_space<vmem>>
          %dma_start3A_193 = tpu.memref_squeeze %dma_start3A_192 : memref<1x1x1x64xi32, #tpu.memory_space<vmem>> -> memref<64xi32, #tpu.memory_space<vmem>>
          %dma_start3A_194 = arith.constant 0 : i32
          %dma_start3A_195 = arith.constant 0 : i32
          %dma_start3A_196 = tpu.memref_slice %arg2[%dma_start3A_194, %dma_start3A_195] : memref<10112x128xf32, #tpu.memory_space<hbm>> -> memref<10112x128xf32, #tpu.memory_space<hbm>>
          tpu.enqueue_indirect_dma source(%dma_start3A_196 : memref<10112x128xf32, #tpu.memory_space<hbm>>) target(%dma_start3A_190 : memref<64x128xf32, #tpu.memory_space<vmem>>) offsets(%dma_start3A_193 : memref<64xi32, #tpu.memory_space<vmem>>) semaphore(%arg10 : memref<!tpu.dma_semaphore, #tpu.memory_space<semaphore_mem>>)
        } else {
        }
        %jit3A_144 = arith.constant 4 : i32
        %eq3A_145 = arith.constant 0 : i32
        %eq3A_146 = arith.cmpi eq, %jit3A_144, %eq3A_145 : i32
        %jit3A_147 = arith.constant 1 : i32
        %select_n3A_148 = arith.select %eq3A_146, %jit3A_147, %jit3A_144 : i32
        %rem3A_149 = arith.remsi %while3A_23, %select_n3A_148 : i32
        %ne3A_150 = arith.constant 0 : i32
        %ne3A_151 = arith.cmpi ne, %rem3A_149, %ne3A_150 : i32
        %lt3A_152 = arith.constant 0 : i32
        %lt3A_153 = arith.cmpi slt, %rem3A_149, %lt3A_152 : i32
        %lt3A_154 = arith.constant 0 : i32
        %lt3A_155 = arith.cmpi slt, %select_n3A_148, %lt3A_154 : i32
        %ne3A_156 = arith.xori %lt3A_153, %lt3A_155 : i1
        %and3A_157 = arith.andi %ne3A_156, %ne3A_151 : i1
        %add3A_158 = arith.addi %rem3A_149, %select_n3A_148 : i32
        %select_n3A_159 = arith.select %and3A_157, %add3A_158, %rem3A_149 : i32
        %eq3A_160 = arith.constant 2 : i32
        %eq3A_161 = arith.cmpi eq, %select_n3A_159, %eq3A_160 : i32
        %convert_element_type3A_162 = arith.extui %eq3A_161 : i1 to i32
        %cond3A_163 = arith.constant 0 : i32
        %cond3A_164 = arith.cmpi ne, %convert_element_type3A_162, %cond3A_163 : i32
        scf.if %cond3A_164 {
          %dma_start3A = arith.constant 0 : i32
          %dma_start3A_186 = arith.constant 2 : i32
          %dma_start3A_187 = arith.constant 0 : i32
          %dma_start3A_188 = arith.constant 0 : i32
          %dma_start3A_189 = tpu.memref_slice %arg7[%dma_start3A_186, %dma_start3A_187, %dma_start3A_188] : memref<4x64x128xf32, #tpu.memory_space<vmem>> -> memref<1x64x128xf32, #tpu.memory_space<vmem>>
          %dma_start3A_190 = tpu.memref_squeeze %dma_start3A_189 : memref<1x64x128xf32, #tpu.memory_space<vmem>> -> memref<64x128xf32, #tpu.memory_space<vmem>>
          %dma_start3A_191 = arith.constant 0 : i32
          %dma_start3A_192 = tpu.memref_slice %arg6[%select_n3A_85, %select_n3A_101, %dma_start3A, %dma_start3A_191] : memref<2x16x2x64xi32, #tpu.memory_space<vmem>> -> memref<1x1x1x64xi32, #tpu.memory_space<vmem>>
          %dma_start3A_193 = tpu.memref_squeeze %dma_start3A_192 : memref<1x1x1x64xi32, #tpu.memory_space<vmem>> -> memref<64xi32, #tpu.memory_space<vmem>>
          %dma_start3A_194 = arith.constant 0 : i32
          %dma_start3A_195 = arith.constant 0 : i32
          %dma_start3A_196 = tpu.memref_slice %arg2[%dma_start3A_194, %dma_start3A_195] : memref<10112x128xf32, #tpu.memory_space<hbm>> -> memref<10112x128xf32, #tpu.memory_space<hbm>>
          tpu.enqueue_indirect_dma source(%dma_start3A_196 : memref<10112x128xf32, #tpu.memory_space<hbm>>) target(%dma_start3A_190 : memref<64x128xf32, #tpu.memory_space<vmem>>) offsets(%dma_start3A_193 : memref<64xi32, #tpu.memory_space<vmem>>) semaphore(%arg11 : memref<!tpu.dma_semaphore, #tpu.memory_space<semaphore_mem>>)
        } else {
        }
        %jit3A_165 = arith.constant 4 : i32
        %eq3A_166 = arith.constant 0 : i32
        %eq3A_167 = arith.cmpi eq, %jit3A_165, %eq3A_166 : i32
        %jit3A_168 = arith.constant 1 : i32
        %select_n3A_169 = arith.select %eq3A_167, %jit3A_168, %jit3A_165 : i32
        %rem3A_170 = arith.remsi %while3A_23, %select_n3A_169 : i32
        %ne3A_171 = arith.constant 0 : i32
        %ne3A_172 = arith.cmpi ne, %rem3A_170, %ne3A_171 : i32
        %lt3A_173 = arith.constant 0 : i32
        %lt3A_174 = arith.cmpi slt, %rem3A_170, %lt3A_173 : i32
        %lt3A_175 = arith.constant 0 : i32
        %lt3A_176 = arith.cmpi slt, %select_n3A_169, %lt3A_175 : i32
        %ne3A_177 = arith.xori %lt3A_174, %lt3A_176 : i1
        %and3A_178 = arith.andi %ne3A_177, %ne3A_172 : i1
        %add3A_179 = arith.addi %rem3A_170, %select_n3A_169 : i32
        %select_n3A_180 = arith.select %and3A_178, %add3A_179, %rem3A_170 : i32
        %eq3A_181 = arith.constant 3 : i32
        %eq3A_182 = arith.cmpi eq, %select_n3A_180, %eq3A_181 : i32
        %convert_element_type3A_183 = arith.extui %eq3A_182 : i1 to i32
        %cond3A_184 = arith.constant 0 : i32
        %cond3A_185 = arith.cmpi ne, %convert_element_type3A_183, %cond3A_184 : i32
        scf.if %cond3A_185 {
          %dma_start3A = arith.constant 0 : i32
          %dma_start3A_186 = arith.constant 3 : i32
          %dma_start3A_187 = arith.constant 0 : i32
          %dma_start3A_188 = arith.constant 0 : i32
          %dma_start3A_189 = tpu.memref_slice %arg7[%dma_start3A_186, %dma_start3A_187, %dma_start3A_188] : memref<4x64x128xf32, #tpu.memory_space<vmem>> -> memref<1x64x128xf32, #tpu.memory_space<vmem>>
          %dma_start3A_190 = tpu.memref_squeeze %dma_start3A_189 : memref<1x64x128xf32, #tpu.memory_space<vmem>> -> memref<64x128xf32, #tpu.memory_space<vmem>>
          %dma_start3A_191 = arith.constant 0 : i32
          %dma_start3A_192 = tpu.memref_slice %arg6[%select_n3A_85, %select_n3A_101, %dma_start3A, %dma_start3A_191] : memref<2x16x2x64xi32, #tpu.memory_space<vmem>> -> memref<1x1x1x64xi32, #tpu.memory_space<vmem>>
          %dma_start3A_193 = tpu.memref_squeeze %dma_start3A_192 : memref<1x1x1x64xi32, #tpu.memory_space<vmem>> -> memref<64xi32, #tpu.memory_space<vmem>>
          %dma_start3A_194 = arith.constant 0 : i32
          %dma_start3A_195 = arith.constant 0 : i32
          %dma_start3A_196 = tpu.memref_slice %arg2[%dma_start3A_194, %dma_start3A_195] : memref<10112x128xf32, #tpu.memory_space<hbm>> -> memref<10112x128xf32, #tpu.memory_space<hbm>>
          tpu.enqueue_indirect_dma source(%dma_start3A_196 : memref<10112x128xf32, #tpu.memory_space<hbm>>) target(%dma_start3A_190 : memref<64x128xf32, #tpu.memory_space<vmem>>) offsets(%dma_start3A_193 : memref<64xi32, #tpu.memory_space<vmem>>) semaphore(%arg12 : memref<!tpu.dma_semaphore, #tpu.memory_space<semaphore_mem>>)
        } else {
        }
      } else {
      }
      %ge3A = arith.constant 3 : i32
      %ge3A_45 = arith.cmpi sge, %while3A_23, %ge3A : i32
      %convert_element_type3A_46 = arith.extui %ge3A_45 : i1 to i32
      %cond3A_47 = arith.constant 0 : i32
      %cond3A_48 = arith.cmpi ne, %convert_element_type3A_46, %cond3A_47 : i32
      scf.if %cond3A_48 {
        %sub3A = arith.constant 3 : i32
        %sub3A_49 = arith.subi %while3A_23, %sub3A : i32
        %jit3A_50 = arith.constant 16 : i32
        %div3A = arith.divsi %sub3A_49, %jit3A_50 : i32
        %sign3A = arith.constant 0 : i32
        %sign3A_51 = arith.cmpi sgt, %sub3A_49, %sign3A : i32
        %sign3A_52 = arith.extui %sign3A_51 : i1 to i32
        %sign3A_53 = arith.constant 0 : i32
        %sign3A_54 = arith.cmpi slt, %sub3A_49, %sign3A_53 : i32
        %sign3A_55 = arith.extui %sign3A_54 : i1 to i32
        %sign3A_56 = arith.subi %sign3A_52, %sign3A_55 : i32
        %sign3A_57 = arith.constant 0 : i32
        %sign3A_58 = arith.cmpi sgt, %jit3A_50, %sign3A_57 : i32
        %sign3A_59 = arith.extui %sign3A_58 : i1 to i32
        %sign3A_60 = arith.constant 0 : i32
        %sign3A_61 = arith.cmpi slt, %jit3A_50, %sign3A_60 : i32
        %sign3A_62 = arith.extui %sign3A_61 : i1 to i32
        %sign3A_63 = arith.subi %sign3A_59, %sign3A_62 : i32
        %ne3A_64 = arith.cmpi ne, %sign3A_56, %sign3A_63 : i32
        %rem3A_65 = arith.remsi %sub3A_49, %jit3A_50 : i32
        %ne3A_66 = arith.constant 0 : i32
        %ne3A_67 = arith.cmpi ne, %rem3A_65, %ne3A_66 : i32
        %and3A_68 = arith.andi %ne3A_64, %ne3A_67 : i1
        %sub3A_69 = arith.constant 1 : i32
        %sub3A_70 = arith.subi %div3A, %sub3A_69 : i32
        %select_n3A_71 = arith.select %and3A_68, %sub3A_70, %div3A : i32
        %jit3A_72 = arith.constant 2 : i32
        %eq3A_73 = arith.constant 0 : i32
        %eq3A_74 = arith.cmpi eq, %jit3A_72, %eq3A_73 : i32
        %jit3A_75 = arith.constant 1 : i32
        %select_n3A_76 = arith.select %eq3A_74, %jit3A_75, %jit3A_72 : i32
        %rem3A_77 = arith.remsi %select_n3A_71, %select_n3A_76 : i32
        %ne3A_78 = arith.constant 0 : i32
        %ne3A_79 = arith.cmpi ne, %rem3A_77, %ne3A_78 : i32
        %lt3A_80 = arith.constant 0 : i32
        %lt3A_81 = arith.cmpi slt, %rem3A_77, %lt3A_80 : i32
        %lt3A_82 = arith.constant 0 : i32
        %lt3A_83 = arith.cmpi slt, %select_n3A_76, %lt3A_82 : i32
        %ne3A_84 = arith.xori %lt3A_81, %lt3A_83 : i1
        %and3A_85 = arith.andi %ne3A_84, %ne3A_79 : i1
        %add3A_86 = arith.addi %rem3A_77, %select_n3A_76 : i32
        %select_n3A_87 = arith.select %and3A_85, %add3A_86, %rem3A_77 : i32
        %jit3A_88 = arith.constant 16 : i32
        %eq3A_89 = arith.constant 0 : i32
        %eq3A_90 = arith.cmpi eq, %jit3A_88, %eq3A_89 : i32
        %jit3A_91 = arith.constant 1 : i32
        %select_n3A_92 = arith.select %eq3A_90, %jit3A_91, %jit3A_88 : i32
        %rem3A_93 = arith.remsi %sub3A_49, %select_n3A_92 : i32
        %ne3A_94 = arith.constant 0 : i32
        %ne3A_95 = arith.cmpi ne, %rem3A_93, %ne3A_94 : i32
        %lt3A_96 = arith.constant 0 : i32
        %lt3A_97 = arith.cmpi slt, %rem3A_93, %lt3A_96 : i32
        %lt3A_98 = arith.constant 0 : i32
        %lt3A_99 = arith.cmpi slt, %select_n3A_92, %lt3A_98 : i32
        %ne3A_100 = arith.xori %lt3A_97, %lt3A_99 : i1
        %and3A_101 = arith.andi %ne3A_100, %ne3A_95 : i1
        %add3A_102 = arith.addi %rem3A_93, %select_n3A_92 : i32
        %select_n3A_103 = arith.select %and3A_101, %add3A_102, %rem3A_93 : i32
        %jit3A_104 = arith.constant 4 : i32
        %eq3A_105 = arith.constant 0 : i32
        %eq3A_106 = arith.cmpi eq, %jit3A_104, %eq3A_105 : i32
        %jit3A_107 = arith.constant 1 : i32
        %select_n3A_108 = arith.select %eq3A_106, %jit3A_107, %jit3A_104 : i32
        %rem3A_109 = arith.remsi %sub3A_49, %select_n3A_108 : i32
        %ne3A_110 = arith.constant 0 : i32
        %ne3A_111 = arith.cmpi ne, %rem3A_109, %ne3A_110 : i32
        %lt3A_112 = arith.constant 0 : i32
        %lt3A_113 = arith.cmpi slt, %rem3A_109, %lt3A_112 : i32
        %lt3A_114 = arith.constant 0 : i32
        %lt3A_115 = arith.cmpi slt, %select_n3A_108, %lt3A_114 : i32
        %ne3A_116 = arith.xori %lt3A_113, %lt3A_115 : i1
        %and3A_117 = arith.andi %ne3A_116, %ne3A_111 : i1
        %add3A_118 = arith.addi %rem3A_109, %select_n3A_108 : i32
        %select_n3A_119 = arith.select %and3A_117, %add3A_118, %rem3A_109 : i32
        %eq3A_120 = arith.constant 0 : i32
        %eq3A_121 = arith.cmpi eq, %select_n3A_119, %eq3A_120 : i32
        %convert_element_type3A_122 = arith.extui %eq3A_121 : i1 to i32
        %cond3A_123 = arith.constant 0 : i32
        %cond3A_124 = arith.cmpi ne, %convert_element_type3A_122, %cond3A_123 : i32
        scf.if %cond3A_124 {
          %dma_wait3A = arith.constant 0 : i32
          %dma_wait3A_204 = arith.constant 0 : i32
          %dma_wait3A_205 = arith.constant 0 : i32
          %dma_wait3A_206 = arith.constant 0 : i32
          %dma_wait3A_207 = arith.constant 0 : i32
          %dma_wait3A_208 = arith.constant 0 : i32
          %dma_wait3A_209 = tpu.memref_slice %arg7[%dma_wait3A_206, %dma_wait3A_207, %dma_wait3A_208] : memref<4x64x128xf32, #tpu.memory_space<vmem>> -> memref<1x64x128xf32, #tpu.memory_space<vmem>>
          %dma_wait3A_210 = tpu.memref_squeeze %dma_wait3A_209 : memref<1x64x128xf32, #tpu.memory_space<vmem>> -> memref<64x128xf32, #tpu.memory_space<vmem>>
          %dma_wait3A_211 = arith.constant 0 : i32
          %dma_wait3A_212 = tpu.memref_slice %arg6[%dma_wait3A, %dma_wait3A_204, %dma_wait3A_205, %dma_wait3A_211] : memref<2x16x2x64xi32, #tpu.memory_space<vmem>> -> memref<1x1x1x64xi32, #tpu.memory_space<vmem>>
          %dma_wait3A_213 = tpu.memref_squeeze %dma_wait3A_212 : memref<1x1x1x64xi32, #tpu.memory_space<vmem>> -> memref<64xi32, #tpu.memory_space<vmem>>
          %dma_wait3A_214 = arith.constant 0 : i32
          %dma_wait3A_215 = arith.constant 0 : i32
          %dma_wait3A_216 = tpu.memref_slice %arg2[%dma_wait3A_214, %dma_wait3A_215] : memref<10112x128xf32, #tpu.memory_space<hbm>> -> memref<10112x128xf32, #tpu.memory_space<hbm>>
          tpu.wait_indirect_dma semaphore(%arg9 : memref<!tpu.dma_semaphore, #tpu.memory_space<semaphore_mem>>) src(%dma_wait3A_216 : memref<10112x128xf32, #tpu.memory_space<hbm>>) dst(%dma_wait3A_210 : memref<64x128xf32, #tpu.memory_space<vmem>>)
        } else {
        }
        %jit3A_125 = arith.constant 4 : i32
        %eq3A_126 = arith.constant 0 : i32
        %eq3A_127 = arith.cmpi eq, %jit3A_125, %eq3A_126 : i32
        %jit3A_128 = arith.constant 1 : i32
        %select_n3A_129 = arith.select %eq3A_127, %jit3A_128, %jit3A_125 : i32
        %rem3A_130 = arith.remsi %sub3A_49, %select_n3A_129 : i32
        %ne3A_131 = arith.constant 0 : i32
        %ne3A_132 = arith.cmpi ne, %rem3A_130, %ne3A_131 : i32
        %lt3A_133 = arith.constant 0 : i32
        %lt3A_134 = arith.cmpi slt, %rem3A_130, %lt3A_133 : i32
        %lt3A_135 = arith.constant 0 : i32
        %lt3A_136 = arith.cmpi slt, %select_n3A_129, %lt3A_135 : i32
        %ne3A_137 = arith.xori %lt3A_134, %lt3A_136 : i1
        %and3A_138 = arith.andi %ne3A_137, %ne3A_132 : i1
        %add3A_139 = arith.addi %rem3A_130, %select_n3A_129 : i32
        %select_n3A_140 = arith.select %and3A_138, %add3A_139, %rem3A_130 : i32
        %eq3A_141 = arith.constant 1 : i32
        %eq3A_142 = arith.cmpi eq, %select_n3A_140, %eq3A_141 : i32
        %convert_element_type3A_143 = arith.extui %eq3A_142 : i1 to i32
        %cond3A_144 = arith.constant 0 : i32
        %cond3A_145 = arith.cmpi ne, %convert_element_type3A_143, %cond3A_144 : i32
        scf.if %cond3A_145 {
          %dma_wait3A = arith.constant 0 : i32
          %dma_wait3A_204 = arith.constant 0 : i32
          %dma_wait3A_205 = arith.constant 0 : i32
          %dma_wait3A_206 = arith.constant 1 : i32
          %dma_wait3A_207 = arith.constant 0 : i32
          %dma_wait3A_208 = arith.constant 0 : i32
          %dma_wait3A_209 = tpu.memref_slice %arg7[%dma_wait3A_206, %dma_wait3A_207, %dma_wait3A_208] : memref<4x64x128xf32, #tpu.memory_space<vmem>> -> memref<1x64x128xf32, #tpu.memory_space<vmem>>
          %dma_wait3A_210 = tpu.memref_squeeze %dma_wait3A_209 : memref<1x64x128xf32, #tpu.memory_space<vmem>> -> memref<64x128xf32, #tpu.memory_space<vmem>>
          %dma_wait3A_211 = arith.constant 0 : i32
          %dma_wait3A_212 = tpu.memref_slice %arg6[%dma_wait3A, %dma_wait3A_204, %dma_wait3A_205, %dma_wait3A_211] : memref<2x16x2x64xi32, #tpu.memory_space<vmem>> -> memref<1x1x1x64xi32, #tpu.memory_space<vmem>>
          %dma_wait3A_213 = tpu.memref_squeeze %dma_wait3A_212 : memref<1x1x1x64xi32, #tpu.memory_space<vmem>> -> memref<64xi32, #tpu.memory_space<vmem>>
          %dma_wait3A_214 = arith.constant 0 : i32
          %dma_wait3A_215 = arith.constant 0 : i32
          %dma_wait3A_216 = tpu.memref_slice %arg2[%dma_wait3A_214, %dma_wait3A_215] : memref<10112x128xf32, #tpu.memory_space<hbm>> -> memref<10112x128xf32, #tpu.memory_space<hbm>>
          tpu.wait_indirect_dma semaphore(%arg10 : memref<!tpu.dma_semaphore, #tpu.memory_space<semaphore_mem>>) src(%dma_wait3A_216 : memref<10112x128xf32, #tpu.memory_space<hbm>>) dst(%dma_wait3A_210 : memref<64x128xf32, #tpu.memory_space<vmem>>)
        } else {
        }
        %jit3A_146 = arith.constant 4 : i32
        %eq3A_147 = arith.constant 0 : i32
        %eq3A_148 = arith.cmpi eq, %jit3A_146, %eq3A_147 : i32
        %jit3A_149 = arith.constant 1 : i32
        %select_n3A_150 = arith.select %eq3A_148, %jit3A_149, %jit3A_146 : i32
        %rem3A_151 = arith.remsi %sub3A_49, %select_n3A_150 : i32
        %ne3A_152 = arith.constant 0 : i32
        %ne3A_153 = arith.cmpi ne, %rem3A_151, %ne3A_152 : i32
        %lt3A_154 = arith.constant 0 : i32
        %lt3A_155 = arith.cmpi slt, %rem3A_151, %lt3A_154 : i32
        %lt3A_156 = arith.constant 0 : i32
        %lt3A_157 = arith.cmpi slt, %select_n3A_150, %lt3A_156 : i32
        %ne3A_158 = arith.xori %lt3A_155, %lt3A_157 : i1
        %and3A_159 = arith.andi %ne3A_158, %ne3A_153 : i1
        %add3A_160 = arith.addi %rem3A_151, %select_n3A_150 : i32
        %select_n3A_161 = arith.select %and3A_159, %add3A_160, %rem3A_151 : i32
        %eq3A_162 = arith.constant 2 : i32
        %eq3A_163 = arith.cmpi eq, %select_n3A_161, %eq3A_162 : i32
        %convert_element_type3A_164 = arith.extui %eq3A_163 : i1 to i32
        %cond3A_165 = arith.constant 0 : i32
        %cond3A_166 = arith.cmpi ne, %convert_element_type3A_164, %cond3A_165 : i32
        scf.if %cond3A_166 {
          %dma_wait3A = arith.constant 0 : i32
          %dma_wait3A_204 = arith.constant 0 : i32
          %dma_wait3A_205 = arith.constant 0 : i32
          %dma_wait3A_206 = arith.constant 2 : i32
          %dma_wait3A_207 = arith.constant 0 : i32
          %dma_wait3A_208 = arith.constant 0 : i32
          %dma_wait3A_209 = tpu.memref_slice %arg7[%dma_wait3A_206, %dma_wait3A_207, %dma_wait3A_208] : memref<4x64x128xf32, #tpu.memory_space<vmem>> -> memref<1x64x128xf32, #tpu.memory_space<vmem>>
          %dma_wait3A_210 = tpu.memref_squeeze %dma_wait3A_209 : memref<1x64x128xf32, #tpu.memory_space<vmem>> -> memref<64x128xf32, #tpu.memory_space<vmem>>
          %dma_wait3A_211 = arith.constant 0 : i32
          %dma_wait3A_212 = tpu.memref_slice %arg6[%dma_wait3A, %dma_wait3A_204, %dma_wait3A_205, %dma_wait3A_211] : memref<2x16x2x64xi32, #tpu.memory_space<vmem>> -> memref<1x1x1x64xi32, #tpu.memory_space<vmem>>
          %dma_wait3A_213 = tpu.memref_squeeze %dma_wait3A_212 : memref<1x1x1x64xi32, #tpu.memory_space<vmem>> -> memref<64xi32, #tpu.memory_space<vmem>>
          %dma_wait3A_214 = arith.constant 0 : i32
          %dma_wait3A_215 = arith.constant 0 : i32
          %dma_wait3A_216 = tpu.memref_slice %arg2[%dma_wait3A_214, %dma_wait3A_215] : memref<10112x128xf32, #tpu.memory_space<hbm>> -> memref<10112x128xf32, #tpu.memory_space<hbm>>
          tpu.wait_indirect_dma semaphore(%arg11 : memref<!tpu.dma_semaphore, #tpu.memory_space<semaphore_mem>>) src(%dma_wait3A_216 : memref<10112x128xf32, #tpu.memory_space<hbm>>) dst(%dma_wait3A_210 : memref<64x128xf32, #tpu.memory_space<vmem>>)
        } else {
        }
        %jit3A_167 = arith.constant 4 : i32
        %eq3A_168 = arith.constant 0 : i32
        %eq3A_169 = arith.cmpi eq, %jit3A_167, %eq3A_168 : i32
        %jit3A_170 = arith.constant 1 : i32
        %select_n3A_171 = arith.select %eq3A_169, %jit3A_170, %jit3A_167 : i32
        %rem3A_172 = arith.remsi %sub3A_49, %select_n3A_171 : i32
        %ne3A_173 = arith.constant 0 : i32
        %ne3A_174 = arith.cmpi ne, %rem3A_172, %ne3A_173 : i32
        %lt3A_175 = arith.constant 0 : i32
        %lt3A_176 = arith.cmpi slt, %rem3A_172, %lt3A_175 : i32
        %lt3A_177 = arith.constant 0 : i32
        %lt3A_178 = arith.cmpi slt, %select_n3A_171, %lt3A_177 : i32
        %ne3A_179 = arith.xori %lt3A_176, %lt3A_178 : i1
        %and3A_180 = arith.andi %ne3A_179, %ne3A_174 : i1
        %add3A_181 = arith.addi %rem3A_172, %select_n3A_171 : i32
        %select_n3A_182 = arith.select %and3A_180, %add3A_181, %rem3A_172 : i32
        %eq3A_183 = arith.constant 3 : i32
        %eq3A_184 = arith.cmpi eq, %select_n3A_182, %eq3A_183 : i32
        %convert_element_type3A_185 = arith.extui %eq3A_184 : i1 to i32
        %cond3A_186 = arith.constant 0 : i32
        %cond3A_187 = arith.cmpi ne, %convert_element_type3A_185, %cond3A_186 : i32
        scf.if %cond3A_187 {
          %dma_wait3A = arith.constant 0 : i32
          %dma_wait3A_204 = arith.constant 0 : i32
          %dma_wait3A_205 = arith.constant 0 : i32
          %dma_wait3A_206 = arith.constant 3 : i32
          %dma_wait3A_207 = arith.constant 0 : i32
          %dma_wait3A_208 = arith.constant 0 : i32
          %dma_wait3A_209 = tpu.memref_slice %arg7[%dma_wait3A_206, %dma_wait3A_207, %dma_wait3A_208] : memref<4x64x128xf32, #tpu.memory_space<vmem>> -> memref<1x64x128xf32, #tpu.memory_space<vmem>>
          %dma_wait3A_210 = tpu.memref_squeeze %dma_wait3A_209 : memref<1x64x128xf32, #tpu.memory_space<vmem>> -> memref<64x128xf32, #tpu.memory_space<vmem>>
          %dma_wait3A_211 = arith.constant 0 : i32
          %dma_wait3A_212 = tpu.memref_slice %arg6[%dma_wait3A, %dma_wait3A_204, %dma_wait3A_205, %dma_wait3A_211] : memref<2x16x2x64xi32, #tpu.memory_space<vmem>> -> memref<1x1x1x64xi32, #tpu.memory_space<vmem>>
          %dma_wait3A_213 = tpu.memref_squeeze %dma_wait3A_212 : memref<1x1x1x64xi32, #tpu.memory_space<vmem>> -> memref<64xi32, #tpu.memory_space<vmem>>
          %dma_wait3A_214 = arith.constant 0 : i32
          %dma_wait3A_215 = arith.constant 0 : i32
          %dma_wait3A_216 = tpu.memref_slice %arg2[%dma_wait3A_214, %dma_wait3A_215] : memref<10112x128xf32, #tpu.memory_space<hbm>> -> memref<10112x128xf32, #tpu.memory_space<hbm>>
          tpu.wait_indirect_dma semaphore(%arg12 : memref<!tpu.dma_semaphore, #tpu.memory_space<semaphore_mem>>) src(%dma_wait3A_216 : memref<10112x128xf32, #tpu.memory_space<hbm>>) dst(%dma_wait3A_210 : memref<64x128xf32, #tpu.memory_space<vmem>>)
        } else {
        }
        %jit3A_188 = arith.constant 4 : i32
        %eq3A_189 = arith.constant 0 : i32
        %eq3A_190 = arith.cmpi eq, %jit3A_188, %eq3A_189 : i32
        %jit3A_191 = arith.constant 1 : i32
        %select_n3A_192 = arith.select %eq3A_190, %jit3A_191, %jit3A_188 : i32
        %rem3A_193 = arith.remsi %sub3A_49, %select_n3A_192 : i32
        %ne3A_194 = arith.constant 0 : i32
        %ne3A_195 = arith.cmpi ne, %rem3A_193, %ne3A_194 : i32
        %lt3A_196 = arith.constant 0 : i32
        %lt3A_197 = arith.cmpi slt, %rem3A_193, %lt3A_196 : i32
        %lt3A_198 = arith.constant 0 : i32
        %lt3A_199 = arith.cmpi slt, %select_n3A_192, %lt3A_198 : i32
        %ne3A_200 = arith.xori %lt3A_197, %lt3A_199 : i1
        %and3A_201 = arith.andi %ne3A_200, %ne3A_195 : i1
        %add3A_202 = arith.addi %rem3A_193, %select_n3A_192 : i32
        %select_n3A_203 = arith.select %and3A_201, %add3A_202, %rem3A_193 : i32
        %run_scoped3A = arith.constant 1 : i32
        "tpu.region"() ({
          %run_scoped3A_204 = tpu.sem_alloc : memref<!tpu.dma_semaphore, #tpu.memory_space<semaphore_mem>>
          %dma_start3A = arith.constant 0 : i32
          %dma_start3A_205 = arith.constant 0 : i32
          %dma_start3A_206 = tpu.memref_slice %arg7[%select_n3A_203, %dma_start3A, %dma_start3A_205] : memref<4x64x128xf32, #tpu.memory_space<vmem>> -> memref<1x64x128xf32, #tpu.memory_space<vmem>>
          %dma_start3A_207 = tpu.memref_squeeze %dma_start3A_206 : memref<1x64x128xf32, #tpu.memory_space<vmem>> -> memref<64x128xf32, #tpu.memory_space<vmem>>
          %dma_start3A_208 = arith.constant 0 : i32
          %dma_start3A_209 = tpu.memref_slice %arg6[%select_n3A_87, %select_n3A_103, %run_scoped3A, %dma_start3A_208] : memref<2x16x2x64xi32, #tpu.memory_space<vmem>> -> memref<1x1x1x64xi32, #tpu.memory_space<vmem>>
          %dma_start3A_210 = tpu.memref_squeeze %dma_start3A_209 : memref<1x1x1x64xi32, #tpu.memory_space<vmem>> -> memref<64xi32, #tpu.memory_space<vmem>>
          %dma_start3A_211 = arith.constant 0 : i32
          %dma_start3A_212 = arith.constant 0 : i32
          %dma_start3A_213 = tpu.memref_slice %arg8[%dma_start3A_211, %dma_start3A_212] : memref<10112x128xf32, #tpu.memory_space<vmem_shared>> -> memref<10112x128xf32, #tpu.memory_space<vmem_shared>>
          tpu.enqueue_indirect_dma source(%dma_start3A_207 : memref<64x128xf32, #tpu.memory_space<vmem>>) target(%dma_start3A_213 : memref<10112x128xf32, #tpu.memory_space<vmem_shared>>) offsets(%dma_start3A_210 : memref<64xi32, #tpu.memory_space<vmem>>) semaphore(%run_scoped3A_204 : memref<!tpu.dma_semaphore, #tpu.memory_space<semaphore_mem>>) {add = true}
          %dma_wait3A = arith.constant 0 : i32
          %dma_wait3A_214 = arith.constant 0 : i32
          %dma_wait3A_215 = tpu.memref_slice %arg7[%select_n3A_203, %dma_wait3A, %dma_wait3A_214] : memref<4x64x128xf32, #tpu.memory_space<vmem>> -> memref<1x64x128xf32, #tpu.memory_space<vmem>>
          %dma_wait3A_216 = tpu.memref_squeeze %dma_wait3A_215 : memref<1x64x128xf32, #tpu.memory_space<vmem>> -> memref<64x128xf32, #tpu.memory_space<vmem>>
          %dma_wait3A_217 = arith.constant 0 : i32
          %dma_wait3A_218 = tpu.memref_slice %arg6[%select_n3A_87, %select_n3A_103, %run_scoped3A, %dma_wait3A_217] : memref<2x16x2x64xi32, #tpu.memory_space<vmem>> -> memref<1x1x1x64xi32, #tpu.memory_space<vmem>>
          %dma_wait3A_219 = tpu.memref_squeeze %dma_wait3A_218 : memref<1x1x1x64xi32, #tpu.memory_space<vmem>> -> memref<64xi32, #tpu.memory_space<vmem>>
          %dma_wait3A_220 = arith.constant 0 : i32
          %dma_wait3A_221 = arith.constant 0 : i32
          %dma_wait3A_222 = tpu.memref_slice %arg8[%dma_wait3A_220, %dma_wait3A_221] : memref<10112x128xf32, #tpu.memory_space<vmem_shared>> -> memref<10112x128xf32, #tpu.memory_space<vmem_shared>>
          tpu.wait_indirect_dma semaphore(%run_scoped3A_204 : memref<!tpu.dma_semaphore, #tpu.memory_space<semaphore_mem>>) src(%dma_wait3A_216 : memref<64x128xf32, #tpu.memory_space<vmem>>) dst(%dma_wait3A_222 : memref<10112x128xf32, #tpu.memory_space<vmem_shared>>)
          tpu.yield
        }) : () -> ()
      } else {
      }
    }
    %while3A_17 = arith.constant 1 : i32
    scf.for %while3A_23 = %while3A_15 to %while3A_11 step %while3A_17  : i32 {
      %lt3A = arith.cmpi slt, %while3A_23, %select_n3A : i32
      %jit3A_24 = arith.constant 16 : i32
      %eq3A_25 = arith.constant 0 : i32
      %eq3A_26 = arith.cmpi eq, %jit3A_24, %eq3A_25 : i32
      %jit3A_27 = arith.constant 1 : i32
      %select_n3A_28 = arith.select %eq3A_26, %jit3A_27, %jit3A_24 : i32
      %rem3A = arith.remsi %while3A_23, %select_n3A_28 : i32
      %ne3A = arith.constant 0 : i32
      %ne3A_29 = arith.cmpi ne, %rem3A, %ne3A : i32
      %lt3A_30 = arith.constant 0 : i32
      %lt3A_31 = arith.cmpi slt, %rem3A, %lt3A_30 : i32
      %lt3A_32 = arith.constant 0 : i32
      %lt3A_33 = arith.cmpi slt, %select_n3A_28, %lt3A_32 : i32
      %ne3A_34 = arith.xori %lt3A_31, %lt3A_33 : i1
      %and3A = arith.andi %ne3A_34, %ne3A_29 : i1
      %add3A_35 = arith.addi %rem3A, %select_n3A_28 : i32
      %select_n3A_36 = arith.select %and3A, %add3A_35, %rem3A : i32
      %eq3A_37 = arith.constant 0 : i32
      %eq3A_38 = arith.cmpi eq, %select_n3A_36, %eq3A_37 : i32
      %and3A_39 = arith.andi %lt3A, %eq3A_38 : i1
      %convert_element_type3A = arith.extui %and3A_39 : i1 to i32
      %cond3A = arith.constant 0 : i32
      %cond3A_40 = arith.cmpi ne, %convert_element_type3A, %cond3A : i32
      scf.if %cond3A_40 {
        %add3A_49 = arith.addi %add3A, %while3A_23 : i32
        %jit3A_50 = arith.constant 16 : i32
        %div3A = arith.divsi %while3A_23, %jit3A_50 : i32
        %sign3A = arith.constant 0 : i32
        %sign3A_51 = arith.cmpi sgt, %while3A_23, %sign3A : i32
        %sign3A_52 = arith.extui %sign3A_51 : i1 to i32
        %sign3A_53 = arith.constant 0 : i32
        %sign3A_54 = arith.cmpi slt, %while3A_23, %sign3A_53 : i32
        %sign3A_55 = arith.extui %sign3A_54 : i1 to i32
        %sign3A_56 = arith.subi %sign3A_52, %sign3A_55 : i32
        %sign3A_57 = arith.constant 0 : i32
        %sign3A_58 = arith.cmpi sgt, %jit3A_50, %sign3A_57 : i32
        %sign3A_59 = arith.extui %sign3A_58 : i1 to i32
        %sign3A_60 = arith.constant 0 : i32
        %sign3A_61 = arith.cmpi slt, %jit3A_50, %sign3A_60 : i32
        %sign3A_62 = arith.extui %sign3A_61 : i1 to i32
        %sign3A_63 = arith.subi %sign3A_59, %sign3A_62 : i32
        %ne3A_64 = arith.cmpi ne, %sign3A_56, %sign3A_63 : i32
        %rem3A_65 = arith.remsi %while3A_23, %jit3A_50 : i32
        %ne3A_66 = arith.constant 0 : i32
        %ne3A_67 = arith.cmpi ne, %rem3A_65, %ne3A_66 : i32
        %and3A_68 = arith.andi %ne3A_64, %ne3A_67 : i1
        %sub3A = arith.constant 1 : i32
        %sub3A_69 = arith.subi %div3A, %sub3A : i32
        %select_n3A_70 = arith.select %and3A_68, %sub3A_69, %div3A : i32
        %jit3A_71 = arith.constant 2 : i32
        %eq3A_72 = arith.constant 0 : i32
        %eq3A_73 = arith.cmpi eq, %jit3A_71, %eq3A_72 : i32
        %jit3A_74 = arith.constant 1 : i32
        %select_n3A_75 = arith.select %eq3A_73, %jit3A_74, %jit3A_71 : i32
        %rem3A_76 = arith.remsi %select_n3A_70, %select_n3A_75 : i32
        %ne3A_77 = arith.constant 0 : i32
        %ne3A_78 = arith.cmpi ne, %rem3A_76, %ne3A_77 : i32
        %lt3A_79 = arith.constant 0 : i32
        %lt3A_80 = arith.cmpi slt, %rem3A_76, %lt3A_79 : i32
        %lt3A_81 = arith.constant 0 : i32
        %lt3A_82 = arith.cmpi slt, %select_n3A_75, %lt3A_81 : i32
        %ne3A_83 = arith.xori %lt3A_80, %lt3A_82 : i1
        %and3A_84 = arith.andi %ne3A_83, %ne3A_78 : i1
        %add3A_85 = arith.addi %rem3A_76, %select_n3A_75 : i32
        %select_n3A_86 = arith.select %and3A_84, %add3A_85, %rem3A_76 : i32
        "tpu.region"() ({
          %run_scoped3A = tpu.sem_alloc : memref<!tpu.dma_semaphore, #tpu.memory_space<semaphore_mem>>
          %dma_start3A = arith.constant 0 : i32
          %dma_start3A_87 = arith.constant 0 : i32
          %dma_start3A_88 = arith.constant 0 : i32
          %dma_start3A_89 = tpu.memref_slice %arg6[%select_n3A_86, %dma_start3A, %dma_start3A_87, %dma_start3A_88] : memref<2x16x2x64xi32, #tpu.memory_space<vmem>> -> memref<1x16x2x64xi32, #tpu.memory_space<vmem>>
          %dma_start3A_90 = tpu.memref_squeeze %dma_start3A_89 : memref<1x16x2x64xi32, #tpu.memory_space<vmem>> -> memref<16x2x64xi32, #tpu.memory_space<vmem>>
          %dma_start3A_91 = arith.constant 0 : i32
          %dma_start3A_92 = arith.constant 0 : i32
          %dma_start3A_93 = tpu.memref_slice %arg3[%add3A_49, %dma_start3A_91, %dma_start3A_92] : memref<5120x2x64xi32, #tpu.memory_space<hbm>> -> memref<16x2x64xi32, #tpu.memory_space<hbm>>
          %dma_start3A_94 = arith.constant 0 : i32
          %dma_start3A_95 = arith.constant 0 : i32
          %dma_start3A_96 = arith.constant 0 : i32
          %dma_start3A_97 = tpu.memref_slice %arg6[%select_n3A_86, %dma_start3A_94, %dma_start3A_95, %dma_start3A_96] : memref<2x16x2x64xi32, #tpu.memory_space<vmem>> -> memref<1x16x2x64xi32, #tpu.memory_space<vmem>>
          %dma_start3A_98 = tpu.memref_squeeze %dma_start3A_97 : memref<1x16x2x64xi32, #tpu.memory_space<vmem>> -> memref<16x2x64xi32, #tpu.memory_space<vmem>>
          %dma_start3A_99 = arith.constant 0 : i32
          %dma_start3A_100 = arith.constant 0 : i32
          %dma_start3A_101 = tpu.memref_slice %arg3[%add3A_49, %dma_start3A_99, %dma_start3A_100] : memref<5120x2x64xi32, #tpu.memory_space<hbm>> -> memref<16x2x64xi32, #tpu.memory_space<hbm>>
          tpu.enqueue_dma source(%dma_start3A_101 : memref<16x2x64xi32, #tpu.memory_space<hbm>>) target(%dma_start3A_98 : memref<16x2x64xi32, #tpu.memory_space<vmem>>) target_semaphore(%run_scoped3A : memref<!tpu.dma_semaphore, #tpu.memory_space<semaphore_mem>>)
          %dma_wait3A = arith.constant 0 : i32
          %dma_wait3A_102 = arith.constant 0 : i32
          %dma_wait3A_103 = arith.constant 0 : i32
          %dma_wait3A_104 = tpu.memref_slice %arg6[%select_n3A_86, %dma_wait3A, %dma_wait3A_102, %dma_wait3A_103] : memref<2x16x2x64xi32, #tpu.memory_space<vmem>> -> memref<1x16x2x64xi32, #tpu.memory_space<vmem>>
          %dma_wait3A_105 = tpu.memref_squeeze %dma_wait3A_104 : memref<1x16x2x64xi32, #tpu.memory_space<vmem>> -> memref<16x2x64xi32, #tpu.memory_space<vmem>>
          %dma_wait3A_106 = arith.constant 0 : i32
          %dma_wait3A_107 = arith.constant 0 : i32
          %dma_wait3A_108 = tpu.memref_slice %arg3[%add3A_49, %dma_wait3A_106, %dma_wait3A_107] : memref<5120x2x64xi32, #tpu.memory_space<hbm>> -> memref<16x2x64xi32, #tpu.memory_space<hbm>>
          %dma_wait3A_109 = arith.constant 0 : i32
          %dma_wait3A_110 = arith.constant 0 : i32
          %dma_wait3A_111 = arith.constant 0 : i32
          %dma_wait3A_112 = tpu.memref_slice %arg6[%select_n3A_86, %dma_wait3A_109, %dma_wait3A_110, %dma_wait3A_111] : memref<2x16x2x64xi32, #tpu.memory_space<vmem>> -> memref<1x16x2x64xi32, #tpu.memory_space<vmem>>
          %dma_wait3A_113 = tpu.memref_squeeze %dma_wait3A_112 : memref<1x16x2x64xi32, #tpu.memory_space<vmem>> -> memref<16x2x64xi32, #tpu.memory_space<vmem>>
          %dma_wait3A_114 = arith.constant 0 : i32
          %dma_wait3A_115 = arith.constant 0 : i32
          %dma_wait3A_116 = tpu.memref_slice %arg3[%add3A_49, %dma_wait3A_114, %dma_wait3A_115] : memref<5120x2x64xi32, #tpu.memory_space<hbm>> -> memref<16x2x64xi32, #tpu.memory_space<hbm>>
          tpu.wait_dma2 semaphore(%run_scoped3A : memref<!tpu.dma_semaphore, #tpu.memory_space<semaphore_mem>>) src(%dma_wait3A_116 : memref<16x2x64xi32, #tpu.memory_space<hbm>>) dst(%dma_wait3A_113 : memref<16x2x64xi32, #tpu.memory_space<vmem>>)
          tpu.yield
        }) : () -> ()
      } else {
      }
      %lt3A_41 = arith.cmpi slt, %while3A_23, %select_n3A : i32
      %convert_element_type3A_42 = arith.extui %lt3A_41 : i1 to i32
      %cond3A_43 = arith.constant 0 : i32
      %cond3A_44 = arith.cmpi ne, %convert_element_type3A_42, %cond3A_43 : i32
      scf.if %cond3A_44 {
        %jit3A_49 = arith.constant 16 : i32
        %div3A = arith.divsi %while3A_23, %jit3A_49 : i32
        %sign3A = arith.constant 0 : i32
        %sign3A_50 = arith.cmpi sgt, %while3A_23, %sign3A : i32
        %sign3A_51 = arith.extui %sign3A_50 : i1 to i32
        %sign3A_52 = arith.constant 0 : i32
        %sign3A_53 = arith.cmpi slt, %while3A_23, %sign3A_52 : i32
        %sign3A_54 = arith.extui %sign3A_53 : i1 to i32
        %sign3A_55 = arith.subi %sign3A_51, %sign3A_54 : i32
        %sign3A_56 = arith.constant 0 : i32
        %sign3A_57 = arith.cmpi sgt, %jit3A_49, %sign3A_56 : i32
        %sign3A_58 = arith.extui %sign3A_57 : i1 to i32
        %sign3A_59 = arith.constant 0 : i32
        %sign3A_60 = arith.cmpi slt, %jit3A_49, %sign3A_59 : i32
        %sign3A_61 = arith.extui %sign3A_60 : i1 to i32
        %sign3A_62 = arith.subi %sign3A_58, %sign3A_61 : i32
        %ne3A_63 = arith.cmpi ne, %sign3A_55, %sign3A_62 : i32
        %rem3A_64 = arith.remsi %while3A_23, %jit3A_49 : i32
        %ne3A_65 = arith.constant 0 : i32
        %ne3A_66 = arith.cmpi ne, %rem3A_64, %ne3A_65 : i32
        %and3A_67 = arith.andi %ne3A_63, %ne3A_66 : i1
        %sub3A = arith.constant 1 : i32
        %sub3A_68 = arith.subi %div3A, %sub3A : i32
        %select_n3A_69 = arith.select %and3A_67, %sub3A_68, %div3A : i32
        %jit3A_70 = arith.constant 2 : i32
        %eq3A_71 = arith.constant 0 : i32
        %eq3A_72 = arith.cmpi eq, %jit3A_70, %eq3A_71 : i32
        %jit3A_73 = arith.constant 1 : i32
        %select_n3A_74 = arith.select %eq3A_72, %jit3A_73, %jit3A_70 : i32
        %rem3A_75 = arith.remsi %select_n3A_69, %select_n3A_74 : i32
        %ne3A_76 = arith.constant 0 : i32
        %ne3A_77 = arith.cmpi ne, %rem3A_75, %ne3A_76 : i32
        %lt3A_78 = arith.constant 0 : i32
        %lt3A_79 = arith.cmpi slt, %rem3A_75, %lt3A_78 : i32
        %lt3A_80 = arith.constant 0 : i32
        %lt3A_81 = arith.cmpi slt, %select_n3A_74, %lt3A_80 : i32
        %ne3A_82 = arith.xori %lt3A_79, %lt3A_81 : i1
        %and3A_83 = arith.andi %ne3A_82, %ne3A_77 : i1
        %add3A_84 = arith.addi %rem3A_75, %select_n3A_74 : i32
        %select_n3A_85 = arith.select %and3A_83, %add3A_84, %rem3A_75 : i32
        %jit3A_86 = arith.constant 16 : i32
        %eq3A_87 = arith.constant 0 : i32
        %eq3A_88 = arith.cmpi eq, %jit3A_86, %eq3A_87 : i32
        %jit3A_89 = arith.constant 1 : i32
        %select_n3A_90 = arith.select %eq3A_88, %jit3A_89, %jit3A_86 : i32
        %rem3A_91 = arith.remsi %while3A_23, %select_n3A_90 : i32
        %ne3A_92 = arith.constant 0 : i32
        %ne3A_93 = arith.cmpi ne, %rem3A_91, %ne3A_92 : i32
        %lt3A_94 = arith.constant 0 : i32
        %lt3A_95 = arith.cmpi slt, %rem3A_91, %lt3A_94 : i32
        %lt3A_96 = arith.constant 0 : i32
        %lt3A_97 = arith.cmpi slt, %select_n3A_90, %lt3A_96 : i32
        %ne3A_98 = arith.xori %lt3A_95, %lt3A_97 : i1
        %and3A_99 = arith.andi %ne3A_98, %ne3A_93 : i1
        %add3A_100 = arith.addi %rem3A_91, %select_n3A_90 : i32
        %select_n3A_101 = arith.select %and3A_99, %add3A_100, %rem3A_91 : i32
        %jit3A_102 = arith.constant 4 : i32
        %eq3A_103 = arith.constant 0 : i32
        %eq3A_104 = arith.cmpi eq, %jit3A_102, %eq3A_103 : i32
        %jit3A_105 = arith.constant 1 : i32
        %select_n3A_106 = arith.select %eq3A_104, %jit3A_105, %jit3A_102 : i32
        %rem3A_107 = arith.remsi %while3A_23, %select_n3A_106 : i32
        %ne3A_108 = arith.constant 0 : i32
        %ne3A_109 = arith.cmpi ne, %rem3A_107, %ne3A_108 : i32
        %lt3A_110 = arith.constant 0 : i32
        %lt3A_111 = arith.cmpi slt, %rem3A_107, %lt3A_110 : i32
        %lt3A_112 = arith.constant 0 : i32
        %lt3A_113 = arith.cmpi slt, %select_n3A_106, %lt3A_112 : i32
        %ne3A_114 = arith.xori %lt3A_111, %lt3A_113 : i1
        %and3A_115 = arith.andi %ne3A_114, %ne3A_109 : i1
        %add3A_116 = arith.addi %rem3A_107, %select_n3A_106 : i32
        %select_n3A_117 = arith.select %and3A_115, %add3A_116, %rem3A_107 : i32
        %eq3A_118 = arith.constant 0 : i32
        %eq3A_119 = arith.cmpi eq, %select_n3A_117, %eq3A_118 : i32
        %convert_element_type3A_120 = arith.extui %eq3A_119 : i1 to i32
        %cond3A_121 = arith.constant 0 : i32
        %cond3A_122 = arith.cmpi ne, %convert_element_type3A_120, %cond3A_121 : i32
        scf.if %cond3A_122 {
          %dma_start3A = arith.constant 0 : i32
          %dma_start3A_186 = arith.constant 0 : i32
          %dma_start3A_187 = arith.constant 0 : i32
          %dma_start3A_188 = arith.constant 0 : i32
          %dma_start3A_189 = tpu.memref_slice %arg7[%dma_start3A_186, %dma_start3A_187, %dma_start3A_188] : memref<4x64x128xf32, #tpu.memory_space<vmem>> -> memref<1x64x128xf32, #tpu.memory_space<vmem>>
          %dma_start3A_190 = tpu.memref_squeeze %dma_start3A_189 : memref<1x64x128xf32, #tpu.memory_space<vmem>> -> memref<64x128xf32, #tpu.memory_space<vmem>>
          %dma_start3A_191 = arith.constant 0 : i32
          %dma_start3A_192 = tpu.memref_slice %arg6[%select_n3A_85, %select_n3A_101, %dma_start3A, %dma_start3A_191] : memref<2x16x2x64xi32, #tpu.memory_space<vmem>> -> memref<1x1x1x64xi32, #tpu.memory_space<vmem>>
          %dma_start3A_193 = tpu.memref_squeeze %dma_start3A_192 : memref<1x1x1x64xi32, #tpu.memory_space<vmem>> -> memref<64xi32, #tpu.memory_space<vmem>>
          %dma_start3A_194 = arith.constant 0 : i32
          %dma_start3A_195 = arith.constant 0 : i32
          %dma_start3A_196 = tpu.memref_slice %arg2[%dma_start3A_194, %dma_start3A_195] : memref<10112x128xf32, #tpu.memory_space<hbm>> -> memref<10112x128xf32, #tpu.memory_space<hbm>>
          tpu.enqueue_indirect_dma source(%dma_start3A_196 : memref<10112x128xf32, #tpu.memory_space<hbm>>) target(%dma_start3A_190 : memref<64x128xf32, #tpu.memory_space<vmem>>) offsets(%dma_start3A_193 : memref<64xi32, #tpu.memory_space<vmem>>) semaphore(%arg9 : memref<!tpu.dma_semaphore, #tpu.memory_space<semaphore_mem>>)
        } else {
        }
        %jit3A_123 = arith.constant 4 : i32
        %eq3A_124 = arith.constant 0 : i32
        %eq3A_125 = arith.cmpi eq, %jit3A_123, %eq3A_124 : i32
        %jit3A_126 = arith.constant 1 : i32
        %select_n3A_127 = arith.select %eq3A_125, %jit3A_126, %jit3A_123 : i32
        %rem3A_128 = arith.remsi %while3A_23, %select_n3A_127 : i32
        %ne3A_129 = arith.constant 0 : i32
        %ne3A_130 = arith.cmpi ne, %rem3A_128, %ne3A_129 : i32
        %lt3A_131 = arith.constant 0 : i32
        %lt3A_132 = arith.cmpi slt, %rem3A_128, %lt3A_131 : i32
        %lt3A_133 = arith.constant 0 : i32
        %lt3A_134 = arith.cmpi slt, %select_n3A_127, %lt3A_133 : i32
        %ne3A_135 = arith.xori %lt3A_132, %lt3A_134 : i1
        %and3A_136 = arith.andi %ne3A_135, %ne3A_130 : i1
        %add3A_137 = arith.addi %rem3A_128, %select_n3A_127 : i32
        %select_n3A_138 = arith.select %and3A_136, %add3A_137, %rem3A_128 : i32
        %eq3A_139 = arith.constant 1 : i32
        %eq3A_140 = arith.cmpi eq, %select_n3A_138, %eq3A_139 : i32
        %convert_element_type3A_141 = arith.extui %eq3A_140 : i1 to i32
        %cond3A_142 = arith.constant 0 : i32
        %cond3A_143 = arith.cmpi ne, %convert_element_type3A_141, %cond3A_142 : i32
        scf.if %cond3A_143 {
          %dma_start3A = arith.constant 0 : i32
          %dma_start3A_186 = arith.constant 1 : i32
          %dma_start3A_187 = arith.constant 0 : i32
          %dma_start3A_188 = arith.constant 0 : i32
          %dma_start3A_189 = tpu.memref_slice %arg7[%dma_start3A_186, %dma_start3A_187, %dma_start3A_188] : memref<4x64x128xf32, #tpu.memory_space<vmem>> -> memref<1x64x128xf32, #tpu.memory_space<vmem>>
          %dma_start3A_190 = tpu.memref_squeeze %dma_start3A_189 : memref<1x64x128xf32, #tpu.memory_space<vmem>> -> memref<64x128xf32, #tpu.memory_space<vmem>>
          %dma_start3A_191 = arith.constant 0 : i32
          %dma_start3A_192 = tpu.memref_slice %arg6[%select_n3A_85, %select_n3A_101, %dma_start3A, %dma_start3A_191] : memref<2x16x2x64xi32, #tpu.memory_space<vmem>> -> memref<1x1x1x64xi32, #tpu.memory_space<vmem>>
          %dma_start3A_193 = tpu.memref_squeeze %dma_start3A_192 : memref<1x1x1x64xi32, #tpu.memory_space<vmem>> -> memref<64xi32, #tpu.memory_space<vmem>>
          %dma_start3A_194 = arith.constant 0 : i32
          %dma_start3A_195 = arith.constant 0 : i32
          %dma_start3A_196 = tpu.memref_slice %arg2[%dma_start3A_194, %dma_start3A_195] : memref<10112x128xf32, #tpu.memory_space<hbm>> -> memref<10112x128xf32, #tpu.memory_space<hbm>>
          tpu.enqueue_indirect_dma source(%dma_start3A_196 : memref<10112x128xf32, #tpu.memory_space<hbm>>) target(%dma_start3A_190 : memref<64x128xf32, #tpu.memory_space<vmem>>) offsets(%dma_start3A_193 : memref<64xi32, #tpu.memory_space<vmem>>) semaphore(%arg10 : memref<!tpu.dma_semaphore, #tpu.memory_space<semaphore_mem>>)
        } else {
        }
        %jit3A_144 = arith.constant 4 : i32
        %eq3A_145 = arith.constant 0 : i32
        %eq3A_146 = arith.cmpi eq, %jit3A_144, %eq3A_145 : i32
        %jit3A_147 = arith.constant 1 : i32
        %select_n3A_148 = arith.select %eq3A_146, %jit3A_147, %jit3A_144 : i32
        %rem3A_149 = arith.remsi %while3A_23, %select_n3A_148 : i32
        %ne3A_150 = arith.constant 0 : i32
        %ne3A_151 = arith.cmpi ne, %rem3A_149, %ne3A_150 : i32
        %lt3A_152 = arith.constant 0 : i32
        %lt3A_153 = arith.cmpi slt, %rem3A_149, %lt3A_152 : i32
        %lt3A_154 = arith.constant 0 : i32
        %lt3A_155 = arith.cmpi slt, %select_n3A_148, %lt3A_154 : i32
        %ne3A_156 = arith.xori %lt3A_153, %lt3A_155 : i1
        %and3A_157 = arith.andi %ne3A_156, %ne3A_151 : i1
        %add3A_158 = arith.addi %rem3A_149, %select_n3A_148 : i32
        %select_n3A_159 = arith.select %and3A_157, %add3A_158, %rem3A_149 : i32
        %eq3A_160 = arith.constant 2 : i32
        %eq3A_161 = arith.cmpi eq, %select_n3A_159, %eq3A_160 : i32
        %convert_element_type3A_162 = arith.extui %eq3A_161 : i1 to i32
        %cond3A_163 = arith.constant 0 : i32
        %cond3A_164 = arith.cmpi ne, %convert_element_type3A_162, %cond3A_163 : i32
        scf.if %cond3A_164 {
          %dma_start3A = arith.constant 0 : i32
          %dma_start3A_186 = arith.constant 2 : i32
          %dma_start3A_187 = arith.constant 0 : i32
          %dma_start3A_188 = arith.constant 0 : i32
          %dma_start3A_189 = tpu.memref_slice %arg7[%dma_start3A_186, %dma_start3A_187, %dma_start3A_188] : memref<4x64x128xf32, #tpu.memory_space<vmem>> -> memref<1x64x128xf32, #tpu.memory_space<vmem>>
          %dma_start3A_190 = tpu.memref_squeeze %dma_start3A_189 : memref<1x64x128xf32, #tpu.memory_space<vmem>> -> memref<64x128xf32, #tpu.memory_space<vmem>>
          %dma_start3A_191 = arith.constant 0 : i32
          %dma_start3A_192 = tpu.memref_slice %arg6[%select_n3A_85, %select_n3A_101, %dma_start3A, %dma_start3A_191] : memref<2x16x2x64xi32, #tpu.memory_space<vmem>> -> memref<1x1x1x64xi32, #tpu.memory_space<vmem>>
          %dma_start3A_193 = tpu.memref_squeeze %dma_start3A_192 : memref<1x1x1x64xi32, #tpu.memory_space<vmem>> -> memref<64xi32, #tpu.memory_space<vmem>>
          %dma_start3A_194 = arith.constant 0 : i32
          %dma_start3A_195 = arith.constant 0 : i32
          %dma_start3A_196 = tpu.memref_slice %arg2[%dma_start3A_194, %dma_start3A_195] : memref<10112x128xf32, #tpu.memory_space<hbm>> -> memref<10112x128xf32, #tpu.memory_space<hbm>>
          tpu.enqueue_indirect_dma source(%dma_start3A_196 : memref<10112x128xf32, #tpu.memory_space<hbm>>) target(%dma_start3A_190 : memref<64x128xf32, #tpu.memory_space<vmem>>) offsets(%dma_start3A_193 : memref<64xi32, #tpu.memory_space<vmem>>) semaphore(%arg11 : memref<!tpu.dma_semaphore, #tpu.memory_space<semaphore_mem>>)
        } else {
        }
        %jit3A_165 = arith.constant 4 : i32
        %eq3A_166 = arith.constant 0 : i32
        %eq3A_167 = arith.cmpi eq, %jit3A_165, %eq3A_166 : i32
        %jit3A_168 = arith.constant 1 : i32
        %select_n3A_169 = arith.select %eq3A_167, %jit3A_168, %jit3A_165 : i32
        %rem3A_170 = arith.remsi %while3A_23, %select_n3A_169 : i32
        %ne3A_171 = arith.constant 0 : i32
        %ne3A_172 = arith.cmpi ne, %rem3A_170, %ne3A_171 : i32
        %lt3A_173 = arith.constant 0 : i32
        %lt3A_174 = arith.cmpi slt, %rem3A_170, %lt3A_173 : i32
        %lt3A_175 = arith.constant 0 : i32
        %lt3A_176 = arith.cmpi slt, %select_n3A_169, %lt3A_175 : i32
        %ne3A_177 = arith.xori %lt3A_174, %lt3A_176 : i1
        %and3A_178 = arith.andi %ne3A_177, %ne3A_172 : i1
        %add3A_179 = arith.addi %rem3A_170, %select_n3A_169 : i32
        %select_n3A_180 = arith.select %and3A_178, %add3A_179, %rem3A_170 : i32
        %eq3A_181 = arith.constant 3 : i32
        %eq3A_182 = arith.cmpi eq, %select_n3A_180, %eq3A_181 : i32
        %convert_element_type3A_183 = arith.extui %eq3A_182 : i1 to i32
        %cond3A_184 = arith.constant 0 : i32
        %cond3A_185 = arith.cmpi ne, %convert_element_type3A_183, %cond3A_184 : i32
        scf.if %cond3A_185 {
          %dma_start3A = arith.constant 0 : i32
          %dma_start3A_186 = arith.constant 3 : i32
          %dma_start3A_187 = arith.constant 0 : i32
          %dma_start3A_188 = arith.constant 0 : i32
          %dma_start3A_189 = tpu.memref_slice %arg7[%dma_start3A_186, %dma_start3A_187, %dma_start3A_188] : memref<4x64x128xf32, #tpu.memory_space<vmem>> -> memref<1x64x128xf32, #tpu.memory_space<vmem>>
          %dma_start3A_190 = tpu.memref_squeeze %dma_start3A_189 : memref<1x64x128xf32, #tpu.memory_space<vmem>> -> memref<64x128xf32, #tpu.memory_space<vmem>>
          %dma_start3A_191 = arith.constant 0 : i32
          %dma_start3A_192 = tpu.memref_slice %arg6[%select_n3A_85, %select_n3A_101, %dma_start3A, %dma_start3A_191] : memref<2x16x2x64xi32, #tpu.memory_space<vmem>> -> memref<1x1x1x64xi32, #tpu.memory_space<vmem>>
          %dma_start3A_193 = tpu.memref_squeeze %dma_start3A_192 : memref<1x1x1x64xi32, #tpu.memory_space<vmem>> -> memref<64xi32, #tpu.memory_space<vmem>>
          %dma_start3A_194 = arith.constant 0 : i32
          %dma_start3A_195 = arith.constant 0 : i32
          %dma_start3A_196 = tpu.memref_slice %arg2[%dma_start3A_194, %dma_start3A_195] : memref<10112x128xf32, #tpu.memory_space<hbm>> -> memref<10112x128xf32, #tpu.memory_space<hbm>>
          tpu.enqueue_indirect_dma source(%dma_start3A_196 : memref<10112x128xf32, #tpu.memory_space<hbm>>) target(%dma_start3A_190 : memref<64x128xf32, #tpu.memory_space<vmem>>) offsets(%dma_start3A_193 : memref<64xi32, #tpu.memory_space<vmem>>) semaphore(%arg12 : memref<!tpu.dma_semaphore, #tpu.memory_space<semaphore_mem>>)
        } else {
        }
      } else {
      }
      %ge3A = arith.constant 3 : i32
      %ge3A_45 = arith.cmpi sge, %while3A_23, %ge3A : i32
      %convert_element_type3A_46 = arith.extui %ge3A_45 : i1 to i32
      %cond3A_47 = arith.constant 0 : i32
      %cond3A_48 = arith.cmpi ne, %convert_element_type3A_46, %cond3A_47 : i32
      scf.if %cond3A_48 {
        %sub3A = arith.constant 3 : i32
        %sub3A_49 = arith.subi %while3A_23, %sub3A : i32
        %jit3A_50 = arith.constant 16 : i32
        %div3A = arith.divsi %sub3A_49, %jit3A_50 : i32
        %sign3A = arith.constant 0 : i32
        %sign3A_51 = arith.cmpi sgt, %sub3A_49, %sign3A : i32
        %sign3A_52 = arith.extui %sign3A_51 : i1 to i32
        %sign3A_53 = arith.constant 0 : i32
        %sign3A_54 = arith.cmpi slt, %sub3A_49, %sign3A_53 : i32
        %sign3A_55 = arith.extui %sign3A_54 : i1 to i32
        %sign3A_56 = arith.subi %sign3A_52, %sign3A_55 : i32
        %sign3A_57 = arith.constant 0 : i32
        %sign3A_58 = arith.cmpi sgt, %jit3A_50, %sign3A_57 : i32
        %sign3A_59 = arith.extui %sign3A_58 : i1 to i32
        %sign3A_60 = arith.constant 0 : i32
        %sign3A_61 = arith.cmpi slt, %jit3A_50, %sign3A_60 : i32
        %sign3A_62 = arith.extui %sign3A_61 : i1 to i32
        %sign3A_63 = arith.subi %sign3A_59, %sign3A_62 : i32
        %ne3A_64 = arith.cmpi ne, %sign3A_56, %sign3A_63 : i32
        %rem3A_65 = arith.remsi %sub3A_49, %jit3A_50 : i32
        %ne3A_66 = arith.constant 0 : i32
        %ne3A_67 = arith.cmpi ne, %rem3A_65, %ne3A_66 : i32
        %and3A_68 = arith.andi %ne3A_64, %ne3A_67 : i1
        %sub3A_69 = arith.constant 1 : i32
        %sub3A_70 = arith.subi %div3A, %sub3A_69 : i32
        %select_n3A_71 = arith.select %and3A_68, %sub3A_70, %div3A : i32
        %jit3A_72 = arith.constant 2 : i32
        %eq3A_73 = arith.constant 0 : i32
        %eq3A_74 = arith.cmpi eq, %jit3A_72, %eq3A_73 : i32
        %jit3A_75 = arith.constant 1 : i32
        %select_n3A_76 = arith.select %eq3A_74, %jit3A_75, %jit3A_72 : i32
        %rem3A_77 = arith.remsi %select_n3A_71, %select_n3A_76 : i32
        %ne3A_78 = arith.constant 0 : i32
        %ne3A_79 = arith.cmpi ne, %rem3A_77, %ne3A_78 : i32
        %lt3A_80 = arith.constant 0 : i32
        %lt3A_81 = arith.cmpi slt, %rem3A_77, %lt3A_80 : i32
        %lt3A_82 = arith.constant 0 : i32
        %lt3A_83 = arith.cmpi slt, %select_n3A_76, %lt3A_82 : i32
        %ne3A_84 = arith.xori %lt3A_81, %lt3A_83 : i1
        %and3A_85 = arith.andi %ne3A_84, %ne3A_79 : i1
        %add3A_86 = arith.addi %rem3A_77, %select_n3A_76 : i32
        %select_n3A_87 = arith.select %and3A_85, %add3A_86, %rem3A_77 : i32
        %jit3A_88 = arith.constant 16 : i32
        %eq3A_89 = arith.constant 0 : i32
        %eq3A_90 = arith.cmpi eq, %jit3A_88, %eq3A_89 : i32
        %jit3A_91 = arith.constant 1 : i32
        %select_n3A_92 = arith.select %eq3A_90, %jit3A_91, %jit3A_88 : i32
        %rem3A_93 = arith.remsi %sub3A_49, %select_n3A_92 : i32
        %ne3A_94 = arith.constant 0 : i32
        %ne3A_95 = arith.cmpi ne, %rem3A_93, %ne3A_94 : i32
        %lt3A_96 = arith.constant 0 : i32
        %lt3A_97 = arith.cmpi slt, %rem3A_93, %lt3A_96 : i32
        %lt3A_98 = arith.constant 0 : i32
        %lt3A_99 = arith.cmpi slt, %select_n3A_92, %lt3A_98 : i32
        %ne3A_100 = arith.xori %lt3A_97, %lt3A_99 : i1
        %and3A_101 = arith.andi %ne3A_100, %ne3A_95 : i1
        %add3A_102 = arith.addi %rem3A_93, %select_n3A_92 : i32
        %select_n3A_103 = arith.select %and3A_101, %add3A_102, %rem3A_93 : i32
        %jit3A_104 = arith.constant 4 : i32
        %eq3A_105 = arith.constant 0 : i32
        %eq3A_106 = arith.cmpi eq, %jit3A_104, %eq3A_105 : i32
        %jit3A_107 = arith.constant 1 : i32
        %select_n3A_108 = arith.select %eq3A_106, %jit3A_107, %jit3A_104 : i32
        %rem3A_109 = arith.remsi %sub3A_49, %select_n3A_108 : i32
        %ne3A_110 = arith.constant 0 : i32
        %ne3A_111 = arith.cmpi ne, %rem3A_109, %ne3A_110 : i32
        %lt3A_112 = arith.constant 0 : i32
        %lt3A_113 = arith.cmpi slt, %rem3A_109, %lt3A_112 : i32
        %lt3A_114 = arith.constant 0 : i32
        %lt3A_115 = arith.cmpi slt, %select_n3A_108, %lt3A_114 : i32
        %ne3A_116 = arith.xori %lt3A_113, %lt3A_115 : i1
        %and3A_117 = arith.andi %ne3A_116, %ne3A_111 : i1
        %add3A_118 = arith.addi %rem3A_109, %select_n3A_108 : i32
        %select_n3A_119 = arith.select %and3A_117, %add3A_118, %rem3A_109 : i32
        %eq3A_120 = arith.constant 0 : i32
        %eq3A_121 = arith.cmpi eq, %select_n3A_119, %eq3A_120 : i32
        %convert_element_type3A_122 = arith.extui %eq3A_121 : i1 to i32
        %cond3A_123 = arith.constant 0 : i32
        %cond3A_124 = arith.cmpi ne, %convert_element_type3A_122, %cond3A_123 : i32
        scf.if %cond3A_124 {
          %dma_wait3A = arith.constant 0 : i32
          %dma_wait3A_204 = arith.constant 0 : i32
          %dma_wait3A_205 = arith.constant 0 : i32
          %dma_wait3A_206 = arith.constant 0 : i32
          %dma_wait3A_207 = arith.constant 0 : i32
          %dma_wait3A_208 = arith.constant 0 : i32
          %dma_wait3A_209 = tpu.memref_slice %arg7[%dma_wait3A_206, %dma_wait3A_207, %dma_wait3A_208] : memref<4x64x128xf32, #tpu.memory_space<vmem>> -> memref<1x64x128xf32, #tpu.memory_space<vmem>>
          %dma_wait3A_210 = tpu.memref_squeeze %dma_wait3A_209 : memref<1x64x128xf32, #tpu.memory_space<vmem>> -> memref<64x128xf32, #tpu.memory_space<vmem>>
          %dma_wait3A_211 = arith.constant 0 : i32
          %dma_wait3A_212 = tpu.memref_slice %arg6[%dma_wait3A, %dma_wait3A_204, %dma_wait3A_205, %dma_wait3A_211] : memref<2x16x2x64xi32, #tpu.memory_space<vmem>> -> memref<1x1x1x64xi32, #tpu.memory_space<vmem>>
          %dma_wait3A_213 = tpu.memref_squeeze %dma_wait3A_212 : memref<1x1x1x64xi32, #tpu.memory_space<vmem>> -> memref<64xi32, #tpu.memory_space<vmem>>
          %dma_wait3A_214 = arith.constant 0 : i32
          %dma_wait3A_215 = arith.constant 0 : i32
          %dma_wait3A_216 = tpu.memref_slice %arg2[%dma_wait3A_214, %dma_wait3A_215] : memref<10112x128xf32, #tpu.memory_space<hbm>> -> memref<10112x128xf32, #tpu.memory_space<hbm>>
          tpu.wait_indirect_dma semaphore(%arg9 : memref<!tpu.dma_semaphore, #tpu.memory_space<semaphore_mem>>) src(%dma_wait3A_216 : memref<10112x128xf32, #tpu.memory_space<hbm>>) dst(%dma_wait3A_210 : memref<64x128xf32, #tpu.memory_space<vmem>>)
        } else {
        }
        %jit3A_125 = arith.constant 4 : i32
        %eq3A_126 = arith.constant 0 : i32
        %eq3A_127 = arith.cmpi eq, %jit3A_125, %eq3A_126 : i32
        %jit3A_128 = arith.constant 1 : i32
        %select_n3A_129 = arith.select %eq3A_127, %jit3A_128, %jit3A_125 : i32
        %rem3A_130 = arith.remsi %sub3A_49, %select_n3A_129 : i32
        %ne3A_131 = arith.constant 0 : i32
        %ne3A_132 = arith.cmpi ne, %rem3A_130, %ne3A_131 : i32
        %lt3A_133 = arith.constant 0 : i32
        %lt3A_134 = arith.cmpi slt, %rem3A_130, %lt3A_133 : i32
        %lt3A_135 = arith.constant 0 : i32
        %lt3A_136 = arith.cmpi slt, %select_n3A_129, %lt3A_135 : i32
        %ne3A_137 = arith.xori %lt3A_134, %lt3A_136 : i1
        %and3A_138 = arith.andi %ne3A_137, %ne3A_132 : i1
        %add3A_139 = arith.addi %rem3A_130, %select_n3A_129 : i32
        %select_n3A_140 = arith.select %and3A_138, %add3A_139, %rem3A_130 : i32
        %eq3A_141 = arith.constant 1 : i32
        %eq3A_142 = arith.cmpi eq, %select_n3A_140, %eq3A_141 : i32
        %convert_element_type3A_143 = arith.extui %eq3A_142 : i1 to i32
        %cond3A_144 = arith.constant 0 : i32
        %cond3A_145 = arith.cmpi ne, %convert_element_type3A_143, %cond3A_144 : i32
        scf.if %cond3A_145 {
          %dma_wait3A = arith.constant 0 : i32
          %dma_wait3A_204 = arith.constant 0 : i32
          %dma_wait3A_205 = arith.constant 0 : i32
          %dma_wait3A_206 = arith.constant 1 : i32
          %dma_wait3A_207 = arith.constant 0 : i32
          %dma_wait3A_208 = arith.constant 0 : i32
          %dma_wait3A_209 = tpu.memref_slice %arg7[%dma_wait3A_206, %dma_wait3A_207, %dma_wait3A_208] : memref<4x64x128xf32, #tpu.memory_space<vmem>> -> memref<1x64x128xf32, #tpu.memory_space<vmem>>
          %dma_wait3A_210 = tpu.memref_squeeze %dma_wait3A_209 : memref<1x64x128xf32, #tpu.memory_space<vmem>> -> memref<64x128xf32, #tpu.memory_space<vmem>>
          %dma_wait3A_211 = arith.constant 0 : i32
          %dma_wait3A_212 = tpu.memref_slice %arg6[%dma_wait3A, %dma_wait3A_204, %dma_wait3A_205, %dma_wait3A_211] : memref<2x16x2x64xi32, #tpu.memory_space<vmem>> -> memref<1x1x1x64xi32, #tpu.memory_space<vmem>>
          %dma_wait3A_213 = tpu.memref_squeeze %dma_wait3A_212 : memref<1x1x1x64xi32, #tpu.memory_space<vmem>> -> memref<64xi32, #tpu.memory_space<vmem>>
          %dma_wait3A_214 = arith.constant 0 : i32
          %dma_wait3A_215 = arith.constant 0 : i32
          %dma_wait3A_216 = tpu.memref_slice %arg2[%dma_wait3A_214, %dma_wait3A_215] : memref<10112x128xf32, #tpu.memory_space<hbm>> -> memref<10112x128xf32, #tpu.memory_space<hbm>>
          tpu.wait_indirect_dma semaphore(%arg10 : memref<!tpu.dma_semaphore, #tpu.memory_space<semaphore_mem>>) src(%dma_wait3A_216 : memref<10112x128xf32, #tpu.memory_space<hbm>>) dst(%dma_wait3A_210 : memref<64x128xf32, #tpu.memory_space<vmem>>)
        } else {
        }
        %jit3A_146 = arith.constant 4 : i32
        %eq3A_147 = arith.constant 0 : i32
        %eq3A_148 = arith.cmpi eq, %jit3A_146, %eq3A_147 : i32
        %jit3A_149 = arith.constant 1 : i32
        %select_n3A_150 = arith.select %eq3A_148, %jit3A_149, %jit3A_146 : i32
        %rem3A_151 = arith.remsi %sub3A_49, %select_n3A_150 : i32
        %ne3A_152 = arith.constant 0 : i32
        %ne3A_153 = arith.cmpi ne, %rem3A_151, %ne3A_152 : i32
        %lt3A_154 = arith.constant 0 : i32
        %lt3A_155 = arith.cmpi slt, %rem3A_151, %lt3A_154 : i32
        %lt3A_156 = arith.constant 0 : i32
        %lt3A_157 = arith.cmpi slt, %select_n3A_150, %lt3A_156 : i32
        %ne3A_158 = arith.xori %lt3A_155, %lt3A_157 : i1
        %and3A_159 = arith.andi %ne3A_158, %ne3A_153 : i1
        %add3A_160 = arith.addi %rem3A_151, %select_n3A_150 : i32
        %select_n3A_161 = arith.select %and3A_159, %add3A_160, %rem3A_151 : i32
        %eq3A_162 = arith.constant 2 : i32
        %eq3A_163 = arith.cmpi eq, %select_n3A_161, %eq3A_162 : i32
        %convert_element_type3A_164 = arith.extui %eq3A_163 : i1 to i32
        %cond3A_165 = arith.constant 0 : i32
        %cond3A_166 = arith.cmpi ne, %convert_element_type3A_164, %cond3A_165 : i32
        scf.if %cond3A_166 {
          %dma_wait3A = arith.constant 0 : i32
          %dma_wait3A_204 = arith.constant 0 : i32
          %dma_wait3A_205 = arith.constant 0 : i32
          %dma_wait3A_206 = arith.constant 2 : i32
          %dma_wait3A_207 = arith.constant 0 : i32
          %dma_wait3A_208 = arith.constant 0 : i32
          %dma_wait3A_209 = tpu.memref_slice %arg7[%dma_wait3A_206, %dma_wait3A_207, %dma_wait3A_208] : memref<4x64x128xf32, #tpu.memory_space<vmem>> -> memref<1x64x128xf32, #tpu.memory_space<vmem>>
          %dma_wait3A_210 = tpu.memref_squeeze %dma_wait3A_209 : memref<1x64x128xf32, #tpu.memory_space<vmem>> -> memref<64x128xf32, #tpu.memory_space<vmem>>
          %dma_wait3A_211 = arith.constant 0 : i32
          %dma_wait3A_212 = tpu.memref_slice %arg6[%dma_wait3A, %dma_wait3A_204, %dma_wait3A_205, %dma_wait3A_211] : memref<2x16x2x64xi32, #tpu.memory_space<vmem>> -> memref<1x1x1x64xi32, #tpu.memory_space<vmem>>
          %dma_wait3A_213 = tpu.memref_squeeze %dma_wait3A_212 : memref<1x1x1x64xi32, #tpu.memory_space<vmem>> -> memref<64xi32, #tpu.memory_space<vmem>>
          %dma_wait3A_214 = arith.constant 0 : i32
          %dma_wait3A_215 = arith.constant 0 : i32
          %dma_wait3A_216 = tpu.memref_slice %arg2[%dma_wait3A_214, %dma_wait3A_215] : memref<10112x128xf32, #tpu.memory_space<hbm>> -> memref<10112x128xf32, #tpu.memory_space<hbm>>
          tpu.wait_indirect_dma semaphore(%arg11 : memref<!tpu.dma_semaphore, #tpu.memory_space<semaphore_mem>>) src(%dma_wait3A_216 : memref<10112x128xf32, #tpu.memory_space<hbm>>) dst(%dma_wait3A_210 : memref<64x128xf32, #tpu.memory_space<vmem>>)
        } else {
        }
        %jit3A_167 = arith.constant 4 : i32
        %eq3A_168 = arith.constant 0 : i32
        %eq3A_169 = arith.cmpi eq, %jit3A_167, %eq3A_168 : i32
        %jit3A_170 = arith.constant 1 : i32
        %select_n3A_171 = arith.select %eq3A_169, %jit3A_170, %jit3A_167 : i32
        %rem3A_172 = arith.remsi %sub3A_49, %select_n3A_171 : i32
        %ne3A_173 = arith.constant 0 : i32
        %ne3A_174 = arith.cmpi ne, %rem3A_172, %ne3A_173 : i32
        %lt3A_175 = arith.constant 0 : i32
        %lt3A_176 = arith.cmpi slt, %rem3A_172, %lt3A_175 : i32
        %lt3A_177 = arith.constant 0 : i32
        %lt3A_178 = arith.cmpi slt, %select_n3A_171, %lt3A_177 : i32
        %ne3A_179 = arith.xori %lt3A_176, %lt3A_178 : i1
        %and3A_180 = arith.andi %ne3A_179, %ne3A_174 : i1
        %add3A_181 = arith.addi %rem3A_172, %select_n3A_171 : i32
        %select_n3A_182 = arith.select %and3A_180, %add3A_181, %rem3A_172 : i32
        %eq3A_183 = arith.constant 3 : i32
        %eq3A_184 = arith.cmpi eq, %select_n3A_182, %eq3A_183 : i32
        %convert_element_type3A_185 = arith.extui %eq3A_184 : i1 to i32
        %cond3A_186 = arith.constant 0 : i32
        %cond3A_187 = arith.cmpi ne, %convert_element_type3A_185, %cond3A_186 : i32
        scf.if %cond3A_187 {
          %dma_wait3A = arith.constant 0 : i32
          %dma_wait3A_204 = arith.constant 0 : i32
          %dma_wait3A_205 = arith.constant 0 : i32
          %dma_wait3A_206 = arith.constant 3 : i32
          %dma_wait3A_207 = arith.constant 0 : i32
          %dma_wait3A_208 = arith.constant 0 : i32
          %dma_wait3A_209 = tpu.memref_slice %arg7[%dma_wait3A_206, %dma_wait3A_207, %dma_wait3A_208] : memref<4x64x128xf32, #tpu.memory_space<vmem>> -> memref<1x64x128xf32, #tpu.memory_space<vmem>>
          %dma_wait3A_210 = tpu.memref_squeeze %dma_wait3A_209 : memref<1x64x128xf32, #tpu.memory_space<vmem>> -> memref<64x128xf32, #tpu.memory_space<vmem>>
          %dma_wait3A_211 = arith.constant 0 : i32
          %dma_wait3A_212 = tpu.memref_slice %arg6[%dma_wait3A, %dma_wait3A_204, %dma_wait3A_205, %dma_wait3A_211] : memref<2x16x2x64xi32, #tpu.memory_space<vmem>> -> memref<1x1x1x64xi32, #tpu.memory_space<vmem>>
          %dma_wait3A_213 = tpu.memref_squeeze %dma_wait3A_212 : memref<1x1x1x64xi32, #tpu.memory_space<vmem>> -> memref<64xi32, #tpu.memory_space<vmem>>
          %dma_wait3A_214 = arith.constant 0 : i32
          %dma_wait3A_215 = arith.constant 0 : i32
          %dma_wait3A_216 = tpu.memref_slice %arg2[%dma_wait3A_214, %dma_wait3A_215] : memref<10112x128xf32, #tpu.memory_space<hbm>> -> memref<10112x128xf32, #tpu.memory_space<hbm>>
          tpu.wait_indirect_dma semaphore(%arg12 : memref<!tpu.dma_semaphore, #tpu.memory_space<semaphore_mem>>) src(%dma_wait3A_216 : memref<10112x128xf32, #tpu.memory_space<hbm>>) dst(%dma_wait3A_210 : memref<64x128xf32, #tpu.memory_space<vmem>>)
        } else {
        }
        %jit3A_188 = arith.constant 4 : i32
        %eq3A_189 = arith.constant 0 : i32
        %eq3A_190 = arith.cmpi eq, %jit3A_188, %eq3A_189 : i32
        %jit3A_191 = arith.constant 1 : i32
        %select_n3A_192 = arith.select %eq3A_190, %jit3A_191, %jit3A_188 : i32
        %rem3A_193 = arith.remsi %sub3A_49, %select_n3A_192 : i32
        %ne3A_194 = arith.constant 0 : i32
        %ne3A_195 = arith.cmpi ne, %rem3A_193, %ne3A_194 : i32
        %lt3A_196 = arith.constant 0 : i32
        %lt3A_197 = arith.cmpi slt, %rem3A_193, %lt3A_196 : i32
        %lt3A_198 = arith.constant 0 : i32
        %lt3A_199 = arith.cmpi slt, %select_n3A_192, %lt3A_198 : i32
        %ne3A_200 = arith.xori %lt3A_197, %lt3A_199 : i1
        %and3A_201 = arith.andi %ne3A_200, %ne3A_195 : i1
        %add3A_202 = arith.addi %rem3A_193, %select_n3A_192 : i32
        %select_n3A_203 = arith.select %and3A_201, %add3A_202, %rem3A_193 : i32
        %run_scoped3A = arith.constant 1 : i32
        "tpu.region"() ({
          %run_scoped3A_204 = tpu.sem_alloc : memref<!tpu.dma_semaphore, #tpu.memory_space<semaphore_mem>>
          %dma_start3A = arith.constant 0 : i32
          %dma_start3A_205 = arith.constant 0 : i32
          %dma_start3A_206 = tpu.memref_slice %arg7[%select_n3A_203, %dma_start3A, %dma_start3A_205] : memref<4x64x128xf32, #tpu.memory_space<vmem>> -> memref<1x64x128xf32, #tpu.memory_space<vmem>>
          %dma_start3A_207 = tpu.memref_squeeze %dma_start3A_206 : memref<1x64x128xf32, #tpu.memory_space<vmem>> -> memref<64x128xf32, #tpu.memory_space<vmem>>
          %dma_start3A_208 = arith.constant 0 : i32
          %dma_start3A_209 = tpu.memref_slice %arg6[%select_n3A_87, %select_n3A_103, %run_scoped3A, %dma_start3A_208] : memref<2x16x2x64xi32, #tpu.memory_space<vmem>> -> memref<1x1x1x64xi32, #tpu.memory_space<vmem>>
          %dma_start3A_210 = tpu.memref_squeeze %dma_start3A_209 : memref<1x1x1x64xi32, #tpu.memory_space<vmem>> -> memref<64xi32, #tpu.memory_space<vmem>>
          %dma_start3A_211 = arith.constant 0 : i32
          %dma_start3A_212 = arith.constant 0 : i32
          %dma_start3A_213 = tpu.memref_slice %arg8[%dma_start3A_211, %dma_start3A_212] : memref<10112x128xf32, #tpu.memory_space<vmem_shared>> -> memref<10112x128xf32, #tpu.memory_space<vmem_shared>>
          tpu.enqueue_indirect_dma source(%dma_start3A_207 : memref<64x128xf32, #tpu.memory_space<vmem>>) target(%dma_start3A_213 : memref<10112x128xf32, #tpu.memory_space<vmem_shared>>) offsets(%dma_start3A_210 : memref<64xi32, #tpu.memory_space<vmem>>) semaphore(%run_scoped3A_204 : memref<!tpu.dma_semaphore, #tpu.memory_space<semaphore_mem>>) {add = true}
          %dma_wait3A = arith.constant 0 : i32
          %dma_wait3A_214 = arith.constant 0 : i32
          %dma_wait3A_215 = tpu.memref_slice %arg7[%select_n3A_203, %dma_wait3A, %dma_wait3A_214] : memref<4x64x128xf32, #tpu.memory_space<vmem>> -> memref<1x64x128xf32, #tpu.memory_space<vmem>>
          %dma_wait3A_216 = tpu.memref_squeeze %dma_wait3A_215 : memref<1x64x128xf32, #tpu.memory_space<vmem>> -> memref<64x128xf32, #tpu.memory_space<vmem>>
          %dma_wait3A_217 = arith.constant 0 : i32
          %dma_wait3A_218 = tpu.memref_slice %arg6[%select_n3A_87, %select_n3A_103, %run_scoped3A, %dma_wait3A_217] : memref<2x16x2x64xi32, #tpu.memory_space<vmem>> -> memref<1x1x1x64xi32, #tpu.memory_space<vmem>>
          %dma_wait3A_219 = tpu.memref_squeeze %dma_wait3A_218 : memref<1x1x1x64xi32, #tpu.memory_space<vmem>> -> memref<64xi32, #tpu.memory_space<vmem>>
          %dma_wait3A_220 = arith.constant 0 : i32
          %dma_wait3A_221 = arith.constant 0 : i32
          %dma_wait3A_222 = tpu.memref_slice %arg8[%dma_wait3A_220, %dma_wait3A_221] : memref<10112x128xf32, #tpu.memory_space<vmem_shared>> -> memref<10112x128xf32, #tpu.memory_space<vmem_shared>>
          tpu.wait_indirect_dma semaphore(%run_scoped3A_204 : memref<!tpu.dma_semaphore, #tpu.memory_space<semaphore_mem>>) src(%dma_wait3A_216 : memref<64x128xf32, #tpu.memory_space<vmem>>) dst(%dma_wait3A_222 : memref<10112x128xf32, #tpu.memory_space<vmem_shared>>)
          tpu.yield
        }) : () -> ()
      } else {
      }
    }
    %barrier3A_18 = arith.constant 0 : index
    tpu.barrier barrier_id(%barrier3A_18)
    %mul3A_19 = arith.constant 632 : i32
    %mul3A_20 = arith.muli %arg1, %mul3A_19 : i32
    %mul3A_21 = arith.constant 632 : i32
    %mul3A_22 = arith.muli %arg1, %mul3A_21 : i32
    "tpu.region"() ({
      %run_scoped3A = tpu.sem_alloc : memref<!tpu.dma_semaphore, #tpu.memory_space<semaphore_mem>>
      %dma_start3A = arith.constant 0 : i32
      %dma_start3A_23 = tpu.memref_slice %arg5[%arg0, %mul3A_22, %dma_start3A] : memref<2x10112x128xf32, #tpu.memory_space<hbm>> -> memref<1x632x128xf32, #tpu.memory_space<hbm>>
      %dma_start3A_24 = tpu.memref_squeeze %dma_start3A_23 : memref<1x632x128xf32, #tpu.memory_space<hbm>> -> memref<632x128xf32, #tpu.memory_space<hbm>>
      %dma_start3A_25 = arith.constant 0 : i32
      %dma_start3A_26 = tpu.memref_slice %arg8[%mul3A_20, %dma_start3A_25] : memref<10112x128xf32, #tpu.memory_space<vmem_shared>> -> memref<632x128xf32, #tpu.memory_space<vmem_shared>>
      tpu.enqueue_dma source(%dma_start3A_26 : memref<632x128xf32, #tpu.memory_space<vmem_shared>>) target(%dma_start3A_24 : memref<632x128xf32, #tpu.memory_space<hbm>>) target_semaphore(%run_scoped3A : memref<!tpu.dma_semaphore, #tpu.memory_space<semaphore_mem>>)
      %dma_wait3A = arith.constant 0 : i32
      %dma_wait3A_27 = tpu.memref_slice %arg5[%arg0, %mul3A_22, %dma_wait3A] : memref<2x10112x128xf32, #tpu.memory_space<hbm>> -> memref<1x632x128xf32, #tpu.memory_space<hbm>>
      %dma_wait3A_28 = tpu.memref_squeeze %dma_wait3A_27 : memref<1x632x128xf32, #tpu.memory_space<hbm>> -> memref<632x128xf32, #tpu.memory_space<hbm>>
      %dma_wait3A_29 = arith.constant 0 : i32
      %dma_wait3A_30 = tpu.memref_slice %arg8[%mul3A_20, %dma_wait3A_29] : memref<10112x128xf32, #tpu.memory_space<vmem_shared>> -> memref<632x128xf32, #tpu.memory_space<vmem_shared>>
      tpu.wait_dma2 semaphore(%run_scoped3A : memref<!tpu.dma_semaphore, #tpu.memory_space<semaphore_mem>>) src(%dma_wait3A_30 : memref<632x128xf32, #tpu.memory_space<vmem_shared>>) dst(%dma_wait3A_28 : memref<632x128xf32, #tpu.memory_space<hbm>>)
      tpu.yield
    }) : () -> ()
    return
  }
}

#map = affine_map<(d0, d1) -> (0, 0)>
#map1 = affine_map<(d0, d1) -> (0, 0, 0)>
module attributes {stable_mosaic.version = 14 : i64} {
  func.func @scat(%arg0: i32, %arg1: i32, %arg2: memref<10112x64xf32, #tpu.memory_space<hbm>>, %arg3: memref<5120x2x64xi32, #tpu.memory_space<hbm>>, %arg4: memref<632x64xf32, #tpu.memory_space<hbm>>, %arg5: memref<2x10112x64xf32, #tpu.memory_space<hbm>>, %arg6: memref<2x16x2x64xi32, #tpu.memory_space<vmem>>, %arg7: memref<4x64x64xf32, #tpu.memory_space<vmem>>, %arg8: memref<10112x64xf32, #tpu.memory_space<vmem_shared>>, %arg9: memref<!tpu.dma_semaphore, #tpu.memory_space<semaphore_mem>>, %arg10: memref<!tpu.dma_semaphore, #tpu.memory_space<semaphore_mem>>, %arg11: memref<!tpu.dma_semaphore, #tpu.memory_space<semaphore_mem>>, %arg12: memref<!tpu.dma_semaphore, #tpu.memory_space<semaphore_mem>>) attributes {dimension_semantics = [#tpu.dimension_semantics<core_parallel>, #tpu.dimension_semantics<subcore_parallel>], iteration_bounds = array<i64: 2, 16>, scalar_prefetch = 0 : i64, scratch_operands = 7 : i64, tpu.core_type = #tpu.core_type<sc_vector_subcore>, window_params = [{transform_indices = #map}, {transform_indices = #map1}, {transform_indices = #map}, {transform_indices = #map1}]} {
    %mul3A = arith.constant 632 : i32
    %mul3A_0 = arith.muli %arg1, %mul3A : i32
    "tpu.region"() ({
      %run_scoped3A = tpu.sem_alloc : memref<!tpu.dma_semaphore, #tpu.memory_space<semaphore_mem>>
      %dma_start3A = arith.constant 0 : i32
      %dma_start3A_23 = tpu.memref_slice %arg8[%mul3A_0, %dma_start3A] : memref<10112x64xf32, #tpu.memory_space<vmem_shared>> -> memref<632x64xf32, #tpu.memory_space<vmem_shared>>
      tpu.enqueue_dma source(%arg4 : memref<632x64xf32, #tpu.memory_space<hbm>>) target(%dma_start3A_23 : memref<632x64xf32, #tpu.memory_space<vmem_shared>>) target_semaphore(%run_scoped3A : memref<!tpu.dma_semaphore, #tpu.memory_space<semaphore_mem>>)
      %dma_wait3A = arith.constant 0 : i32
      %dma_wait3A_24 = tpu.memref_slice %arg8[%mul3A_0, %dma_wait3A] : memref<10112x64xf32, #tpu.memory_space<vmem_shared>> -> memref<632x64xf32, #tpu.memory_space<vmem_shared>>
      tpu.wait_dma2 semaphore(%run_scoped3A : memref<!tpu.dma_semaphore, #tpu.memory_space<semaphore_mem>>) src(%arg4 : memref<632x64xf32, #tpu.memory_space<hbm>>) dst(%dma_wait3A_24 : memref<632x64xf32, #tpu.memory_space<vmem_shared>>)
      tpu.yield
    }) : () -> ()
    %barrier3A = arith.constant 0 : index
    tpu.barrier barrier_id(%barrier3A)
    %mul3A_1 = arith.constant 320 : i32
    %mul3A_2 = arith.muli %arg1, %mul3A_1 : i32
    %mul3A_3 = arith.constant 224 : i32
    %mul3A_4 = arith.muli %arg0, %mul3A_3 : i32
    %add3A = arith.addi %mul3A_2, %mul3A_4 : i32
    %eq3A = arith.constant 0 : i32
    %eq3A_5 = arith.cmpi eq, %arg0, %eq3A : i32
    %jit3A = arith.constant 224 : i32
    %jit3A_6 = arith.constant 96 : i32
    %select_n3A = arith.select %eq3A_5, %jit3A, %jit3A_6 : i32
    %add3A_7 = arith.constant 3 : i32
    %add3A_8 = arith.addi %select_n3A, %add3A_7 : i32
    %while3A = arith.constant 0 : i32
    %while3A_9 = arith.constant 0 : i32
    %while3A_10 = arith.subi %add3A_8, %while3A_9 : i32
    %while3A_11 = arith.addi %while3A_9, %while3A_10 : i32
    %while3A_12 = arith.constant 1 : i32
    %while3A_13 = arith.divsi %while3A_10, %while3A_12 : i32
    %while3A_14 = arith.muli %while3A_13, %while3A_12 : i32
    %while3A_15 = arith.addi %while3A_9, %while3A_14 : i32
    %while3A_16 = arith.constant 1 : i32
    scf.for %while3A_23 = %while3A_9 to %while3A_15 step %while3A_16  : i32 {
      %lt3A = arith.cmpi slt, %while3A_23, %select_n3A : i32
      %jit3A_24 = arith.constant 16 : i32
      %eq3A_25 = arith.constant 0 : i32
      %eq3A_26 = arith.cmpi eq, %jit3A_24, %eq3A_25 : i32
      %jit3A_27 = arith.constant 1 : i32
      %select_n3A_28 = arith.select %eq3A_26, %jit3A_27, %jit3A_24 : i32
      %rem3A = arith.remsi %while3A_23, %select_n3A_28 : i32
      %ne3A = arith.constant 0 : i32
      %ne3A_29 = arith.cmpi ne, %rem3A, %ne3A : i32
      %lt3A_30 = arith.constant 0 : i32
      %lt3A_31 = arith.cmpi slt, %rem3A, %lt3A_30 : i32
      %lt3A_32 = arith.constant 0 : i32
      %lt3A_33 = arith.cmpi slt, %select_n3A_28, %lt3A_32 : i32
      %ne3A_34 = arith.xori %lt3A_31, %lt3A_33 : i1
      %and3A = arith.andi %ne3A_34, %ne3A_29 : i1
      %add3A_35 = arith.addi %rem3A, %select_n3A_28 : i32
      %select_n3A_36 = arith.select %and3A, %add3A_35, %rem3A : i32
      %eq3A_37 = arith.constant 0 : i32
      %eq3A_38 = arith.cmpi eq, %select_n3A_36, %eq3A_37 : i32
      %and3A_39 = arith.andi %lt3A, %eq3A_38 : i1
      %convert_element_type3A = arith.extui %and3A_39 : i1 to i32
      %cond3A = arith.constant 0 : i32
      %cond3A_40 = arith.cmpi ne, %convert_element_type3A, %cond3A : i32
      scf.if %cond3A_40 {
        %add3A_49 = arith.addi %add3A, %while3A_23 : i32
        %jit3A_50 = arith.constant 16 : i32
        %div3A = arith.divsi %while3A_23, %jit3A_50 : i32
        %sign3A = arith.constant 0 : i32
        %sign3A_51 = arith.cmpi sgt, %while3A_23, %sign3A : i32
        %sign3A_52 = arith.extui %sign3A_51 : i1 to i32
        %sign3A_53 = arith.constant 0 : i32
        %sign3A_54 = arith.cmpi slt, %while3A_23, %sign3A_53 : i32
        %sign3A_55 = arith.extui %sign3A_54 : i1 to i32
        %sign3A_56 = arith.subi %sign3A_52, %sign3A_55 : i32
        %sign3A_57 = arith.constant 0 : i32
        %sign3A_58 = arith.cmpi sgt, %jit3A_50, %sign3A_57 : i32
        %sign3A_59 = arith.extui %sign3A_58 : i1 to i32
        %sign3A_60 = arith.constant 0 : i32
        %sign3A_61 = arith.cmpi slt, %jit3A_50, %sign3A_60 : i32
        %sign3A_62 = arith.extui %sign3A_61 : i1 to i32
        %sign3A_63 = arith.subi %sign3A_59, %sign3A_62 : i32
        %ne3A_64 = arith.cmpi ne, %sign3A_56, %sign3A_63 : i32
        %rem3A_65 = arith.remsi %while3A_23, %jit3A_50 : i32
        %ne3A_66 = arith.constant 0 : i32
        %ne3A_67 = arith.cmpi ne, %rem3A_65, %ne3A_66 : i32
        %and3A_68 = arith.andi %ne3A_64, %ne3A_67 : i1
        %sub3A = arith.constant 1 : i32
        %sub3A_69 = arith.subi %div3A, %sub3A : i32
        %select_n3A_70 = arith.select %and3A_68, %sub3A_69, %div3A : i32
        %jit3A_71 = arith.constant 2 : i32
        %eq3A_72 = arith.constant 0 : i32
        %eq3A_73 = arith.cmpi eq, %jit3A_71, %eq3A_72 : i32
        %jit3A_74 = arith.constant 1 : i32
        %select_n3A_75 = arith.select %eq3A_73, %jit3A_74, %jit3A_71 : i32
        %rem3A_76 = arith.remsi %select_n3A_70, %select_n3A_75 : i32
        %ne3A_77 = arith.constant 0 : i32
        %ne3A_78 = arith.cmpi ne, %rem3A_76, %ne3A_77 : i32
        %lt3A_79 = arith.constant 0 : i32
        %lt3A_80 = arith.cmpi slt, %rem3A_76, %lt3A_79 : i32
        %lt3A_81 = arith.constant 0 : i32
        %lt3A_82 = arith.cmpi slt, %select_n3A_75, %lt3A_81 : i32
        %ne3A_83 = arith.xori %lt3A_80, %lt3A_82 : i1
        %and3A_84 = arith.andi %ne3A_83, %ne3A_78 : i1
        %add3A_85 = arith.addi %rem3A_76, %select_n3A_75 : i32
        %select_n3A_86 = arith.select %and3A_84, %add3A_85, %rem3A_76 : i32
        "tpu.region"() ({
          %run_scoped3A = tpu.sem_alloc : memref<!tpu.dma_semaphore, #tpu.memory_space<semaphore_mem>>
          %dma_start3A = arith.constant 0 : i32
          %dma_start3A_87 = arith.constant 0 : i32
          %dma_start3A_88 = arith.constant 0 : i32
          %dma_start3A_89 = tpu.memref_slice %arg6[%select_n3A_86, %dma_start3A, %dma_start3A_87, %dma_start3A_88] : memref<2x16x2x64xi32, #tpu.memory_space<vmem>> -> memref<1x16x2x64xi32, #tpu.memory_space<vmem>>
          %dma_start3A_90 = tpu.memref_squeeze %dma_start3A_89 : memref<1x16x2x64xi32, #tpu.memory_space<vmem>> -> memref<16x2x64xi32, #tpu.memory_space<vmem>>
          %dma_start3A_91 = arith.constant 0 : i32
          %dma_start3A_92 = arith.constant 0 : i32
          %dma_start3A_93 = tpu.memref_slice %arg3[%add3A_49, %dma_start3A_91, %dma_start3A_92] : memref<5120x2x64xi32, #tpu.memory_space<hbm>> -> memref<16x2x64xi32, #tpu.memory_space<hbm>>
          %dma_start3A_94 = arith.constant 0 : i32
          %dma_start3A_95 = arith.constant 0 : i32
          %dma_start3A_96 = arith.constant 0 : i32
          %dma_start3A_97 = tpu.memref_slice %arg6[%select_n3A_86, %dma_start3A_94, %dma_start3A_95, %dma_start3A_96] : memref<2x16x2x64xi32, #tpu.memory_space<vmem>> -> memref<1x16x2x64xi32, #tpu.memory_space<vmem>>
          %dma_start3A_98 = tpu.memref_squeeze %dma_start3A_97 : memref<1x16x2x64xi32, #tpu.memory_space<vmem>> -> memref<16x2x64xi32, #tpu.memory_space<vmem>>
          %dma_start3A_99 = arith.constant 0 : i32
          %dma_start3A_100 = arith.constant 0 : i32
          %dma_start3A_101 = tpu.memref_slice %arg3[%add3A_49, %dma_start3A_99, %dma_start3A_100] : memref<5120x2x64xi32, #tpu.memory_space<hbm>> -> memref<16x2x64xi32, #tpu.memory_space<hbm>>
          tpu.enqueue_dma source(%dma_start3A_101 : memref<16x2x64xi32, #tpu.memory_space<hbm>>) target(%dma_start3A_98 : memref<16x2x64xi32, #tpu.memory_space<vmem>>) target_semaphore(%run_scoped3A : memref<!tpu.dma_semaphore, #tpu.memory_space<semaphore_mem>>)
          %dma_wait3A = arith.constant 0 : i32
          %dma_wait3A_102 = arith.constant 0 : i32
          %dma_wait3A_103 = arith.constant 0 : i32
          %dma_wait3A_104 = tpu.memref_slice %arg6[%select_n3A_86, %dma_wait3A, %dma_wait3A_102, %dma_wait3A_103] : memref<2x16x2x64xi32, #tpu.memory_space<vmem>> -> memref<1x16x2x64xi32, #tpu.memory_space<vmem>>
          %dma_wait3A_105 = tpu.memref_squeeze %dma_wait3A_104 : memref<1x16x2x64xi32, #tpu.memory_space<vmem>> -> memref<16x2x64xi32, #tpu.memory_space<vmem>>
          %dma_wait3A_106 = arith.constant 0 : i32
          %dma_wait3A_107 = arith.constant 0 : i32
          %dma_wait3A_108 = tpu.memref_slice %arg3[%add3A_49, %dma_wait3A_106, %dma_wait3A_107] : memref<5120x2x64xi32, #tpu.memory_space<hbm>> -> memref<16x2x64xi32, #tpu.memory_space<hbm>>
          %dma_wait3A_109 = arith.constant 0 : i32
          %dma_wait3A_110 = arith.constant 0 : i32
          %dma_wait3A_111 = arith.constant 0 : i32
          %dma_wait3A_112 = tpu.memref_slice %arg6[%select_n3A_86, %dma_wait3A_109, %dma_wait3A_110, %dma_wait3A_111] : memref<2x16x2x64xi32, #tpu.memory_space<vmem>> -> memref<1x16x2x64xi32, #tpu.memory_space<vmem>>
          %dma_wait3A_113 = tpu.memref_squeeze %dma_wait3A_112 : memref<1x16x2x64xi32, #tpu.memory_space<vmem>> -> memref<16x2x64xi32, #tpu.memory_space<vmem>>
          %dma_wait3A_114 = arith.constant 0 : i32
          %dma_wait3A_115 = arith.constant 0 : i32
          %dma_wait3A_116 = tpu.memref_slice %arg3[%add3A_49, %dma_wait3A_114, %dma_wait3A_115] : memref<5120x2x64xi32, #tpu.memory_space<hbm>> -> memref<16x2x64xi32, #tpu.memory_space<hbm>>
          tpu.wait_dma2 semaphore(%run_scoped3A : memref<!tpu.dma_semaphore, #tpu.memory_space<semaphore_mem>>) src(%dma_wait3A_116 : memref<16x2x64xi32, #tpu.memory_space<hbm>>) dst(%dma_wait3A_113 : memref<16x2x64xi32, #tpu.memory_space<vmem>>)
          tpu.yield
        }) : () -> ()
      } else {
      }
      %lt3A_41 = arith.cmpi slt, %while3A_23, %select_n3A : i32
      %convert_element_type3A_42 = arith.extui %lt3A_41 : i1 to i32
      %cond3A_43 = arith.constant 0 : i32
      %cond3A_44 = arith.cmpi ne, %convert_element_type3A_42, %cond3A_43 : i32
      scf.if %cond3A_44 {
        %jit3A_49 = arith.constant 16 : i32
        %div3A = arith.divsi %while3A_23, %jit3A_49 : i32
        %sign3A = arith.constant 0 : i32
        %sign3A_50 = arith.cmpi sgt, %while3A_23, %sign3A : i32
        %sign3A_51 = arith.extui %sign3A_50 : i1 to i32
        %sign3A_52 = arith.constant 0 : i32
        %sign3A_53 = arith.cmpi slt, %while3A_23, %sign3A_52 : i32
        %sign3A_54 = arith.extui %sign3A_53 : i1 to i32
        %sign3A_55 = arith.subi %sign3A_51, %sign3A_54 : i32
        %sign3A_56 = arith.constant 0 : i32
        %sign3A_57 = arith.cmpi sgt, %jit3A_49, %sign3A_56 : i32
        %sign3A_58 = arith.extui %sign3A_57 : i1 to i32
        %sign3A_59 = arith.constant 0 : i32
        %sign3A_60 = arith.cmpi slt, %jit3A_49, %sign3A_59 : i32
        %sign3A_61 = arith.extui %sign3A_60 : i1 to i32
        %sign3A_62 = arith.subi %sign3A_58, %sign3A_61 : i32
        %ne3A_63 = arith.cmpi ne, %sign3A_55, %sign3A_62 : i32
        %rem3A_64 = arith.remsi %while3A_23, %jit3A_49 : i32
        %ne3A_65 = arith.constant 0 : i32
        %ne3A_66 = arith.cmpi ne, %rem3A_64, %ne3A_65 : i32
        %and3A_67 = arith.andi %ne3A_63, %ne3A_66 : i1
        %sub3A = arith.constant 1 : i32
        %sub3A_68 = arith.subi %div3A, %sub3A : i32
        %select_n3A_69 = arith.select %and3A_67, %sub3A_68, %div3A : i32
        %jit3A_70 = arith.constant 2 : i32
        %eq3A_71 = arith.constant 0 : i32
        %eq3A_72 = arith.cmpi eq, %jit3A_70, %eq3A_71 : i32
        %jit3A_73 = arith.constant 1 : i32
        %select_n3A_74 = arith.select %eq3A_72, %jit3A_73, %jit3A_70 : i32
        %rem3A_75 = arith.remsi %select_n3A_69, %select_n3A_74 : i32
        %ne3A_76 = arith.constant 0 : i32
        %ne3A_77 = arith.cmpi ne, %rem3A_75, %ne3A_76 : i32
        %lt3A_78 = arith.constant 0 : i32
        %lt3A_79 = arith.cmpi slt, %rem3A_75, %lt3A_78 : i32
        %lt3A_80 = arith.constant 0 : i32
        %lt3A_81 = arith.cmpi slt, %select_n3A_74, %lt3A_80 : i32
        %ne3A_82 = arith.xori %lt3A_79, %lt3A_81 : i1
        %and3A_83 = arith.andi %ne3A_82, %ne3A_77 : i1
        %add3A_84 = arith.addi %rem3A_75, %select_n3A_74 : i32
        %select_n3A_85 = arith.select %and3A_83, %add3A_84, %rem3A_75 : i32
        %jit3A_86 = arith.constant 16 : i32
        %eq3A_87 = arith.constant 0 : i32
        %eq3A_88 = arith.cmpi eq, %jit3A_86, %eq3A_87 : i32
        %jit3A_89 = arith.constant 1 : i32
        %select_n3A_90 = arith.select %eq3A_88, %jit3A_89, %jit3A_86 : i32
        %rem3A_91 = arith.remsi %while3A_23, %select_n3A_90 : i32
        %ne3A_92 = arith.constant 0 : i32
        %ne3A_93 = arith.cmpi ne, %rem3A_91, %ne3A_92 : i32
        %lt3A_94 = arith.constant 0 : i32
        %lt3A_95 = arith.cmpi slt, %rem3A_91, %lt3A_94 : i32
        %lt3A_96 = arith.constant 0 : i32
        %lt3A_97 = arith.cmpi slt, %select_n3A_90, %lt3A_96 : i32
        %ne3A_98 = arith.xori %lt3A_95, %lt3A_97 : i1
        %and3A_99 = arith.andi %ne3A_98, %ne3A_93 : i1
        %add3A_100 = arith.addi %rem3A_91, %select_n3A_90 : i32
        %select_n3A_101 = arith.select %and3A_99, %add3A_100, %rem3A_91 : i32
        %jit3A_102 = arith.constant 4 : i32
        %eq3A_103 = arith.constant 0 : i32
        %eq3A_104 = arith.cmpi eq, %jit3A_102, %eq3A_103 : i32
        %jit3A_105 = arith.constant 1 : i32
        %select_n3A_106 = arith.select %eq3A_104, %jit3A_105, %jit3A_102 : i32
        %rem3A_107 = arith.remsi %while3A_23, %select_n3A_106 : i32
        %ne3A_108 = arith.constant 0 : i32
        %ne3A_109 = arith.cmpi ne, %rem3A_107, %ne3A_108 : i32
        %lt3A_110 = arith.constant 0 : i32
        %lt3A_111 = arith.cmpi slt, %rem3A_107, %lt3A_110 : i32
        %lt3A_112 = arith.constant 0 : i32
        %lt3A_113 = arith.cmpi slt, %select_n3A_106, %lt3A_112 : i32
        %ne3A_114 = arith.xori %lt3A_111, %lt3A_113 : i1
        %and3A_115 = arith.andi %ne3A_114, %ne3A_109 : i1
        %add3A_116 = arith.addi %rem3A_107, %select_n3A_106 : i32
        %select_n3A_117 = arith.select %and3A_115, %add3A_116, %rem3A_107 : i32
        %eq3A_118 = arith.constant 0 : i32
        %eq3A_119 = arith.cmpi eq, %select_n3A_117, %eq3A_118 : i32
        %convert_element_type3A_120 = arith.extui %eq3A_119 : i1 to i32
        %cond3A_121 = arith.constant 0 : i32
        %cond3A_122 = arith.cmpi ne, %convert_element_type3A_120, %cond3A_121 : i32
        scf.if %cond3A_122 {
          %dma_start3A = arith.constant 0 : i32
          %dma_start3A_186 = arith.constant 0 : i32
          %dma_start3A_187 = arith.constant 0 : i32
          %dma_start3A_188 = arith.constant 0 : i32
          %dma_start3A_189 = tpu.memref_slice %arg7[%dma_start3A_186, %dma_start3A_187, %dma_start3A_188] : memref<4x64x64xf32, #tpu.memory_space<vmem>> -> memref<1x64x64xf32, #tpu.memory_space<vmem>>
          %dma_start3A_190 = tpu.memref_squeeze %dma_start3A_189 : memref<1x64x64xf32, #tpu.memory_space<vmem>> -> memref<64x64xf32, #tpu.memory_space<vmem>>
          %dma_start3A_191 = arith.constant 0 : i32
          %dma_start3A_192 = tpu.memref_slice %arg6[%select_n3A_85, %select_n3A_101, %dma_start3A, %dma_start3A_191] : memref<2x16x2x64xi32, #tpu.memory_space<vmem>> -> memref<1x1x1x64xi32, #tpu.memory_space<vmem>>
          %dma_start3A_193 = tpu.memref_squeeze %dma_start3A_192 : memref<1x1x1x64xi32, #tpu.memory_space<vmem>> -> memref<64xi32, #tpu.memory_space<vmem>>
          %dma_start3A_194 = arith.constant 0 : i32
          %dma_start3A_195 = arith.constant 0 : i32
          %dma_start3A_196 = tpu.memref_slice %arg2[%dma_start3A_194, %dma_start3A_195] : memref<10112x64xf32, #tpu.memory_space<hbm>> -> memref<10112x64xf32, #tpu.memory_space<hbm>>
          tpu.enqueue_indirect_dma source(%dma_start3A_196 : memref<10112x64xf32, #tpu.memory_space<hbm>>) target(%dma_start3A_190 : memref<64x64xf32, #tpu.memory_space<vmem>>) offsets(%dma_start3A_193 : memref<64xi32, #tpu.memory_space<vmem>>) semaphore(%arg9 : memref<!tpu.dma_semaphore, #tpu.memory_space<semaphore_mem>>)
        } else {
        }
        %jit3A_123 = arith.constant 4 : i32
        %eq3A_124 = arith.constant 0 : i32
        %eq3A_125 = arith.cmpi eq, %jit3A_123, %eq3A_124 : i32
        %jit3A_126 = arith.constant 1 : i32
        %select_n3A_127 = arith.select %eq3A_125, %jit3A_126, %jit3A_123 : i32
        %rem3A_128 = arith.remsi %while3A_23, %select_n3A_127 : i32
        %ne3A_129 = arith.constant 0 : i32
        %ne3A_130 = arith.cmpi ne, %rem3A_128, %ne3A_129 : i32
        %lt3A_131 = arith.constant 0 : i32
        %lt3A_132 = arith.cmpi slt, %rem3A_128, %lt3A_131 : i32
        %lt3A_133 = arith.constant 0 : i32
        %lt3A_134 = arith.cmpi slt, %select_n3A_127, %lt3A_133 : i32
        %ne3A_135 = arith.xori %lt3A_132, %lt3A_134 : i1
        %and3A_136 = arith.andi %ne3A_135, %ne3A_130 : i1
        %add3A_137 = arith.addi %rem3A_128, %select_n3A_127 : i32
        %select_n3A_138 = arith.select %and3A_136, %add3A_137, %rem3A_128 : i32
        %eq3A_139 = arith.constant 1 : i32
        %eq3A_140 = arith.cmpi eq, %select_n3A_138, %eq3A_139 : i32
        %convert_element_type3A_141 = arith.extui %eq3A_140 : i1 to i32
        %cond3A_142 = arith.constant 0 : i32
        %cond3A_143 = arith.cmpi ne, %convert_element_type3A_141, %cond3A_142 : i32
        scf.if %cond3A_143 {
          %dma_start3A = arith.constant 0 : i32
          %dma_start3A_186 = arith.constant 1 : i32
          %dma_start3A_187 = arith.constant 0 : i32
          %dma_start3A_188 = arith.constant 0 : i32
          %dma_start3A_189 = tpu.memref_slice %arg7[%dma_start3A_186, %dma_start3A_187, %dma_start3A_188] : memref<4x64x64xf32, #tpu.memory_space<vmem>> -> memref<1x64x64xf32, #tpu.memory_space<vmem>>
          %dma_start3A_190 = tpu.memref_squeeze %dma_start3A_189 : memref<1x64x64xf32, #tpu.memory_space<vmem>> -> memref<64x64xf32, #tpu.memory_space<vmem>>
          %dma_start3A_191 = arith.constant 0 : i32
          %dma_start3A_192 = tpu.memref_slice %arg6[%select_n3A_85, %select_n3A_101, %dma_start3A, %dma_start3A_191] : memref<2x16x2x64xi32, #tpu.memory_space<vmem>> -> memref<1x1x1x64xi32, #tpu.memory_space<vmem>>
          %dma_start3A_193 = tpu.memref_squeeze %dma_start3A_192 : memref<1x1x1x64xi32, #tpu.memory_space<vmem>> -> memref<64xi32, #tpu.memory_space<vmem>>
          %dma_start3A_194 = arith.constant 0 : i32
          %dma_start3A_195 = arith.constant 0 : i32
          %dma_start3A_196 = tpu.memref_slice %arg2[%dma_start3A_194, %dma_start3A_195] : memref<10112x64xf32, #tpu.memory_space<hbm>> -> memref<10112x64xf32, #tpu.memory_space<hbm>>
          tpu.enqueue_indirect_dma source(%dma_start3A_196 : memref<10112x64xf32, #tpu.memory_space<hbm>>) target(%dma_start3A_190 : memref<64x64xf32, #tpu.memory_space<vmem>>) offsets(%dma_start3A_193 : memref<64xi32, #tpu.memory_space<vmem>>) semaphore(%arg10 : memref<!tpu.dma_semaphore, #tpu.memory_space<semaphore_mem>>)
        } else {
        }
        %jit3A_144 = arith.constant 4 : i32
        %eq3A_145 = arith.constant 0 : i32
        %eq3A_146 = arith.cmpi eq, %jit3A_144, %eq3A_145 : i32
        %jit3A_147 = arith.constant 1 : i32
        %select_n3A_148 = arith.select %eq3A_146, %jit3A_147, %jit3A_144 : i32
        %rem3A_149 = arith.remsi %while3A_23, %select_n3A_148 : i32
        %ne3A_150 = arith.constant 0 : i32
        %ne3A_151 = arith.cmpi ne, %rem3A_149, %ne3A_150 : i32
        %lt3A_152 = arith.constant 0 : i32
        %lt3A_153 = arith.cmpi slt, %rem3A_149, %lt3A_152 : i32
        %lt3A_154 = arith.constant 0 : i32
        %lt3A_155 = arith.cmpi slt, %select_n3A_148, %lt3A_154 : i32
        %ne3A_156 = arith.xori %lt3A_153, %lt3A_155 : i1
        %and3A_157 = arith.andi %ne3A_156, %ne3A_151 : i1
        %add3A_158 = arith.addi %rem3A_149, %select_n3A_148 : i32
        %select_n3A_159 = arith.select %and3A_157, %add3A_158, %rem3A_149 : i32
        %eq3A_160 = arith.constant 2 : i32
        %eq3A_161 = arith.cmpi eq, %select_n3A_159, %eq3A_160 : i32
        %convert_element_type3A_162 = arith.extui %eq3A_161 : i1 to i32
        %cond3A_163 = arith.constant 0 : i32
        %cond3A_164 = arith.cmpi ne, %convert_element_type3A_162, %cond3A_163 : i32
        scf.if %cond3A_164 {
          %dma_start3A = arith.constant 0 : i32
          %dma_start3A_186 = arith.constant 2 : i32
          %dma_start3A_187 = arith.constant 0 : i32
          %dma_start3A_188 = arith.constant 0 : i32
          %dma_start3A_189 = tpu.memref_slice %arg7[%dma_start3A_186, %dma_start3A_187, %dma_start3A_188] : memref<4x64x64xf32, #tpu.memory_space<vmem>> -> memref<1x64x64xf32, #tpu.memory_space<vmem>>
          %dma_start3A_190 = tpu.memref_squeeze %dma_start3A_189 : memref<1x64x64xf32, #tpu.memory_space<vmem>> -> memref<64x64xf32, #tpu.memory_space<vmem>>
          %dma_start3A_191 = arith.constant 0 : i32
          %dma_start3A_192 = tpu.memref_slice %arg6[%select_n3A_85, %select_n3A_101, %dma_start3A, %dma_start3A_191] : memref<2x16x2x64xi32, #tpu.memory_space<vmem>> -> memref<1x1x1x64xi32, #tpu.memory_space<vmem>>
          %dma_start3A_193 = tpu.memref_squeeze %dma_start3A_192 : memref<1x1x1x64xi32, #tpu.memory_space<vmem>> -> memref<64xi32, #tpu.memory_space<vmem>>
          %dma_start3A_194 = arith.constant 0 : i32
          %dma_start3A_195 = arith.constant 0 : i32
          %dma_start3A_196 = tpu.memref_slice %arg2[%dma_start3A_194, %dma_start3A_195] : memref<10112x64xf32, #tpu.memory_space<hbm>> -> memref<10112x64xf32, #tpu.memory_space<hbm>>
          tpu.enqueue_indirect_dma source(%dma_start3A_196 : memref<10112x64xf32, #tpu.memory_space<hbm>>) target(%dma_start3A_190 : memref<64x64xf32, #tpu.memory_space<vmem>>) offsets(%dma_start3A_193 : memref<64xi32, #tpu.memory_space<vmem>>) semaphore(%arg11 : memref<!tpu.dma_semaphore, #tpu.memory_space<semaphore_mem>>)
        } else {
        }
        %jit3A_165 = arith.constant 4 : i32
        %eq3A_166 = arith.constant 0 : i32
        %eq3A_167 = arith.cmpi eq, %jit3A_165, %eq3A_166 : i32
        %jit3A_168 = arith.constant 1 : i32
        %select_n3A_169 = arith.select %eq3A_167, %jit3A_168, %jit3A_165 : i32
        %rem3A_170 = arith.remsi %while3A_23, %select_n3A_169 : i32
        %ne3A_171 = arith.constant 0 : i32
        %ne3A_172 = arith.cmpi ne, %rem3A_170, %ne3A_171 : i32
        %lt3A_173 = arith.constant 0 : i32
        %lt3A_174 = arith.cmpi slt, %rem3A_170, %lt3A_173 : i32
        %lt3A_175 = arith.constant 0 : i32
        %lt3A_176 = arith.cmpi slt, %select_n3A_169, %lt3A_175 : i32
        %ne3A_177 = arith.xori %lt3A_174, %lt3A_176 : i1
        %and3A_178 = arith.andi %ne3A_177, %ne3A_172 : i1
        %add3A_179 = arith.addi %rem3A_170, %select_n3A_169 : i32
        %select_n3A_180 = arith.select %and3A_178, %add3A_179, %rem3A_170 : i32
        %eq3A_181 = arith.constant 3 : i32
        %eq3A_182 = arith.cmpi eq, %select_n3A_180, %eq3A_181 : i32
        %convert_element_type3A_183 = arith.extui %eq3A_182 : i1 to i32
        %cond3A_184 = arith.constant 0 : i32
        %cond3A_185 = arith.cmpi ne, %convert_element_type3A_183, %cond3A_184 : i32
        scf.if %cond3A_185 {
          %dma_start3A = arith.constant 0 : i32
          %dma_start3A_186 = arith.constant 3 : i32
          %dma_start3A_187 = arith.constant 0 : i32
          %dma_start3A_188 = arith.constant 0 : i32
          %dma_start3A_189 = tpu.memref_slice %arg7[%dma_start3A_186, %dma_start3A_187, %dma_start3A_188] : memref<4x64x64xf32, #tpu.memory_space<vmem>> -> memref<1x64x64xf32, #tpu.memory_space<vmem>>
          %dma_start3A_190 = tpu.memref_squeeze %dma_start3A_189 : memref<1x64x64xf32, #tpu.memory_space<vmem>> -> memref<64x64xf32, #tpu.memory_space<vmem>>
          %dma_start3A_191 = arith.constant 0 : i32
          %dma_start3A_192 = tpu.memref_slice %arg6[%select_n3A_85, %select_n3A_101, %dma_start3A, %dma_start3A_191] : memref<2x16x2x64xi32, #tpu.memory_space<vmem>> -> memref<1x1x1x64xi32, #tpu.memory_space<vmem>>
          %dma_start3A_193 = tpu.memref_squeeze %dma_start3A_192 : memref<1x1x1x64xi32, #tpu.memory_space<vmem>> -> memref<64xi32, #tpu.memory_space<vmem>>
          %dma_start3A_194 = arith.constant 0 : i32
          %dma_start3A_195 = arith.constant 0 : i32
          %dma_start3A_196 = tpu.memref_slice %arg2[%dma_start3A_194, %dma_start3A_195] : memref<10112x64xf32, #tpu.memory_space<hbm>> -> memref<10112x64xf32, #tpu.memory_space<hbm>>
          tpu.enqueue_indirect_dma source(%dma_start3A_196 : memref<10112x64xf32, #tpu.memory_space<hbm>>) target(%dma_start3A_190 : memref<64x64xf32, #tpu.memory_space<vmem>>) offsets(%dma_start3A_193 : memref<64xi32, #tpu.memory_space<vmem>>) semaphore(%arg12 : memref<!tpu.dma_semaphore, #tpu.memory_space<semaphore_mem>>)
        } else {
        }
      } else {
      }
      %ge3A = arith.constant 3 : i32
      %ge3A_45 = arith.cmpi sge, %while3A_23, %ge3A : i32
      %convert_element_type3A_46 = arith.extui %ge3A_45 : i1 to i32
      %cond3A_47 = arith.constant 0 : i32
      %cond3A_48 = arith.cmpi ne, %convert_element_type3A_46, %cond3A_47 : i32
      scf.if %cond3A_48 {
        %sub3A = arith.constant 3 : i32
        %sub3A_49 = arith.subi %while3A_23, %sub3A : i32
        %jit3A_50 = arith.constant 16 : i32
        %div3A = arith.divsi %sub3A_49, %jit3A_50 : i32
        %sign3A = arith.constant 0 : i32
        %sign3A_51 = arith.cmpi sgt, %sub3A_49, %sign3A : i32
        %sign3A_52 = arith.extui %sign3A_51 : i1 to i32
        %sign3A_53 = arith.constant 0 : i32
        %sign3A_54 = arith.cmpi slt, %sub3A_49, %sign3A_53 : i32
        %sign3A_55 = arith.extui %sign3A_54 : i1 to i32
        %sign3A_56 = arith.subi %sign3A_52, %sign3A_55 : i32
        %sign3A_57 = arith.constant 0 : i32
        %sign3A_58 = arith.cmpi sgt, %jit3A_50, %sign3A_57 : i32
        %sign3A_59 = arith.extui %sign3A_58 : i1 to i32
        %sign3A_60 = arith.constant 0 : i32
        %sign3A_61 = arith.cmpi slt, %jit3A_50, %sign3A_60 : i32
        %sign3A_62 = arith.extui %sign3A_61 : i1 to i32
        %sign3A_63 = arith.subi %sign3A_59, %sign3A_62 : i32
        %ne3A_64 = arith.cmpi ne, %sign3A_56, %sign3A_63 : i32
        %rem3A_65 = arith.remsi %sub3A_49, %jit3A_50 : i32
        %ne3A_66 = arith.constant 0 : i32
        %ne3A_67 = arith.cmpi ne, %rem3A_65, %ne3A_66 : i32
        %and3A_68 = arith.andi %ne3A_64, %ne3A_67 : i1
        %sub3A_69 = arith.constant 1 : i32
        %sub3A_70 = arith.subi %div3A, %sub3A_69 : i32
        %select_n3A_71 = arith.select %and3A_68, %sub3A_70, %div3A : i32
        %jit3A_72 = arith.constant 2 : i32
        %eq3A_73 = arith.constant 0 : i32
        %eq3A_74 = arith.cmpi eq, %jit3A_72, %eq3A_73 : i32
        %jit3A_75 = arith.constant 1 : i32
        %select_n3A_76 = arith.select %eq3A_74, %jit3A_75, %jit3A_72 : i32
        %rem3A_77 = arith.remsi %select_n3A_71, %select_n3A_76 : i32
        %ne3A_78 = arith.constant 0 : i32
        %ne3A_79 = arith.cmpi ne, %rem3A_77, %ne3A_78 : i32
        %lt3A_80 = arith.constant 0 : i32
        %lt3A_81 = arith.cmpi slt, %rem3A_77, %lt3A_80 : i32
        %lt3A_82 = arith.constant 0 : i32
        %lt3A_83 = arith.cmpi slt, %select_n3A_76, %lt3A_82 : i32
        %ne3A_84 = arith.xori %lt3A_81, %lt3A_83 : i1
        %and3A_85 = arith.andi %ne3A_84, %ne3A_79 : i1
        %add3A_86 = arith.addi %rem3A_77, %select_n3A_76 : i32
        %select_n3A_87 = arith.select %and3A_85, %add3A_86, %rem3A_77 : i32
        %jit3A_88 = arith.constant 16 : i32
        %eq3A_89 = arith.constant 0 : i32
        %eq3A_90 = arith.cmpi eq, %jit3A_88, %eq3A_89 : i32
        %jit3A_91 = arith.constant 1 : i32
        %select_n3A_92 = arith.select %eq3A_90, %jit3A_91, %jit3A_88 : i32
        %rem3A_93 = arith.remsi %sub3A_49, %select_n3A_92 : i32
        %ne3A_94 = arith.constant 0 : i32
        %ne3A_95 = arith.cmpi ne, %rem3A_93, %ne3A_94 : i32
        %lt3A_96 = arith.constant 0 : i32
        %lt3A_97 = arith.cmpi slt, %rem3A_93, %lt3A_96 : i32
        %lt3A_98 = arith.constant 0 : i32
        %lt3A_99 = arith.cmpi slt, %select_n3A_92, %lt3A_98 : i32
        %ne3A_100 = arith.xori %lt3A_97, %lt3A_99 : i1
        %and3A_101 = arith.andi %ne3A_100, %ne3A_95 : i1
        %add3A_102 = arith.addi %rem3A_93, %select_n3A_92 : i32
        %select_n3A_103 = arith.select %and3A_101, %add3A_102, %rem3A_93 : i32
        %jit3A_104 = arith.constant 4 : i32
        %eq3A_105 = arith.constant 0 : i32
        %eq3A_106 = arith.cmpi eq, %jit3A_104, %eq3A_105 : i32
        %jit3A_107 = arith.constant 1 : i32
        %select_n3A_108 = arith.select %eq3A_106, %jit3A_107, %jit3A_104 : i32
        %rem3A_109 = arith.remsi %sub3A_49, %select_n3A_108 : i32
        %ne3A_110 = arith.constant 0 : i32
        %ne3A_111 = arith.cmpi ne, %rem3A_109, %ne3A_110 : i32
        %lt3A_112 = arith.constant 0 : i32
        %lt3A_113 = arith.cmpi slt, %rem3A_109, %lt3A_112 : i32
        %lt3A_114 = arith.constant 0 : i32
        %lt3A_115 = arith.cmpi slt, %select_n3A_108, %lt3A_114 : i32
        %ne3A_116 = arith.xori %lt3A_113, %lt3A_115 : i1
        %and3A_117 = arith.andi %ne3A_116, %ne3A_111 : i1
        %add3A_118 = arith.addi %rem3A_109, %select_n3A_108 : i32
        %select_n3A_119 = arith.select %and3A_117, %add3A_118, %rem3A_109 : i32
        %eq3A_120 = arith.constant 0 : i32
        %eq3A_121 = arith.cmpi eq, %select_n3A_119, %eq3A_120 : i32
        %convert_element_type3A_122 = arith.extui %eq3A_121 : i1 to i32
        %cond3A_123 = arith.constant 0 : i32
        %cond3A_124 = arith.cmpi ne, %convert_element_type3A_122, %cond3A_123 : i32
        scf.if %cond3A_124 {
          %dma_wait3A = arith.constant 0 : i32
          %dma_wait3A_204 = arith.constant 0 : i32
          %dma_wait3A_205 = arith.constant 0 : i32
          %dma_wait3A_206 = arith.constant 0 : i32
          %dma_wait3A_207 = arith.constant 0 : i32
          %dma_wait3A_208 = arith.constant 0 : i32
          %dma_wait3A_209 = tpu.memref_slice %arg7[%dma_wait3A_206, %dma_wait3A_207, %dma_wait3A_208] : memref<4x64x64xf32, #tpu.memory_space<vmem>> -> memref<1x64x64xf32, #tpu.memory_space<vmem>>
          %dma_wait3A_210 = tpu.memref_squeeze %dma_wait3A_209 : memref<1x64x64xf32, #tpu.memory_space<vmem>> -> memref<64x64xf32, #tpu.memory_space<vmem>>
          %dma_wait3A_211 = arith.constant 0 : i32
          %dma_wait3A_212 = tpu.memref_slice %arg6[%dma_wait3A, %dma_wait3A_204, %dma_wait3A_205, %dma_wait3A_211] : memref<2x16x2x64xi32, #tpu.memory_space<vmem>> -> memref<1x1x1x64xi32, #tpu.memory_space<vmem>>
          %dma_wait3A_213 = tpu.memref_squeeze %dma_wait3A_212 : memref<1x1x1x64xi32, #tpu.memory_space<vmem>> -> memref<64xi32, #tpu.memory_space<vmem>>
          %dma_wait3A_214 = arith.constant 0 : i32
          %dma_wait3A_215 = arith.constant 0 : i32
          %dma_wait3A_216 = tpu.memref_slice %arg2[%dma_wait3A_214, %dma_wait3A_215] : memref<10112x64xf32, #tpu.memory_space<hbm>> -> memref<10112x64xf32, #tpu.memory_space<hbm>>
          tpu.wait_indirect_dma semaphore(%arg9 : memref<!tpu.dma_semaphore, #tpu.memory_space<semaphore_mem>>) src(%dma_wait3A_216 : memref<10112x64xf32, #tpu.memory_space<hbm>>) dst(%dma_wait3A_210 : memref<64x64xf32, #tpu.memory_space<vmem>>)
        } else {
        }
        %jit3A_125 = arith.constant 4 : i32
        %eq3A_126 = arith.constant 0 : i32
        %eq3A_127 = arith.cmpi eq, %jit3A_125, %eq3A_126 : i32
        %jit3A_128 = arith.constant 1 : i32
        %select_n3A_129 = arith.select %eq3A_127, %jit3A_128, %jit3A_125 : i32
        %rem3A_130 = arith.remsi %sub3A_49, %select_n3A_129 : i32
        %ne3A_131 = arith.constant 0 : i32
        %ne3A_132 = arith.cmpi ne, %rem3A_130, %ne3A_131 : i32
        %lt3A_133 = arith.constant 0 : i32
        %lt3A_134 = arith.cmpi slt, %rem3A_130, %lt3A_133 : i32
        %lt3A_135 = arith.constant 0 : i32
        %lt3A_136 = arith.cmpi slt, %select_n3A_129, %lt3A_135 : i32
        %ne3A_137 = arith.xori %lt3A_134, %lt3A_136 : i1
        %and3A_138 = arith.andi %ne3A_137, %ne3A_132 : i1
        %add3A_139 = arith.addi %rem3A_130, %select_n3A_129 : i32
        %select_n3A_140 = arith.select %and3A_138, %add3A_139, %rem3A_130 : i32
        %eq3A_141 = arith.constant 1 : i32
        %eq3A_142 = arith.cmpi eq, %select_n3A_140, %eq3A_141 : i32
        %convert_element_type3A_143 = arith.extui %eq3A_142 : i1 to i32
        %cond3A_144 = arith.constant 0 : i32
        %cond3A_145 = arith.cmpi ne, %convert_element_type3A_143, %cond3A_144 : i32
        scf.if %cond3A_145 {
          %dma_wait3A = arith.constant 0 : i32
          %dma_wait3A_204 = arith.constant 0 : i32
          %dma_wait3A_205 = arith.constant 0 : i32
          %dma_wait3A_206 = arith.constant 1 : i32
          %dma_wait3A_207 = arith.constant 0 : i32
          %dma_wait3A_208 = arith.constant 0 : i32
          %dma_wait3A_209 = tpu.memref_slice %arg7[%dma_wait3A_206, %dma_wait3A_207, %dma_wait3A_208] : memref<4x64x64xf32, #tpu.memory_space<vmem>> -> memref<1x64x64xf32, #tpu.memory_space<vmem>>
          %dma_wait3A_210 = tpu.memref_squeeze %dma_wait3A_209 : memref<1x64x64xf32, #tpu.memory_space<vmem>> -> memref<64x64xf32, #tpu.memory_space<vmem>>
          %dma_wait3A_211 = arith.constant 0 : i32
          %dma_wait3A_212 = tpu.memref_slice %arg6[%dma_wait3A, %dma_wait3A_204, %dma_wait3A_205, %dma_wait3A_211] : memref<2x16x2x64xi32, #tpu.memory_space<vmem>> -> memref<1x1x1x64xi32, #tpu.memory_space<vmem>>
          %dma_wait3A_213 = tpu.memref_squeeze %dma_wait3A_212 : memref<1x1x1x64xi32, #tpu.memory_space<vmem>> -> memref<64xi32, #tpu.memory_space<vmem>>
          %dma_wait3A_214 = arith.constant 0 : i32
          %dma_wait3A_215 = arith.constant 0 : i32
          %dma_wait3A_216 = tpu.memref_slice %arg2[%dma_wait3A_214, %dma_wait3A_215] : memref<10112x64xf32, #tpu.memory_space<hbm>> -> memref<10112x64xf32, #tpu.memory_space<hbm>>
          tpu.wait_indirect_dma semaphore(%arg10 : memref<!tpu.dma_semaphore, #tpu.memory_space<semaphore_mem>>) src(%dma_wait3A_216 : memref<10112x64xf32, #tpu.memory_space<hbm>>) dst(%dma_wait3A_210 : memref<64x64xf32, #tpu.memory_space<vmem>>)
        } else {
        }
        %jit3A_146 = arith.constant 4 : i32
        %eq3A_147 = arith.constant 0 : i32
        %eq3A_148 = arith.cmpi eq, %jit3A_146, %eq3A_147 : i32
        %jit3A_149 = arith.constant 1 : i32
        %select_n3A_150 = arith.select %eq3A_148, %jit3A_149, %jit3A_146 : i32
        %rem3A_151 = arith.remsi %sub3A_49, %select_n3A_150 : i32
        %ne3A_152 = arith.constant 0 : i32
        %ne3A_153 = arith.cmpi ne, %rem3A_151, %ne3A_152 : i32
        %lt3A_154 = arith.constant 0 : i32
        %lt3A_155 = arith.cmpi slt, %rem3A_151, %lt3A_154 : i32
        %lt3A_156 = arith.constant 0 : i32
        %lt3A_157 = arith.cmpi slt, %select_n3A_150, %lt3A_156 : i32
        %ne3A_158 = arith.xori %lt3A_155, %lt3A_157 : i1
        %and3A_159 = arith.andi %ne3A_158, %ne3A_153 : i1
        %add3A_160 = arith.addi %rem3A_151, %select_n3A_150 : i32
        %select_n3A_161 = arith.select %and3A_159, %add3A_160, %rem3A_151 : i32
        %eq3A_162 = arith.constant 2 : i32
        %eq3A_163 = arith.cmpi eq, %select_n3A_161, %eq3A_162 : i32
        %convert_element_type3A_164 = arith.extui %eq3A_163 : i1 to i32
        %cond3A_165 = arith.constant 0 : i32
        %cond3A_166 = arith.cmpi ne, %convert_element_type3A_164, %cond3A_165 : i32
        scf.if %cond3A_166 {
          %dma_wait3A = arith.constant 0 : i32
          %dma_wait3A_204 = arith.constant 0 : i32
          %dma_wait3A_205 = arith.constant 0 : i32
          %dma_wait3A_206 = arith.constant 2 : i32
          %dma_wait3A_207 = arith.constant 0 : i32
          %dma_wait3A_208 = arith.constant 0 : i32
          %dma_wait3A_209 = tpu.memref_slice %arg7[%dma_wait3A_206, %dma_wait3A_207, %dma_wait3A_208] : memref<4x64x64xf32, #tpu.memory_space<vmem>> -> memref<1x64x64xf32, #tpu.memory_space<vmem>>
          %dma_wait3A_210 = tpu.memref_squeeze %dma_wait3A_209 : memref<1x64x64xf32, #tpu.memory_space<vmem>> -> memref<64x64xf32, #tpu.memory_space<vmem>>
          %dma_wait3A_211 = arith.constant 0 : i32
          %dma_wait3A_212 = tpu.memref_slice %arg6[%dma_wait3A, %dma_wait3A_204, %dma_wait3A_205, %dma_wait3A_211] : memref<2x16x2x64xi32, #tpu.memory_space<vmem>> -> memref<1x1x1x64xi32, #tpu.memory_space<vmem>>
          %dma_wait3A_213 = tpu.memref_squeeze %dma_wait3A_212 : memref<1x1x1x64xi32, #tpu.memory_space<vmem>> -> memref<64xi32, #tpu.memory_space<vmem>>
          %dma_wait3A_214 = arith.constant 0 : i32
          %dma_wait3A_215 = arith.constant 0 : i32
          %dma_wait3A_216 = tpu.memref_slice %arg2[%dma_wait3A_214, %dma_wait3A_215] : memref<10112x64xf32, #tpu.memory_space<hbm>> -> memref<10112x64xf32, #tpu.memory_space<hbm>>
          tpu.wait_indirect_dma semaphore(%arg11 : memref<!tpu.dma_semaphore, #tpu.memory_space<semaphore_mem>>) src(%dma_wait3A_216 : memref<10112x64xf32, #tpu.memory_space<hbm>>) dst(%dma_wait3A_210 : memref<64x64xf32, #tpu.memory_space<vmem>>)
        } else {
        }
        %jit3A_167 = arith.constant 4 : i32
        %eq3A_168 = arith.constant 0 : i32
        %eq3A_169 = arith.cmpi eq, %jit3A_167, %eq3A_168 : i32
        %jit3A_170 = arith.constant 1 : i32
        %select_n3A_171 = arith.select %eq3A_169, %jit3A_170, %jit3A_167 : i32
        %rem3A_172 = arith.remsi %sub3A_49, %select_n3A_171 : i32
        %ne3A_173 = arith.constant 0 : i32
        %ne3A_174 = arith.cmpi ne, %rem3A_172, %ne3A_173 : i32
        %lt3A_175 = arith.constant 0 : i32
        %lt3A_176 = arith.cmpi slt, %rem3A_172, %lt3A_175 : i32
        %lt3A_177 = arith.constant 0 : i32
        %lt3A_178 = arith.cmpi slt, %select_n3A_171, %lt3A_177 : i32
        %ne3A_179 = arith.xori %lt3A_176, %lt3A_178 : i1
        %and3A_180 = arith.andi %ne3A_179, %ne3A_174 : i1
        %add3A_181 = arith.addi %rem3A_172, %select_n3A_171 : i32
        %select_n3A_182 = arith.select %and3A_180, %add3A_181, %rem3A_172 : i32
        %eq3A_183 = arith.constant 3 : i32
        %eq3A_184 = arith.cmpi eq, %select_n3A_182, %eq3A_183 : i32
        %convert_element_type3A_185 = arith.extui %eq3A_184 : i1 to i32
        %cond3A_186 = arith.constant 0 : i32
        %cond3A_187 = arith.cmpi ne, %convert_element_type3A_185, %cond3A_186 : i32
        scf.if %cond3A_187 {
          %dma_wait3A = arith.constant 0 : i32
          %dma_wait3A_204 = arith.constant 0 : i32
          %dma_wait3A_205 = arith.constant 0 : i32
          %dma_wait3A_206 = arith.constant 3 : i32
          %dma_wait3A_207 = arith.constant 0 : i32
          %dma_wait3A_208 = arith.constant 0 : i32
          %dma_wait3A_209 = tpu.memref_slice %arg7[%dma_wait3A_206, %dma_wait3A_207, %dma_wait3A_208] : memref<4x64x64xf32, #tpu.memory_space<vmem>> -> memref<1x64x64xf32, #tpu.memory_space<vmem>>
          %dma_wait3A_210 = tpu.memref_squeeze %dma_wait3A_209 : memref<1x64x64xf32, #tpu.memory_space<vmem>> -> memref<64x64xf32, #tpu.memory_space<vmem>>
          %dma_wait3A_211 = arith.constant 0 : i32
          %dma_wait3A_212 = tpu.memref_slice %arg6[%dma_wait3A, %dma_wait3A_204, %dma_wait3A_205, %dma_wait3A_211] : memref<2x16x2x64xi32, #tpu.memory_space<vmem>> -> memref<1x1x1x64xi32, #tpu.memory_space<vmem>>
          %dma_wait3A_213 = tpu.memref_squeeze %dma_wait3A_212 : memref<1x1x1x64xi32, #tpu.memory_space<vmem>> -> memref<64xi32, #tpu.memory_space<vmem>>
          %dma_wait3A_214 = arith.constant 0 : i32
          %dma_wait3A_215 = arith.constant 0 : i32
          %dma_wait3A_216 = tpu.memref_slice %arg2[%dma_wait3A_214, %dma_wait3A_215] : memref<10112x64xf32, #tpu.memory_space<hbm>> -> memref<10112x64xf32, #tpu.memory_space<hbm>>
          tpu.wait_indirect_dma semaphore(%arg12 : memref<!tpu.dma_semaphore, #tpu.memory_space<semaphore_mem>>) src(%dma_wait3A_216 : memref<10112x64xf32, #tpu.memory_space<hbm>>) dst(%dma_wait3A_210 : memref<64x64xf32, #tpu.memory_space<vmem>>)
        } else {
        }
        %jit3A_188 = arith.constant 4 : i32
        %eq3A_189 = arith.constant 0 : i32
        %eq3A_190 = arith.cmpi eq, %jit3A_188, %eq3A_189 : i32
        %jit3A_191 = arith.constant 1 : i32
        %select_n3A_192 = arith.select %eq3A_190, %jit3A_191, %jit3A_188 : i32
        %rem3A_193 = arith.remsi %sub3A_49, %select_n3A_192 : i32
        %ne3A_194 = arith.constant 0 : i32
        %ne3A_195 = arith.cmpi ne, %rem3A_193, %ne3A_194 : i32
        %lt3A_196 = arith.constant 0 : i32
        %lt3A_197 = arith.cmpi slt, %rem3A_193, %lt3A_196 : i32
        %lt3A_198 = arith.constant 0 : i32
        %lt3A_199 = arith.cmpi slt, %select_n3A_192, %lt3A_198 : i32
        %ne3A_200 = arith.xori %lt3A_197, %lt3A_199 : i1
        %and3A_201 = arith.andi %ne3A_200, %ne3A_195 : i1
        %add3A_202 = arith.addi %rem3A_193, %select_n3A_192 : i32
        %select_n3A_203 = arith.select %and3A_201, %add3A_202, %rem3A_193 : i32
        %run_scoped3A = arith.constant 1 : i32
        "tpu.region"() ({
          %run_scoped3A_204 = tpu.sem_alloc : memref<!tpu.dma_semaphore, #tpu.memory_space<semaphore_mem>>
          %dma_start3A = arith.constant 0 : i32
          %dma_start3A_205 = arith.constant 0 : i32
          %dma_start3A_206 = tpu.memref_slice %arg7[%select_n3A_203, %dma_start3A, %dma_start3A_205] : memref<4x64x64xf32, #tpu.memory_space<vmem>> -> memref<1x64x64xf32, #tpu.memory_space<vmem>>
          %dma_start3A_207 = tpu.memref_squeeze %dma_start3A_206 : memref<1x64x64xf32, #tpu.memory_space<vmem>> -> memref<64x64xf32, #tpu.memory_space<vmem>>
          %dma_start3A_208 = arith.constant 0 : i32
          %dma_start3A_209 = tpu.memref_slice %arg6[%select_n3A_87, %select_n3A_103, %run_scoped3A, %dma_start3A_208] : memref<2x16x2x64xi32, #tpu.memory_space<vmem>> -> memref<1x1x1x64xi32, #tpu.memory_space<vmem>>
          %dma_start3A_210 = tpu.memref_squeeze %dma_start3A_209 : memref<1x1x1x64xi32, #tpu.memory_space<vmem>> -> memref<64xi32, #tpu.memory_space<vmem>>
          %dma_start3A_211 = arith.constant 0 : i32
          %dma_start3A_212 = arith.constant 0 : i32
          %dma_start3A_213 = tpu.memref_slice %arg8[%dma_start3A_211, %dma_start3A_212] : memref<10112x64xf32, #tpu.memory_space<vmem_shared>> -> memref<10112x64xf32, #tpu.memory_space<vmem_shared>>
          tpu.enqueue_indirect_dma source(%dma_start3A_207 : memref<64x64xf32, #tpu.memory_space<vmem>>) target(%dma_start3A_213 : memref<10112x64xf32, #tpu.memory_space<vmem_shared>>) offsets(%dma_start3A_210 : memref<64xi32, #tpu.memory_space<vmem>>) semaphore(%run_scoped3A_204 : memref<!tpu.dma_semaphore, #tpu.memory_space<semaphore_mem>>) {add = true}
          %dma_wait3A = arith.constant 0 : i32
          %dma_wait3A_214 = arith.constant 0 : i32
          %dma_wait3A_215 = tpu.memref_slice %arg7[%select_n3A_203, %dma_wait3A, %dma_wait3A_214] : memref<4x64x64xf32, #tpu.memory_space<vmem>> -> memref<1x64x64xf32, #tpu.memory_space<vmem>>
          %dma_wait3A_216 = tpu.memref_squeeze %dma_wait3A_215 : memref<1x64x64xf32, #tpu.memory_space<vmem>> -> memref<64x64xf32, #tpu.memory_space<vmem>>
          %dma_wait3A_217 = arith.constant 0 : i32
          %dma_wait3A_218 = tpu.memref_slice %arg6[%select_n3A_87, %select_n3A_103, %run_scoped3A, %dma_wait3A_217] : memref<2x16x2x64xi32, #tpu.memory_space<vmem>> -> memref<1x1x1x64xi32, #tpu.memory_space<vmem>>
          %dma_wait3A_219 = tpu.memref_squeeze %dma_wait3A_218 : memref<1x1x1x64xi32, #tpu.memory_space<vmem>> -> memref<64xi32, #tpu.memory_space<vmem>>
          %dma_wait3A_220 = arith.constant 0 : i32
          %dma_wait3A_221 = arith.constant 0 : i32
          %dma_wait3A_222 = tpu.memref_slice %arg8[%dma_wait3A_220, %dma_wait3A_221] : memref<10112x64xf32, #tpu.memory_space<vmem_shared>> -> memref<10112x64xf32, #tpu.memory_space<vmem_shared>>
          tpu.wait_indirect_dma semaphore(%run_scoped3A_204 : memref<!tpu.dma_semaphore, #tpu.memory_space<semaphore_mem>>) src(%dma_wait3A_216 : memref<64x64xf32, #tpu.memory_space<vmem>>) dst(%dma_wait3A_222 : memref<10112x64xf32, #tpu.memory_space<vmem_shared>>)
          tpu.yield
        }) : () -> ()
      } else {
      }
    }
    %while3A_17 = arith.constant 1 : i32
    scf.for %while3A_23 = %while3A_15 to %while3A_11 step %while3A_17  : i32 {
      %lt3A = arith.cmpi slt, %while3A_23, %select_n3A : i32
      %jit3A_24 = arith.constant 16 : i32
      %eq3A_25 = arith.constant 0 : i32
      %eq3A_26 = arith.cmpi eq, %jit3A_24, %eq3A_25 : i32
      %jit3A_27 = arith.constant 1 : i32
      %select_n3A_28 = arith.select %eq3A_26, %jit3A_27, %jit3A_24 : i32
      %rem3A = arith.remsi %while3A_23, %select_n3A_28 : i32
      %ne3A = arith.constant 0 : i32
      %ne3A_29 = arith.cmpi ne, %rem3A, %ne3A : i32
      %lt3A_30 = arith.constant 0 : i32
      %lt3A_31 = arith.cmpi slt, %rem3A, %lt3A_30 : i32
      %lt3A_32 = arith.constant 0 : i32
      %lt3A_33 = arith.cmpi slt, %select_n3A_28, %lt3A_32 : i32
      %ne3A_34 = arith.xori %lt3A_31, %lt3A_33 : i1
      %and3A = arith.andi %ne3A_34, %ne3A_29 : i1
      %add3A_35 = arith.addi %rem3A, %select_n3A_28 : i32
      %select_n3A_36 = arith.select %and3A, %add3A_35, %rem3A : i32
      %eq3A_37 = arith.constant 0 : i32
      %eq3A_38 = arith.cmpi eq, %select_n3A_36, %eq3A_37 : i32
      %and3A_39 = arith.andi %lt3A, %eq3A_38 : i1
      %convert_element_type3A = arith.extui %and3A_39 : i1 to i32
      %cond3A = arith.constant 0 : i32
      %cond3A_40 = arith.cmpi ne, %convert_element_type3A, %cond3A : i32
      scf.if %cond3A_40 {
        %add3A_49 = arith.addi %add3A, %while3A_23 : i32
        %jit3A_50 = arith.constant 16 : i32
        %div3A = arith.divsi %while3A_23, %jit3A_50 : i32
        %sign3A = arith.constant 0 : i32
        %sign3A_51 = arith.cmpi sgt, %while3A_23, %sign3A : i32
        %sign3A_52 = arith.extui %sign3A_51 : i1 to i32
        %sign3A_53 = arith.constant 0 : i32
        %sign3A_54 = arith.cmpi slt, %while3A_23, %sign3A_53 : i32
        %sign3A_55 = arith.extui %sign3A_54 : i1 to i32
        %sign3A_56 = arith.subi %sign3A_52, %sign3A_55 : i32
        %sign3A_57 = arith.constant 0 : i32
        %sign3A_58 = arith.cmpi sgt, %jit3A_50, %sign3A_57 : i32
        %sign3A_59 = arith.extui %sign3A_58 : i1 to i32
        %sign3A_60 = arith.constant 0 : i32
        %sign3A_61 = arith.cmpi slt, %jit3A_50, %sign3A_60 : i32
        %sign3A_62 = arith.extui %sign3A_61 : i1 to i32
        %sign3A_63 = arith.subi %sign3A_59, %sign3A_62 : i32
        %ne3A_64 = arith.cmpi ne, %sign3A_56, %sign3A_63 : i32
        %rem3A_65 = arith.remsi %while3A_23, %jit3A_50 : i32
        %ne3A_66 = arith.constant 0 : i32
        %ne3A_67 = arith.cmpi ne, %rem3A_65, %ne3A_66 : i32
        %and3A_68 = arith.andi %ne3A_64, %ne3A_67 : i1
        %sub3A = arith.constant 1 : i32
        %sub3A_69 = arith.subi %div3A, %sub3A : i32
        %select_n3A_70 = arith.select %and3A_68, %sub3A_69, %div3A : i32
        %jit3A_71 = arith.constant 2 : i32
        %eq3A_72 = arith.constant 0 : i32
        %eq3A_73 = arith.cmpi eq, %jit3A_71, %eq3A_72 : i32
        %jit3A_74 = arith.constant 1 : i32
        %select_n3A_75 = arith.select %eq3A_73, %jit3A_74, %jit3A_71 : i32
        %rem3A_76 = arith.remsi %select_n3A_70, %select_n3A_75 : i32
        %ne3A_77 = arith.constant 0 : i32
        %ne3A_78 = arith.cmpi ne, %rem3A_76, %ne3A_77 : i32
        %lt3A_79 = arith.constant 0 : i32
        %lt3A_80 = arith.cmpi slt, %rem3A_76, %lt3A_79 : i32
        %lt3A_81 = arith.constant 0 : i32
        %lt3A_82 = arith.cmpi slt, %select_n3A_75, %lt3A_81 : i32
        %ne3A_83 = arith.xori %lt3A_80, %lt3A_82 : i1
        %and3A_84 = arith.andi %ne3A_83, %ne3A_78 : i1
        %add3A_85 = arith.addi %rem3A_76, %select_n3A_75 : i32
        %select_n3A_86 = arith.select %and3A_84, %add3A_85, %rem3A_76 : i32
        "tpu.region"() ({
          %run_scoped3A = tpu.sem_alloc : memref<!tpu.dma_semaphore, #tpu.memory_space<semaphore_mem>>
          %dma_start3A = arith.constant 0 : i32
          %dma_start3A_87 = arith.constant 0 : i32
          %dma_start3A_88 = arith.constant 0 : i32
          %dma_start3A_89 = tpu.memref_slice %arg6[%select_n3A_86, %dma_start3A, %dma_start3A_87, %dma_start3A_88] : memref<2x16x2x64xi32, #tpu.memory_space<vmem>> -> memref<1x16x2x64xi32, #tpu.memory_space<vmem>>
          %dma_start3A_90 = tpu.memref_squeeze %dma_start3A_89 : memref<1x16x2x64xi32, #tpu.memory_space<vmem>> -> memref<16x2x64xi32, #tpu.memory_space<vmem>>
          %dma_start3A_91 = arith.constant 0 : i32
          %dma_start3A_92 = arith.constant 0 : i32
          %dma_start3A_93 = tpu.memref_slice %arg3[%add3A_49, %dma_start3A_91, %dma_start3A_92] : memref<5120x2x64xi32, #tpu.memory_space<hbm>> -> memref<16x2x64xi32, #tpu.memory_space<hbm>>
          %dma_start3A_94 = arith.constant 0 : i32
          %dma_start3A_95 = arith.constant 0 : i32
          %dma_start3A_96 = arith.constant 0 : i32
          %dma_start3A_97 = tpu.memref_slice %arg6[%select_n3A_86, %dma_start3A_94, %dma_start3A_95, %dma_start3A_96] : memref<2x16x2x64xi32, #tpu.memory_space<vmem>> -> memref<1x16x2x64xi32, #tpu.memory_space<vmem>>
          %dma_start3A_98 = tpu.memref_squeeze %dma_start3A_97 : memref<1x16x2x64xi32, #tpu.memory_space<vmem>> -> memref<16x2x64xi32, #tpu.memory_space<vmem>>
          %dma_start3A_99 = arith.constant 0 : i32
          %dma_start3A_100 = arith.constant 0 : i32
          %dma_start3A_101 = tpu.memref_slice %arg3[%add3A_49, %dma_start3A_99, %dma_start3A_100] : memref<5120x2x64xi32, #tpu.memory_space<hbm>> -> memref<16x2x64xi32, #tpu.memory_space<hbm>>
          tpu.enqueue_dma source(%dma_start3A_101 : memref<16x2x64xi32, #tpu.memory_space<hbm>>) target(%dma_start3A_98 : memref<16x2x64xi32, #tpu.memory_space<vmem>>) target_semaphore(%run_scoped3A : memref<!tpu.dma_semaphore, #tpu.memory_space<semaphore_mem>>)
          %dma_wait3A = arith.constant 0 : i32
          %dma_wait3A_102 = arith.constant 0 : i32
          %dma_wait3A_103 = arith.constant 0 : i32
          %dma_wait3A_104 = tpu.memref_slice %arg6[%select_n3A_86, %dma_wait3A, %dma_wait3A_102, %dma_wait3A_103] : memref<2x16x2x64xi32, #tpu.memory_space<vmem>> -> memref<1x16x2x64xi32, #tpu.memory_space<vmem>>
          %dma_wait3A_105 = tpu.memref_squeeze %dma_wait3A_104 : memref<1x16x2x64xi32, #tpu.memory_space<vmem>> -> memref<16x2x64xi32, #tpu.memory_space<vmem>>
          %dma_wait3A_106 = arith.constant 0 : i32
          %dma_wait3A_107 = arith.constant 0 : i32
          %dma_wait3A_108 = tpu.memref_slice %arg3[%add3A_49, %dma_wait3A_106, %dma_wait3A_107] : memref<5120x2x64xi32, #tpu.memory_space<hbm>> -> memref<16x2x64xi32, #tpu.memory_space<hbm>>
          %dma_wait3A_109 = arith.constant 0 : i32
          %dma_wait3A_110 = arith.constant 0 : i32
          %dma_wait3A_111 = arith.constant 0 : i32
          %dma_wait3A_112 = tpu.memref_slice %arg6[%select_n3A_86, %dma_wait3A_109, %dma_wait3A_110, %dma_wait3A_111] : memref<2x16x2x64xi32, #tpu.memory_space<vmem>> -> memref<1x16x2x64xi32, #tpu.memory_space<vmem>>
          %dma_wait3A_113 = tpu.memref_squeeze %dma_wait3A_112 : memref<1x16x2x64xi32, #tpu.memory_space<vmem>> -> memref<16x2x64xi32, #tpu.memory_space<vmem>>
          %dma_wait3A_114 = arith.constant 0 : i32
          %dma_wait3A_115 = arith.constant 0 : i32
          %dma_wait3A_116 = tpu.memref_slice %arg3[%add3A_49, %dma_wait3A_114, %dma_wait3A_115] : memref<5120x2x64xi32, #tpu.memory_space<hbm>> -> memref<16x2x64xi32, #tpu.memory_space<hbm>>
          tpu.wait_dma2 semaphore(%run_scoped3A : memref<!tpu.dma_semaphore, #tpu.memory_space<semaphore_mem>>) src(%dma_wait3A_116 : memref<16x2x64xi32, #tpu.memory_space<hbm>>) dst(%dma_wait3A_113 : memref<16x2x64xi32, #tpu.memory_space<vmem>>)
          tpu.yield
        }) : () -> ()
      } else {
      }
      %lt3A_41 = arith.cmpi slt, %while3A_23, %select_n3A : i32
      %convert_element_type3A_42 = arith.extui %lt3A_41 : i1 to i32
      %cond3A_43 = arith.constant 0 : i32
      %cond3A_44 = arith.cmpi ne, %convert_element_type3A_42, %cond3A_43 : i32
      scf.if %cond3A_44 {
        %jit3A_49 = arith.constant 16 : i32
        %div3A = arith.divsi %while3A_23, %jit3A_49 : i32
        %sign3A = arith.constant 0 : i32
        %sign3A_50 = arith.cmpi sgt, %while3A_23, %sign3A : i32
        %sign3A_51 = arith.extui %sign3A_50 : i1 to i32
        %sign3A_52 = arith.constant 0 : i32
        %sign3A_53 = arith.cmpi slt, %while3A_23, %sign3A_52 : i32
        %sign3A_54 = arith.extui %sign3A_53 : i1 to i32
        %sign3A_55 = arith.subi %sign3A_51, %sign3A_54 : i32
        %sign3A_56 = arith.constant 0 : i32
        %sign3A_57 = arith.cmpi sgt, %jit3A_49, %sign3A_56 : i32
        %sign3A_58 = arith.extui %sign3A_57 : i1 to i32
        %sign3A_59 = arith.constant 0 : i32
        %sign3A_60 = arith.cmpi slt, %jit3A_49, %sign3A_59 : i32
        %sign3A_61 = arith.extui %sign3A_60 : i1 to i32
        %sign3A_62 = arith.subi %sign3A_58, %sign3A_61 : i32
        %ne3A_63 = arith.cmpi ne, %sign3A_55, %sign3A_62 : i32
        %rem3A_64 = arith.remsi %while3A_23, %jit3A_49 : i32
        %ne3A_65 = arith.constant 0 : i32
        %ne3A_66 = arith.cmpi ne, %rem3A_64, %ne3A_65 : i32
        %and3A_67 = arith.andi %ne3A_63, %ne3A_66 : i1
        %sub3A = arith.constant 1 : i32
        %sub3A_68 = arith.subi %div3A, %sub3A : i32
        %select_n3A_69 = arith.select %and3A_67, %sub3A_68, %div3A : i32
        %jit3A_70 = arith.constant 2 : i32
        %eq3A_71 = arith.constant 0 : i32
        %eq3A_72 = arith.cmpi eq, %jit3A_70, %eq3A_71 : i32
        %jit3A_73 = arith.constant 1 : i32
        %select_n3A_74 = arith.select %eq3A_72, %jit3A_73, %jit3A_70 : i32
        %rem3A_75 = arith.remsi %select_n3A_69, %select_n3A_74 : i32
        %ne3A_76 = arith.constant 0 : i32
        %ne3A_77 = arith.cmpi ne, %rem3A_75, %ne3A_76 : i32
        %lt3A_78 = arith.constant 0 : i32
        %lt3A_79 = arith.cmpi slt, %rem3A_75, %lt3A_78 : i32
        %lt3A_80 = arith.constant 0 : i32
        %lt3A_81 = arith.cmpi slt, %select_n3A_74, %lt3A_80 : i32
        %ne3A_82 = arith.xori %lt3A_79, %lt3A_81 : i1
        %and3A_83 = arith.andi %ne3A_82, %ne3A_77 : i1
        %add3A_84 = arith.addi %rem3A_75, %select_n3A_74 : i32
        %select_n3A_85 = arith.select %and3A_83, %add3A_84, %rem3A_75 : i32
        %jit3A_86 = arith.constant 16 : i32
        %eq3A_87 = arith.constant 0 : i32
        %eq3A_88 = arith.cmpi eq, %jit3A_86, %eq3A_87 : i32
        %jit3A_89 = arith.constant 1 : i32
        %select_n3A_90 = arith.select %eq3A_88, %jit3A_89, %jit3A_86 : i32
        %rem3A_91 = arith.remsi %while3A_23, %select_n3A_90 : i32
        %ne3A_92 = arith.constant 0 : i32
        %ne3A_93 = arith.cmpi ne, %rem3A_91, %ne3A_92 : i32
        %lt3A_94 = arith.constant 0 : i32
        %lt3A_95 = arith.cmpi slt, %rem3A_91, %lt3A_94 : i32
        %lt3A_96 = arith.constant 0 : i32
        %lt3A_97 = arith.cmpi slt, %select_n3A_90, %lt3A_96 : i32
        %ne3A_98 = arith.xori %lt3A_95, %lt3A_97 : i1
        %and3A_99 = arith.andi %ne3A_98, %ne3A_93 : i1
        %add3A_100 = arith.addi %rem3A_91, %select_n3A_90 : i32
        %select_n3A_101 = arith.select %and3A_99, %add3A_100, %rem3A_91 : i32
        %jit3A_102 = arith.constant 4 : i32
        %eq3A_103 = arith.constant 0 : i32
        %eq3A_104 = arith.cmpi eq, %jit3A_102, %eq3A_103 : i32
        %jit3A_105 = arith.constant 1 : i32
        %select_n3A_106 = arith.select %eq3A_104, %jit3A_105, %jit3A_102 : i32
        %rem3A_107 = arith.remsi %while3A_23, %select_n3A_106 : i32
        %ne3A_108 = arith.constant 0 : i32
        %ne3A_109 = arith.cmpi ne, %rem3A_107, %ne3A_108 : i32
        %lt3A_110 = arith.constant 0 : i32
        %lt3A_111 = arith.cmpi slt, %rem3A_107, %lt3A_110 : i32
        %lt3A_112 = arith.constant 0 : i32
        %lt3A_113 = arith.cmpi slt, %select_n3A_106, %lt3A_112 : i32
        %ne3A_114 = arith.xori %lt3A_111, %lt3A_113 : i1
        %and3A_115 = arith.andi %ne3A_114, %ne3A_109 : i1
        %add3A_116 = arith.addi %rem3A_107, %select_n3A_106 : i32
        %select_n3A_117 = arith.select %and3A_115, %add3A_116, %rem3A_107 : i32
        %eq3A_118 = arith.constant 0 : i32
        %eq3A_119 = arith.cmpi eq, %select_n3A_117, %eq3A_118 : i32
        %convert_element_type3A_120 = arith.extui %eq3A_119 : i1 to i32
        %cond3A_121 = arith.constant 0 : i32
        %cond3A_122 = arith.cmpi ne, %convert_element_type3A_120, %cond3A_121 : i32
        scf.if %cond3A_122 {
          %dma_start3A = arith.constant 0 : i32
          %dma_start3A_186 = arith.constant 0 : i32
          %dma_start3A_187 = arith.constant 0 : i32
          %dma_start3A_188 = arith.constant 0 : i32
          %dma_start3A_189 = tpu.memref_slice %arg7[%dma_start3A_186, %dma_start3A_187, %dma_start3A_188] : memref<4x64x64xf32, #tpu.memory_space<vmem>> -> memref<1x64x64xf32, #tpu.memory_space<vmem>>
          %dma_start3A_190 = tpu.memref_squeeze %dma_start3A_189 : memref<1x64x64xf32, #tpu.memory_space<vmem>> -> memref<64x64xf32, #tpu.memory_space<vmem>>
          %dma_start3A_191 = arith.constant 0 : i32
          %dma_start3A_192 = tpu.memref_slice %arg6[%select_n3A_85, %select_n3A_101, %dma_start3A, %dma_start3A_191] : memref<2x16x2x64xi32, #tpu.memory_space<vmem>> -> memref<1x1x1x64xi32, #tpu.memory_space<vmem>>
          %dma_start3A_193 = tpu.memref_squeeze %dma_start3A_192 : memref<1x1x1x64xi32, #tpu.memory_space<vmem>> -> memref<64xi32, #tpu.memory_space<vmem>>
          %dma_start3A_194 = arith.constant 0 : i32
          %dma_start3A_195 = arith.constant 0 : i32
          %dma_start3A_196 = tpu.memref_slice %arg2[%dma_start3A_194, %dma_start3A_195] : memref<10112x64xf32, #tpu.memory_space<hbm>> -> memref<10112x64xf32, #tpu.memory_space<hbm>>
          tpu.enqueue_indirect_dma source(%dma_start3A_196 : memref<10112x64xf32, #tpu.memory_space<hbm>>) target(%dma_start3A_190 : memref<64x64xf32, #tpu.memory_space<vmem>>) offsets(%dma_start3A_193 : memref<64xi32, #tpu.memory_space<vmem>>) semaphore(%arg9 : memref<!tpu.dma_semaphore, #tpu.memory_space<semaphore_mem>>)
        } else {
        }
        %jit3A_123 = arith.constant 4 : i32
        %eq3A_124 = arith.constant 0 : i32
        %eq3A_125 = arith.cmpi eq, %jit3A_123, %eq3A_124 : i32
        %jit3A_126 = arith.constant 1 : i32
        %select_n3A_127 = arith.select %eq3A_125, %jit3A_126, %jit3A_123 : i32
        %rem3A_128 = arith.remsi %while3A_23, %select_n3A_127 : i32
        %ne3A_129 = arith.constant 0 : i32
        %ne3A_130 = arith.cmpi ne, %rem3A_128, %ne3A_129 : i32
        %lt3A_131 = arith.constant 0 : i32
        %lt3A_132 = arith.cmpi slt, %rem3A_128, %lt3A_131 : i32
        %lt3A_133 = arith.constant 0 : i32
        %lt3A_134 = arith.cmpi slt, %select_n3A_127, %lt3A_133 : i32
        %ne3A_135 = arith.xori %lt3A_132, %lt3A_134 : i1
        %and3A_136 = arith.andi %ne3A_135, %ne3A_130 : i1
        %add3A_137 = arith.addi %rem3A_128, %select_n3A_127 : i32
        %select_n3A_138 = arith.select %and3A_136, %add3A_137, %rem3A_128 : i32
        %eq3A_139 = arith.constant 1 : i32
        %eq3A_140 = arith.cmpi eq, %select_n3A_138, %eq3A_139 : i32
        %convert_element_type3A_141 = arith.extui %eq3A_140 : i1 to i32
        %cond3A_142 = arith.constant 0 : i32
        %cond3A_143 = arith.cmpi ne, %convert_element_type3A_141, %cond3A_142 : i32
        scf.if %cond3A_143 {
          %dma_start3A = arith.constant 0 : i32
          %dma_start3A_186 = arith.constant 1 : i32
          %dma_start3A_187 = arith.constant 0 : i32
          %dma_start3A_188 = arith.constant 0 : i32
          %dma_start3A_189 = tpu.memref_slice %arg7[%dma_start3A_186, %dma_start3A_187, %dma_start3A_188] : memref<4x64x64xf32, #tpu.memory_space<vmem>> -> memref<1x64x64xf32, #tpu.memory_space<vmem>>
          %dma_start3A_190 = tpu.memref_squeeze %dma_start3A_189 : memref<1x64x64xf32, #tpu.memory_space<vmem>> -> memref<64x64xf32, #tpu.memory_space<vmem>>
          %dma_start3A_191 = arith.constant 0 : i32
          %dma_start3A_192 = tpu.memref_slice %arg6[%select_n3A_85, %select_n3A_101, %dma_start3A, %dma_start3A_191] : memref<2x16x2x64xi32, #tpu.memory_space<vmem>> -> memref<1x1x1x64xi32, #tpu.memory_space<vmem>>
          %dma_start3A_193 = tpu.memref_squeeze %dma_start3A_192 : memref<1x1x1x64xi32, #tpu.memory_space<vmem>> -> memref<64xi32, #tpu.memory_space<vmem>>
          %dma_start3A_194 = arith.constant 0 : i32
          %dma_start3A_195 = arith.constant 0 : i32
          %dma_start3A_196 = tpu.memref_slice %arg2[%dma_start3A_194, %dma_start3A_195] : memref<10112x64xf32, #tpu.memory_space<hbm>> -> memref<10112x64xf32, #tpu.memory_space<hbm>>
          tpu.enqueue_indirect_dma source(%dma_start3A_196 : memref<10112x64xf32, #tpu.memory_space<hbm>>) target(%dma_start3A_190 : memref<64x64xf32, #tpu.memory_space<vmem>>) offsets(%dma_start3A_193 : memref<64xi32, #tpu.memory_space<vmem>>) semaphore(%arg10 : memref<!tpu.dma_semaphore, #tpu.memory_space<semaphore_mem>>)
        } else {
        }
        %jit3A_144 = arith.constant 4 : i32
        %eq3A_145 = arith.constant 0 : i32
        %eq3A_146 = arith.cmpi eq, %jit3A_144, %eq3A_145 : i32
        %jit3A_147 = arith.constant 1 : i32
        %select_n3A_148 = arith.select %eq3A_146, %jit3A_147, %jit3A_144 : i32
        %rem3A_149 = arith.remsi %while3A_23, %select_n3A_148 : i32
        %ne3A_150 = arith.constant 0 : i32
        %ne3A_151 = arith.cmpi ne, %rem3A_149, %ne3A_150 : i32
        %lt3A_152 = arith.constant 0 : i32
        %lt3A_153 = arith.cmpi slt, %rem3A_149, %lt3A_152 : i32
        %lt3A_154 = arith.constant 0 : i32
        %lt3A_155 = arith.cmpi slt, %select_n3A_148, %lt3A_154 : i32
        %ne3A_156 = arith.xori %lt3A_153, %lt3A_155 : i1
        %and3A_157 = arith.andi %ne3A_156, %ne3A_151 : i1
        %add3A_158 = arith.addi %rem3A_149, %select_n3A_148 : i32
        %select_n3A_159 = arith.select %and3A_157, %add3A_158, %rem3A_149 : i32
        %eq3A_160 = arith.constant 2 : i32
        %eq3A_161 = arith.cmpi eq, %select_n3A_159, %eq3A_160 : i32
        %convert_element_type3A_162 = arith.extui %eq3A_161 : i1 to i32
        %cond3A_163 = arith.constant 0 : i32
        %cond3A_164 = arith.cmpi ne, %convert_element_type3A_162, %cond3A_163 : i32
        scf.if %cond3A_164 {
          %dma_start3A = arith.constant 0 : i32
          %dma_start3A_186 = arith.constant 2 : i32
          %dma_start3A_187 = arith.constant 0 : i32
          %dma_start3A_188 = arith.constant 0 : i32
          %dma_start3A_189 = tpu.memref_slice %arg7[%dma_start3A_186, %dma_start3A_187, %dma_start3A_188] : memref<4x64x64xf32, #tpu.memory_space<vmem>> -> memref<1x64x64xf32, #tpu.memory_space<vmem>>
          %dma_start3A_190 = tpu.memref_squeeze %dma_start3A_189 : memref<1x64x64xf32, #tpu.memory_space<vmem>> -> memref<64x64xf32, #tpu.memory_space<vmem>>
          %dma_start3A_191 = arith.constant 0 : i32
          %dma_start3A_192 = tpu.memref_slice %arg6[%select_n3A_85, %select_n3A_101, %dma_start3A, %dma_start3A_191] : memref<2x16x2x64xi32, #tpu.memory_space<vmem>> -> memref<1x1x1x64xi32, #tpu.memory_space<vmem>>
          %dma_start3A_193 = tpu.memref_squeeze %dma_start3A_192 : memref<1x1x1x64xi32, #tpu.memory_space<vmem>> -> memref<64xi32, #tpu.memory_space<vmem>>
          %dma_start3A_194 = arith.constant 0 : i32
          %dma_start3A_195 = arith.constant 0 : i32
          %dma_start3A_196 = tpu.memref_slice %arg2[%dma_start3A_194, %dma_start3A_195] : memref<10112x64xf32, #tpu.memory_space<hbm>> -> memref<10112x64xf32, #tpu.memory_space<hbm>>
          tpu.enqueue_indirect_dma source(%dma_start3A_196 : memref<10112x64xf32, #tpu.memory_space<hbm>>) target(%dma_start3A_190 : memref<64x64xf32, #tpu.memory_space<vmem>>) offsets(%dma_start3A_193 : memref<64xi32, #tpu.memory_space<vmem>>) semaphore(%arg11 : memref<!tpu.dma_semaphore, #tpu.memory_space<semaphore_mem>>)
        } else {
        }
        %jit3A_165 = arith.constant 4 : i32
        %eq3A_166 = arith.constant 0 : i32
        %eq3A_167 = arith.cmpi eq, %jit3A_165, %eq3A_166 : i32
        %jit3A_168 = arith.constant 1 : i32
        %select_n3A_169 = arith.select %eq3A_167, %jit3A_168, %jit3A_165 : i32
        %rem3A_170 = arith.remsi %while3A_23, %select_n3A_169 : i32
        %ne3A_171 = arith.constant 0 : i32
        %ne3A_172 = arith.cmpi ne, %rem3A_170, %ne3A_171 : i32
        %lt3A_173 = arith.constant 0 : i32
        %lt3A_174 = arith.cmpi slt, %rem3A_170, %lt3A_173 : i32
        %lt3A_175 = arith.constant 0 : i32
        %lt3A_176 = arith.cmpi slt, %select_n3A_169, %lt3A_175 : i32
        %ne3A_177 = arith.xori %lt3A_174, %lt3A_176 : i1
        %and3A_178 = arith.andi %ne3A_177, %ne3A_172 : i1
        %add3A_179 = arith.addi %rem3A_170, %select_n3A_169 : i32
        %select_n3A_180 = arith.select %and3A_178, %add3A_179, %rem3A_170 : i32
        %eq3A_181 = arith.constant 3 : i32
        %eq3A_182 = arith.cmpi eq, %select_n3A_180, %eq3A_181 : i32
        %convert_element_type3A_183 = arith.extui %eq3A_182 : i1 to i32
        %cond3A_184 = arith.constant 0 : i32
        %cond3A_185 = arith.cmpi ne, %convert_element_type3A_183, %cond3A_184 : i32
        scf.if %cond3A_185 {
          %dma_start3A = arith.constant 0 : i32
          %dma_start3A_186 = arith.constant 3 : i32
          %dma_start3A_187 = arith.constant 0 : i32
          %dma_start3A_188 = arith.constant 0 : i32
          %dma_start3A_189 = tpu.memref_slice %arg7[%dma_start3A_186, %dma_start3A_187, %dma_start3A_188] : memref<4x64x64xf32, #tpu.memory_space<vmem>> -> memref<1x64x64xf32, #tpu.memory_space<vmem>>
          %dma_start3A_190 = tpu.memref_squeeze %dma_start3A_189 : memref<1x64x64xf32, #tpu.memory_space<vmem>> -> memref<64x64xf32, #tpu.memory_space<vmem>>
          %dma_start3A_191 = arith.constant 0 : i32
          %dma_start3A_192 = tpu.memref_slice %arg6[%select_n3A_85, %select_n3A_101, %dma_start3A, %dma_start3A_191] : memref<2x16x2x64xi32, #tpu.memory_space<vmem>> -> memref<1x1x1x64xi32, #tpu.memory_space<vmem>>
          %dma_start3A_193 = tpu.memref_squeeze %dma_start3A_192 : memref<1x1x1x64xi32, #tpu.memory_space<vmem>> -> memref<64xi32, #tpu.memory_space<vmem>>
          %dma_start3A_194 = arith.constant 0 : i32
          %dma_start3A_195 = arith.constant 0 : i32
          %dma_start3A_196 = tpu.memref_slice %arg2[%dma_start3A_194, %dma_start3A_195] : memref<10112x64xf32, #tpu.memory_space<hbm>> -> memref<10112x64xf32, #tpu.memory_space<hbm>>
          tpu.enqueue_indirect_dma source(%dma_start3A_196 : memref<10112x64xf32, #tpu.memory_space<hbm>>) target(%dma_start3A_190 : memref<64x64xf32, #tpu.memory_space<vmem>>) offsets(%dma_start3A_193 : memref<64xi32, #tpu.memory_space<vmem>>) semaphore(%arg12 : memref<!tpu.dma_semaphore, #tpu.memory_space<semaphore_mem>>)
        } else {
        }
      } else {
      }
      %ge3A = arith.constant 3 : i32
      %ge3A_45 = arith.cmpi sge, %while3A_23, %ge3A : i32
      %convert_element_type3A_46 = arith.extui %ge3A_45 : i1 to i32
      %cond3A_47 = arith.constant 0 : i32
      %cond3A_48 = arith.cmpi ne, %convert_element_type3A_46, %cond3A_47 : i32
      scf.if %cond3A_48 {
        %sub3A = arith.constant 3 : i32
        %sub3A_49 = arith.subi %while3A_23, %sub3A : i32
        %jit3A_50 = arith.constant 16 : i32
        %div3A = arith.divsi %sub3A_49, %jit3A_50 : i32
        %sign3A = arith.constant 0 : i32
        %sign3A_51 = arith.cmpi sgt, %sub3A_49, %sign3A : i32
        %sign3A_52 = arith.extui %sign3A_51 : i1 to i32
        %sign3A_53 = arith.constant 0 : i32
        %sign3A_54 = arith.cmpi slt, %sub3A_49, %sign3A_53 : i32
        %sign3A_55 = arith.extui %sign3A_54 : i1 to i32
        %sign3A_56 = arith.subi %sign3A_52, %sign3A_55 : i32
        %sign3A_57 = arith.constant 0 : i32
        %sign3A_58 = arith.cmpi sgt, %jit3A_50, %sign3A_57 : i32
        %sign3A_59 = arith.extui %sign3A_58 : i1 to i32
        %sign3A_60 = arith.constant 0 : i32
        %sign3A_61 = arith.cmpi slt, %jit3A_50, %sign3A_60 : i32
        %sign3A_62 = arith.extui %sign3A_61 : i1 to i32
        %sign3A_63 = arith.subi %sign3A_59, %sign3A_62 : i32
        %ne3A_64 = arith.cmpi ne, %sign3A_56, %sign3A_63 : i32
        %rem3A_65 = arith.remsi %sub3A_49, %jit3A_50 : i32
        %ne3A_66 = arith.constant 0 : i32
        %ne3A_67 = arith.cmpi ne, %rem3A_65, %ne3A_66 : i32
        %and3A_68 = arith.andi %ne3A_64, %ne3A_67 : i1
        %sub3A_69 = arith.constant 1 : i32
        %sub3A_70 = arith.subi %div3A, %sub3A_69 : i32
        %select_n3A_71 = arith.select %and3A_68, %sub3A_70, %div3A : i32
        %jit3A_72 = arith.constant 2 : i32
        %eq3A_73 = arith.constant 0 : i32
        %eq3A_74 = arith.cmpi eq, %jit3A_72, %eq3A_73 : i32
        %jit3A_75 = arith.constant 1 : i32
        %select_n3A_76 = arith.select %eq3A_74, %jit3A_75, %jit3A_72 : i32
        %rem3A_77 = arith.remsi %select_n3A_71, %select_n3A_76 : i32
        %ne3A_78 = arith.constant 0 : i32
        %ne3A_79 = arith.cmpi ne, %rem3A_77, %ne3A_78 : i32
        %lt3A_80 = arith.constant 0 : i32
        %lt3A_81 = arith.cmpi slt, %rem3A_77, %lt3A_80 : i32
        %lt3A_82 = arith.constant 0 : i32
        %lt3A_83 = arith.cmpi slt, %select_n3A_76, %lt3A_82 : i32
        %ne3A_84 = arith.xori %lt3A_81, %lt3A_83 : i1
        %and3A_85 = arith.andi %ne3A_84, %ne3A_79 : i1
        %add3A_86 = arith.addi %rem3A_77, %select_n3A_76 : i32
        %select_n3A_87 = arith.select %and3A_85, %add3A_86, %rem3A_77 : i32
        %jit3A_88 = arith.constant 16 : i32
        %eq3A_89 = arith.constant 0 : i32
        %eq3A_90 = arith.cmpi eq, %jit3A_88, %eq3A_89 : i32
        %jit3A_91 = arith.constant 1 : i32
        %select_n3A_92 = arith.select %eq3A_90, %jit3A_91, %jit3A_88 : i32
        %rem3A_93 = arith.remsi %sub3A_49, %select_n3A_92 : i32
        %ne3A_94 = arith.constant 0 : i32
        %ne3A_95 = arith.cmpi ne, %rem3A_93, %ne3A_94 : i32
        %lt3A_96 = arith.constant 0 : i32
        %lt3A_97 = arith.cmpi slt, %rem3A_93, %lt3A_96 : i32
        %lt3A_98 = arith.constant 0 : i32
        %lt3A_99 = arith.cmpi slt, %select_n3A_92, %lt3A_98 : i32
        %ne3A_100 = arith.xori %lt3A_97, %lt3A_99 : i1
        %and3A_101 = arith.andi %ne3A_100, %ne3A_95 : i1
        %add3A_102 = arith.addi %rem3A_93, %select_n3A_92 : i32
        %select_n3A_103 = arith.select %and3A_101, %add3A_102, %rem3A_93 : i32
        %jit3A_104 = arith.constant 4 : i32
        %eq3A_105 = arith.constant 0 : i32
        %eq3A_106 = arith.cmpi eq, %jit3A_104, %eq3A_105 : i32
        %jit3A_107 = arith.constant 1 : i32
        %select_n3A_108 = arith.select %eq3A_106, %jit3A_107, %jit3A_104 : i32
        %rem3A_109 = arith.remsi %sub3A_49, %select_n3A_108 : i32
        %ne3A_110 = arith.constant 0 : i32
        %ne3A_111 = arith.cmpi ne, %rem3A_109, %ne3A_110 : i32
        %lt3A_112 = arith.constant 0 : i32
        %lt3A_113 = arith.cmpi slt, %rem3A_109, %lt3A_112 : i32
        %lt3A_114 = arith.constant 0 : i32
        %lt3A_115 = arith.cmpi slt, %select_n3A_108, %lt3A_114 : i32
        %ne3A_116 = arith.xori %lt3A_113, %lt3A_115 : i1
        %and3A_117 = arith.andi %ne3A_116, %ne3A_111 : i1
        %add3A_118 = arith.addi %rem3A_109, %select_n3A_108 : i32
        %select_n3A_119 = arith.select %and3A_117, %add3A_118, %rem3A_109 : i32
        %eq3A_120 = arith.constant 0 : i32
        %eq3A_121 = arith.cmpi eq, %select_n3A_119, %eq3A_120 : i32
        %convert_element_type3A_122 = arith.extui %eq3A_121 : i1 to i32
        %cond3A_123 = arith.constant 0 : i32
        %cond3A_124 = arith.cmpi ne, %convert_element_type3A_122, %cond3A_123 : i32
        scf.if %cond3A_124 {
          %dma_wait3A = arith.constant 0 : i32
          %dma_wait3A_204 = arith.constant 0 : i32
          %dma_wait3A_205 = arith.constant 0 : i32
          %dma_wait3A_206 = arith.constant 0 : i32
          %dma_wait3A_207 = arith.constant 0 : i32
          %dma_wait3A_208 = arith.constant 0 : i32
          %dma_wait3A_209 = tpu.memref_slice %arg7[%dma_wait3A_206, %dma_wait3A_207, %dma_wait3A_208] : memref<4x64x64xf32, #tpu.memory_space<vmem>> -> memref<1x64x64xf32, #tpu.memory_space<vmem>>
          %dma_wait3A_210 = tpu.memref_squeeze %dma_wait3A_209 : memref<1x64x64xf32, #tpu.memory_space<vmem>> -> memref<64x64xf32, #tpu.memory_space<vmem>>
          %dma_wait3A_211 = arith.constant 0 : i32
          %dma_wait3A_212 = tpu.memref_slice %arg6[%dma_wait3A, %dma_wait3A_204, %dma_wait3A_205, %dma_wait3A_211] : memref<2x16x2x64xi32, #tpu.memory_space<vmem>> -> memref<1x1x1x64xi32, #tpu.memory_space<vmem>>
          %dma_wait3A_213 = tpu.memref_squeeze %dma_wait3A_212 : memref<1x1x1x64xi32, #tpu.memory_space<vmem>> -> memref<64xi32, #tpu.memory_space<vmem>>
          %dma_wait3A_214 = arith.constant 0 : i32
          %dma_wait3A_215 = arith.constant 0 : i32
          %dma_wait3A_216 = tpu.memref_slice %arg2[%dma_wait3A_214, %dma_wait3A_215] : memref<10112x64xf32, #tpu.memory_space<hbm>> -> memref<10112x64xf32, #tpu.memory_space<hbm>>
          tpu.wait_indirect_dma semaphore(%arg9 : memref<!tpu.dma_semaphore, #tpu.memory_space<semaphore_mem>>) src(%dma_wait3A_216 : memref<10112x64xf32, #tpu.memory_space<hbm>>) dst(%dma_wait3A_210 : memref<64x64xf32, #tpu.memory_space<vmem>>)
        } else {
        }
        %jit3A_125 = arith.constant 4 : i32
        %eq3A_126 = arith.constant 0 : i32
        %eq3A_127 = arith.cmpi eq, %jit3A_125, %eq3A_126 : i32
        %jit3A_128 = arith.constant 1 : i32
        %select_n3A_129 = arith.select %eq3A_127, %jit3A_128, %jit3A_125 : i32
        %rem3A_130 = arith.remsi %sub3A_49, %select_n3A_129 : i32
        %ne3A_131 = arith.constant 0 : i32
        %ne3A_132 = arith.cmpi ne, %rem3A_130, %ne3A_131 : i32
        %lt3A_133 = arith.constant 0 : i32
        %lt3A_134 = arith.cmpi slt, %rem3A_130, %lt3A_133 : i32
        %lt3A_135 = arith.constant 0 : i32
        %lt3A_136 = arith.cmpi slt, %select_n3A_129, %lt3A_135 : i32
        %ne3A_137 = arith.xori %lt3A_134, %lt3A_136 : i1
        %and3A_138 = arith.andi %ne3A_137, %ne3A_132 : i1
        %add3A_139 = arith.addi %rem3A_130, %select_n3A_129 : i32
        %select_n3A_140 = arith.select %and3A_138, %add3A_139, %rem3A_130 : i32
        %eq3A_141 = arith.constant 1 : i32
        %eq3A_142 = arith.cmpi eq, %select_n3A_140, %eq3A_141 : i32
        %convert_element_type3A_143 = arith.extui %eq3A_142 : i1 to i32
        %cond3A_144 = arith.constant 0 : i32
        %cond3A_145 = arith.cmpi ne, %convert_element_type3A_143, %cond3A_144 : i32
        scf.if %cond3A_145 {
          %dma_wait3A = arith.constant 0 : i32
          %dma_wait3A_204 = arith.constant 0 : i32
          %dma_wait3A_205 = arith.constant 0 : i32
          %dma_wait3A_206 = arith.constant 1 : i32
          %dma_wait3A_207 = arith.constant 0 : i32
          %dma_wait3A_208 = arith.constant 0 : i32
          %dma_wait3A_209 = tpu.memref_slice %arg7[%dma_wait3A_206, %dma_wait3A_207, %dma_wait3A_208] : memref<4x64x64xf32, #tpu.memory_space<vmem>> -> memref<1x64x64xf32, #tpu.memory_space<vmem>>
          %dma_wait3A_210 = tpu.memref_squeeze %dma_wait3A_209 : memref<1x64x64xf32, #tpu.memory_space<vmem>> -> memref<64x64xf32, #tpu.memory_space<vmem>>
          %dma_wait3A_211 = arith.constant 0 : i32
          %dma_wait3A_212 = tpu.memref_slice %arg6[%dma_wait3A, %dma_wait3A_204, %dma_wait3A_205, %dma_wait3A_211] : memref<2x16x2x64xi32, #tpu.memory_space<vmem>> -> memref<1x1x1x64xi32, #tpu.memory_space<vmem>>
          %dma_wait3A_213 = tpu.memref_squeeze %dma_wait3A_212 : memref<1x1x1x64xi32, #tpu.memory_space<vmem>> -> memref<64xi32, #tpu.memory_space<vmem>>
          %dma_wait3A_214 = arith.constant 0 : i32
          %dma_wait3A_215 = arith.constant 0 : i32
          %dma_wait3A_216 = tpu.memref_slice %arg2[%dma_wait3A_214, %dma_wait3A_215] : memref<10112x64xf32, #tpu.memory_space<hbm>> -> memref<10112x64xf32, #tpu.memory_space<hbm>>
          tpu.wait_indirect_dma semaphore(%arg10 : memref<!tpu.dma_semaphore, #tpu.memory_space<semaphore_mem>>) src(%dma_wait3A_216 : memref<10112x64xf32, #tpu.memory_space<hbm>>) dst(%dma_wait3A_210 : memref<64x64xf32, #tpu.memory_space<vmem>>)
        } else {
        }
        %jit3A_146 = arith.constant 4 : i32
        %eq3A_147 = arith.constant 0 : i32
        %eq3A_148 = arith.cmpi eq, %jit3A_146, %eq3A_147 : i32
        %jit3A_149 = arith.constant 1 : i32
        %select_n3A_150 = arith.select %eq3A_148, %jit3A_149, %jit3A_146 : i32
        %rem3A_151 = arith.remsi %sub3A_49, %select_n3A_150 : i32
        %ne3A_152 = arith.constant 0 : i32
        %ne3A_153 = arith.cmpi ne, %rem3A_151, %ne3A_152 : i32
        %lt3A_154 = arith.constant 0 : i32
        %lt3A_155 = arith.cmpi slt, %rem3A_151, %lt3A_154 : i32
        %lt3A_156 = arith.constant 0 : i32
        %lt3A_157 = arith.cmpi slt, %select_n3A_150, %lt3A_156 : i32
        %ne3A_158 = arith.xori %lt3A_155, %lt3A_157 : i1
        %and3A_159 = arith.andi %ne3A_158, %ne3A_153 : i1
        %add3A_160 = arith.addi %rem3A_151, %select_n3A_150 : i32
        %select_n3A_161 = arith.select %and3A_159, %add3A_160, %rem3A_151 : i32
        %eq3A_162 = arith.constant 2 : i32
        %eq3A_163 = arith.cmpi eq, %select_n3A_161, %eq3A_162 : i32
        %convert_element_type3A_164 = arith.extui %eq3A_163 : i1 to i32
        %cond3A_165 = arith.constant 0 : i32
        %cond3A_166 = arith.cmpi ne, %convert_element_type3A_164, %cond3A_165 : i32
        scf.if %cond3A_166 {
          %dma_wait3A = arith.constant 0 : i32
          %dma_wait3A_204 = arith.constant 0 : i32
          %dma_wait3A_205 = arith.constant 0 : i32
          %dma_wait3A_206 = arith.constant 2 : i32
          %dma_wait3A_207 = arith.constant 0 : i32
          %dma_wait3A_208 = arith.constant 0 : i32
          %dma_wait3A_209 = tpu.memref_slice %arg7[%dma_wait3A_206, %dma_wait3A_207, %dma_wait3A_208] : memref<4x64x64xf32, #tpu.memory_space<vmem>> -> memref<1x64x64xf32, #tpu.memory_space<vmem>>
          %dma_wait3A_210 = tpu.memref_squeeze %dma_wait3A_209 : memref<1x64x64xf32, #tpu.memory_space<vmem>> -> memref<64x64xf32, #tpu.memory_space<vmem>>
          %dma_wait3A_211 = arith.constant 0 : i32
          %dma_wait3A_212 = tpu.memref_slice %arg6[%dma_wait3A, %dma_wait3A_204, %dma_wait3A_205, %dma_wait3A_211] : memref<2x16x2x64xi32, #tpu.memory_space<vmem>> -> memref<1x1x1x64xi32, #tpu.memory_space<vmem>>
          %dma_wait3A_213 = tpu.memref_squeeze %dma_wait3A_212 : memref<1x1x1x64xi32, #tpu.memory_space<vmem>> -> memref<64xi32, #tpu.memory_space<vmem>>
          %dma_wait3A_214 = arith.constant 0 : i32
          %dma_wait3A_215 = arith.constant 0 : i32
          %dma_wait3A_216 = tpu.memref_slice %arg2[%dma_wait3A_214, %dma_wait3A_215] : memref<10112x64xf32, #tpu.memory_space<hbm>> -> memref<10112x64xf32, #tpu.memory_space<hbm>>
          tpu.wait_indirect_dma semaphore(%arg11 : memref<!tpu.dma_semaphore, #tpu.memory_space<semaphore_mem>>) src(%dma_wait3A_216 : memref<10112x64xf32, #tpu.memory_space<hbm>>) dst(%dma_wait3A_210 : memref<64x64xf32, #tpu.memory_space<vmem>>)
        } else {
        }
        %jit3A_167 = arith.constant 4 : i32
        %eq3A_168 = arith.constant 0 : i32
        %eq3A_169 = arith.cmpi eq, %jit3A_167, %eq3A_168 : i32
        %jit3A_170 = arith.constant 1 : i32
        %select_n3A_171 = arith.select %eq3A_169, %jit3A_170, %jit3A_167 : i32
        %rem3A_172 = arith.remsi %sub3A_49, %select_n3A_171 : i32
        %ne3A_173 = arith.constant 0 : i32
        %ne3A_174 = arith.cmpi ne, %rem3A_172, %ne3A_173 : i32
        %lt3A_175 = arith.constant 0 : i32
        %lt3A_176 = arith.cmpi slt, %rem3A_172, %lt3A_175 : i32
        %lt3A_177 = arith.constant 0 : i32
        %lt3A_178 = arith.cmpi slt, %select_n3A_171, %lt3A_177 : i32
        %ne3A_179 = arith.xori %lt3A_176, %lt3A_178 : i1
        %and3A_180 = arith.andi %ne3A_179, %ne3A_174 : i1
        %add3A_181 = arith.addi %rem3A_172, %select_n3A_171 : i32
        %select_n3A_182 = arith.select %and3A_180, %add3A_181, %rem3A_172 : i32
        %eq3A_183 = arith.constant 3 : i32
        %eq3A_184 = arith.cmpi eq, %select_n3A_182, %eq3A_183 : i32
        %convert_element_type3A_185 = arith.extui %eq3A_184 : i1 to i32
        %cond3A_186 = arith.constant 0 : i32
        %cond3A_187 = arith.cmpi ne, %convert_element_type3A_185, %cond3A_186 : i32
        scf.if %cond3A_187 {
          %dma_wait3A = arith.constant 0 : i32
          %dma_wait3A_204 = arith.constant 0 : i32
          %dma_wait3A_205 = arith.constant 0 : i32
          %dma_wait3A_206 = arith.constant 3 : i32
          %dma_wait3A_207 = arith.constant 0 : i32
          %dma_wait3A_208 = arith.constant 0 : i32
          %dma_wait3A_209 = tpu.memref_slice %arg7[%dma_wait3A_206, %dma_wait3A_207, %dma_wait3A_208] : memref<4x64x64xf32, #tpu.memory_space<vmem>> -> memref<1x64x64xf32, #tpu.memory_space<vmem>>
          %dma_wait3A_210 = tpu.memref_squeeze %dma_wait3A_209 : memref<1x64x64xf32, #tpu.memory_space<vmem>> -> memref<64x64xf32, #tpu.memory_space<vmem>>
          %dma_wait3A_211 = arith.constant 0 : i32
          %dma_wait3A_212 = tpu.memref_slice %arg6[%dma_wait3A, %dma_wait3A_204, %dma_wait3A_205, %dma_wait3A_211] : memref<2x16x2x64xi32, #tpu.memory_space<vmem>> -> memref<1x1x1x64xi32, #tpu.memory_space<vmem>>
          %dma_wait3A_213 = tpu.memref_squeeze %dma_wait3A_212 : memref<1x1x1x64xi32, #tpu.memory_space<vmem>> -> memref<64xi32, #tpu.memory_space<vmem>>
          %dma_wait3A_214 = arith.constant 0 : i32
          %dma_wait3A_215 = arith.constant 0 : i32
          %dma_wait3A_216 = tpu.memref_slice %arg2[%dma_wait3A_214, %dma_wait3A_215] : memref<10112x64xf32, #tpu.memory_space<hbm>> -> memref<10112x64xf32, #tpu.memory_space<hbm>>
          tpu.wait_indirect_dma semaphore(%arg12 : memref<!tpu.dma_semaphore, #tpu.memory_space<semaphore_mem>>) src(%dma_wait3A_216 : memref<10112x64xf32, #tpu.memory_space<hbm>>) dst(%dma_wait3A_210 : memref<64x64xf32, #tpu.memory_space<vmem>>)
        } else {
        }
        %jit3A_188 = arith.constant 4 : i32
        %eq3A_189 = arith.constant 0 : i32
        %eq3A_190 = arith.cmpi eq, %jit3A_188, %eq3A_189 : i32
        %jit3A_191 = arith.constant 1 : i32
        %select_n3A_192 = arith.select %eq3A_190, %jit3A_191, %jit3A_188 : i32
        %rem3A_193 = arith.remsi %sub3A_49, %select_n3A_192 : i32
        %ne3A_194 = arith.constant 0 : i32
        %ne3A_195 = arith.cmpi ne, %rem3A_193, %ne3A_194 : i32
        %lt3A_196 = arith.constant 0 : i32
        %lt3A_197 = arith.cmpi slt, %rem3A_193, %lt3A_196 : i32
        %lt3A_198 = arith.constant 0 : i32
        %lt3A_199 = arith.cmpi slt, %select_n3A_192, %lt3A_198 : i32
        %ne3A_200 = arith.xori %lt3A_197, %lt3A_199 : i1
        %and3A_201 = arith.andi %ne3A_200, %ne3A_195 : i1
        %add3A_202 = arith.addi %rem3A_193, %select_n3A_192 : i32
        %select_n3A_203 = arith.select %and3A_201, %add3A_202, %rem3A_193 : i32
        %run_scoped3A = arith.constant 1 : i32
        "tpu.region"() ({
          %run_scoped3A_204 = tpu.sem_alloc : memref<!tpu.dma_semaphore, #tpu.memory_space<semaphore_mem>>
          %dma_start3A = arith.constant 0 : i32
          %dma_start3A_205 = arith.constant 0 : i32
          %dma_start3A_206 = tpu.memref_slice %arg7[%select_n3A_203, %dma_start3A, %dma_start3A_205] : memref<4x64x64xf32, #tpu.memory_space<vmem>> -> memref<1x64x64xf32, #tpu.memory_space<vmem>>
          %dma_start3A_207 = tpu.memref_squeeze %dma_start3A_206 : memref<1x64x64xf32, #tpu.memory_space<vmem>> -> memref<64x64xf32, #tpu.memory_space<vmem>>
          %dma_start3A_208 = arith.constant 0 : i32
          %dma_start3A_209 = tpu.memref_slice %arg6[%select_n3A_87, %select_n3A_103, %run_scoped3A, %dma_start3A_208] : memref<2x16x2x64xi32, #tpu.memory_space<vmem>> -> memref<1x1x1x64xi32, #tpu.memory_space<vmem>>
          %dma_start3A_210 = tpu.memref_squeeze %dma_start3A_209 : memref<1x1x1x64xi32, #tpu.memory_space<vmem>> -> memref<64xi32, #tpu.memory_space<vmem>>
          %dma_start3A_211 = arith.constant 0 : i32
          %dma_start3A_212 = arith.constant 0 : i32
          %dma_start3A_213 = tpu.memref_slice %arg8[%dma_start3A_211, %dma_start3A_212] : memref<10112x64xf32, #tpu.memory_space<vmem_shared>> -> memref<10112x64xf32, #tpu.memory_space<vmem_shared>>
          tpu.enqueue_indirect_dma source(%dma_start3A_207 : memref<64x64xf32, #tpu.memory_space<vmem>>) target(%dma_start3A_213 : memref<10112x64xf32, #tpu.memory_space<vmem_shared>>) offsets(%dma_start3A_210 : memref<64xi32, #tpu.memory_space<vmem>>) semaphore(%run_scoped3A_204 : memref<!tpu.dma_semaphore, #tpu.memory_space<semaphore_mem>>) {add = true}
          %dma_wait3A = arith.constant 0 : i32
          %dma_wait3A_214 = arith.constant 0 : i32
          %dma_wait3A_215 = tpu.memref_slice %arg7[%select_n3A_203, %dma_wait3A, %dma_wait3A_214] : memref<4x64x64xf32, #tpu.memory_space<vmem>> -> memref<1x64x64xf32, #tpu.memory_space<vmem>>
          %dma_wait3A_216 = tpu.memref_squeeze %dma_wait3A_215 : memref<1x64x64xf32, #tpu.memory_space<vmem>> -> memref<64x64xf32, #tpu.memory_space<vmem>>
          %dma_wait3A_217 = arith.constant 0 : i32
          %dma_wait3A_218 = tpu.memref_slice %arg6[%select_n3A_87, %select_n3A_103, %run_scoped3A, %dma_wait3A_217] : memref<2x16x2x64xi32, #tpu.memory_space<vmem>> -> memref<1x1x1x64xi32, #tpu.memory_space<vmem>>
          %dma_wait3A_219 = tpu.memref_squeeze %dma_wait3A_218 : memref<1x1x1x64xi32, #tpu.memory_space<vmem>> -> memref<64xi32, #tpu.memory_space<vmem>>
          %dma_wait3A_220 = arith.constant 0 : i32
          %dma_wait3A_221 = arith.constant 0 : i32
          %dma_wait3A_222 = tpu.memref_slice %arg8[%dma_wait3A_220, %dma_wait3A_221] : memref<10112x64xf32, #tpu.memory_space<vmem_shared>> -> memref<10112x64xf32, #tpu.memory_space<vmem_shared>>
          tpu.wait_indirect_dma semaphore(%run_scoped3A_204 : memref<!tpu.dma_semaphore, #tpu.memory_space<semaphore_mem>>) src(%dma_wait3A_216 : memref<64x64xf32, #tpu.memory_space<vmem>>) dst(%dma_wait3A_222 : memref<10112x64xf32, #tpu.memory_space<vmem_shared>>)
          tpu.yield
        }) : () -> ()
      } else {
      }
    }
    %barrier3A_18 = arith.constant 0 : index
    tpu.barrier barrier_id(%barrier3A_18)
    %mul3A_19 = arith.constant 632 : i32
    %mul3A_20 = arith.muli %arg1, %mul3A_19 : i32
    %mul3A_21 = arith.constant 632 : i32
    %mul3A_22 = arith.muli %arg1, %mul3A_21 : i32
    "tpu.region"() ({
      %run_scoped3A = tpu.sem_alloc : memref<!tpu.dma_semaphore, #tpu.memory_space<semaphore_mem>>
      %dma_start3A = arith.constant 0 : i32
      %dma_start3A_23 = tpu.memref_slice %arg5[%arg0, %mul3A_22, %dma_start3A] : memref<2x10112x64xf32, #tpu.memory_space<hbm>> -> memref<1x632x64xf32, #tpu.memory_space<hbm>>
      %dma_start3A_24 = tpu.memref_squeeze %dma_start3A_23 : memref<1x632x64xf32, #tpu.memory_space<hbm>> -> memref<632x64xf32, #tpu.memory_space<hbm>>
      %dma_start3A_25 = arith.constant 0 : i32
      %dma_start3A_26 = tpu.memref_slice %arg8[%mul3A_20, %dma_start3A_25] : memref<10112x64xf32, #tpu.memory_space<vmem_shared>> -> memref<632x64xf32, #tpu.memory_space<vmem_shared>>
      tpu.enqueue_dma source(%dma_start3A_26 : memref<632x64xf32, #tpu.memory_space<vmem_shared>>) target(%dma_start3A_24 : memref<632x64xf32, #tpu.memory_space<hbm>>) target_semaphore(%run_scoped3A : memref<!tpu.dma_semaphore, #tpu.memory_space<semaphore_mem>>)
      %dma_wait3A = arith.constant 0 : i32
      %dma_wait3A_27 = tpu.memref_slice %arg5[%arg0, %mul3A_22, %dma_wait3A] : memref<2x10112x64xf32, #tpu.memory_space<hbm>> -> memref<1x632x64xf32, #tpu.memory_space<hbm>>
      %dma_wait3A_28 = tpu.memref_squeeze %dma_wait3A_27 : memref<1x632x64xf32, #tpu.memory_space<hbm>> -> memref<632x64xf32, #tpu.memory_space<hbm>>
      %dma_wait3A_29 = arith.constant 0 : i32
      %dma_wait3A_30 = tpu.memref_slice %arg8[%mul3A_20, %dma_wait3A_29] : memref<10112x64xf32, #tpu.memory_space<vmem_shared>> -> memref<632x64xf32, #tpu.memory_space<vmem_shared>>
      tpu.wait_dma2 semaphore(%run_scoped3A : memref<!tpu.dma_semaphore, #tpu.memory_space<semaphore_mem>>) src(%dma_wait3A_30 : memref<632x64xf32, #tpu.memory_space<vmem_shared>>) dst(%dma_wait3A_28 : memref<632x64xf32, #tpu.memory_space<hbm>>)
      tpu.yield
    }) : () -> ()
    return
  }
}

module attributes {stable_mosaic.version = 14 : i64} {
  func.func @_tca_body(%arg0: i32, %arg1: memref<632x128xf32, #tpu.memory_space<vmem>>, %arg2: memref<128x128xf32, #tpu.memory_space<vmem>>, %arg3: memref<2x632x128xf32, #tpu.memory_space<vmem>>, %arg4: memref<632x128xf32, #tpu.memory_space<vmem>>, %arg5: memref<632x8xf32, #tpu.memory_space<vmem>>) attributes {dimension_semantics = [#tpu.dimension_semantics<arbitrary>], iteration_bounds = array<i64: 16>, scalar_prefetch = 0 : i64, scratch_operands = 0 : i64, tpu.core_type = #tpu.core_type<tc>, window_params = [{transform_indices = @transform_0, window_bounds = array<i64: 632, 128>}, {pipeline_mode = #tpu.pipeline_mode<synchronous>, transform_indices = @transform_1, window_bounds = array<i64: 128, 128>}, {transform_indices = @transform_2, window_bounds = array<i64: 2, 632, 128>}, {transform_indices = @transform_3, window_bounds = array<i64: 632, 128>}, {transform_indices = @transform_4, window_bounds = array<i64: 632, 8>}]} {
    %get3A = arith.constant 0 : index
    %get3A_0 = arith.constant 0 : index
    %get3A_1 = arith.constant 0 : index
    %get3A_2 = vector.load %arg3[%get3A, %get3A_0, %get3A_1] : memref<2x632x128xf32, #tpu.memory_space<vmem>>, vector<1x632x1xf32>
    %get3A_3 = vector.shape_cast %get3A_2 : vector<1x632x1xf32> to vector<632x1xf32>
    %get3A_4 = arith.constant 1 : index
    %get3A_5 = arith.constant 0 : index
    %get3A_6 = arith.constant 0 : index
    %get3A_7 = vector.load %arg3[%get3A_4, %get3A_5, %get3A_6] : memref<2x632x128xf32, #tpu.memory_space<vmem>>, vector<1x632x1xf32>
    %get3A_8 = vector.shape_cast %get3A_7 : vector<1x632x1xf32> to vector<632x1xf32>
    %add3A = arith.addf %get3A_3, %get3A_8 : vector<632x1xf32>
    %add3A_9 = arith.constant 1.000000e+00 : f32
    %add3A_10 = vector.broadcast %add3A_9 : f32 to vector<632x1xf32>
    %add3A_11 = arith.addf %add3A, %add3A_10 : vector<632x1xf32>
    %rsqrt3A = math.rsqrt %add3A_11 : vector<632x1xf32>
    %get3A_12 = arith.constant 0 : index
    %get3A_13 = arith.constant 0 : index
    %get3A_14 = vector.load %arg1[%get3A_12, %get3A_13] : memref<632x128xf32, #tpu.memory_space<vmem>>, vector<632x128xf32>
    %get3A_15 = arith.constant 0 : index
    %get3A_16 = arith.constant 0 : index
    %get3A_17 = vector.load %arg2[%get3A_15, %get3A_16] : memref<128x128xf32, #tpu.memory_space<vmem>>, vector<128x128xf32>
    %dot_general3A = arith.constant dense<0.000000e+00> : vector<632x128xf32>
    %dot_general3A_18 = tpu.matmul %get3A_14, %get3A_17, %dot_general3A {dimension_numbers = #tpu.dot_dimension_numbers<[1], [0], [0], [1], [0, 0, 1, 1], [], []>, transpose_lhs_hint = false} : vector<632x128xf32>, vector<128x128xf32>, vector<632x128xf32> -> vector<632x128xf32>
    %mul3A = vector.broadcast %rsqrt3A : vector<632x1xf32> to vector<632x128xf32>
    %mul3A_19 = arith.mulf %mul3A, %dot_general3A_18 : vector<632x128xf32>
    %swap3A = arith.constant 0 : index
    %swap3A_20 = arith.constant 0 : index
    %swap3A_21 = vector.load %arg4[%swap3A, %swap3A_20] : memref<632x128xf32, #tpu.memory_space<vmem>>, vector<632x128xf32>
    tpu.vector_store %arg4[%swap3A, %swap3A_20], %mul3A_19 {strides = array<i32>} : memref<632x128xf32, #tpu.memory_space<vmem>>, vector<632x128xf32>,
    %broadcast_in_dim3A = vector.shape_cast %rsqrt3A : vector<632x1xf32> to vector<632x1xf32>
    %broadcast_in_dim3A_22 = vector.broadcast %broadcast_in_dim3A : vector<632x1xf32> to vector<632x8xf32>
    %swap3A_23 = arith.constant 0 : index
    %swap3A_24 = arith.constant 0 : index
    %swap3A_25 = vector.load %arg5[%swap3A_23, %swap3A_24] : memref<632x8xf32, #tpu.memory_space<vmem>>, vector<632x8xf32>
    tpu.vector_store %arg5[%swap3A_23, %swap3A_24], %broadcast_in_dim3A_22 {strides = array<i32>} : memref<632x8xf32, #tpu.memory_space<vmem>>, vector<632x8xf32>,
    return
  }
  func.func @transform_0(%arg0: i32) -> (i32, i32) {
    %c0_i32 = arith.constant 0 : i32
    %c0_i32_0 = arith.constant 0 : i32
    return %arg0, %c0_i32 : i32, i32
  }
  func.func @transform_1(%arg0: i32) -> (i32, i32) {
    %c0_i32 = arith.constant 0 : i32
    %c0_i32_0 = arith.constant 0 : i32
    %c0_i32_1 = arith.constant 0 : i32
    return %c0_i32, %c0_i32_0 : i32, i32
  }
  func.func @transform_2(%arg0: i32) -> (i32, i32, i32) {
    %c0_i32 = arith.constant 0 : i32
    %c0_i32_0 = arith.constant 0 : i32
    %c0_i32_1 = arith.constant 0 : i32
    return %c0_i32, %arg0, %c0_i32_0 : i32, i32, i32
  }
  func.func @transform_3(%arg0: i32) -> (i32, i32) {
    %c0_i32 = arith.constant 0 : i32
    %c0_i32_0 = arith.constant 0 : i32
    return %arg0, %c0_i32 : i32, i32
  }
  func.func @transform_4(%arg0: i32) -> (i32, i32) {
    %c0_i32 = arith.constant 0 : i32
    %c0_i32_0 = arith.constant 0 : i32
    return %arg0, %c0_i32 : i32, i32
  }
}

module attributes {stable_mosaic.version = 14 : i64} {
  func.func @_tcb_body(%arg0: i32, %arg1: memref<2x632x128xf32, #tpu.memory_space<vmem>>, %arg2: memref<632x128xf32, #tpu.memory_space<vmem>>, %arg3: memref<632x8xf32, #tpu.memory_space<vmem>>, %arg4: memref<1x128xf32, #tpu.memory_space<vmem>>, %arg5: memref<128x128xf32, #tpu.memory_space<vmem>>, %arg6: memref<1x128xf32, #tpu.memory_space<vmem>>, %arg7: memref<128x128xf32, #tpu.memory_space<vmem>>, %arg8: memref<1x128xf32, #tpu.memory_space<vmem>>, %arg9: memref<128x64xf32, #tpu.memory_space<vmem>>, %arg10: memref<632x64xf32, #tpu.memory_space<vmem>>) attributes {dimension_semantics = [#tpu.dimension_semantics<arbitrary>], iteration_bounds = array<i64: 16>, scalar_prefetch = 0 : i64, scratch_operands = 0 : i64, tpu.core_type = #tpu.core_type<tc>, window_params = [{transform_indices = @transform_0, window_bounds = array<i64: 2, 632, 128>}, {transform_indices = @transform_1, window_bounds = array<i64: 632, 128>}, {transform_indices = @transform_2, window_bounds = array<i64: 632, 8>}, {pipeline_mode = #tpu.pipeline_mode<synchronous>, transform_indices = @transform_3, window_bounds = array<i64: 1, 128>}, {pipeline_mode = #tpu.pipeline_mode<synchronous>, transform_indices = @transform_4, window_bounds = array<i64: 128, 128>}, {pipeline_mode = #tpu.pipeline_mode<synchronous>, transform_indices = @transform_5, window_bounds = array<i64: 1, 128>}, {pipeline_mode = #tpu.pipeline_mode<synchronous>, transform_indices = @transform_6, window_bounds = array<i64: 128, 128>}, {pipeline_mode = #tpu.pipeline_mode<synchronous>, transform_indices = @transform_7, window_bounds = array<i64: 1, 128>}, {pipeline_mode = #tpu.pipeline_mode<synchronous>, transform_indices = @transform_8, window_bounds = array<i64: 128, 64>}, {transform_indices = @transform_9, window_bounds = array<i64: 632, 64>}]} {
    %get3A = arith.constant 0 : index
    %get3A_0 = arith.constant 0 : index
    %get3A_1 = vector.load %arg3[%get3A, %get3A_0] : memref<632x8xf32, #tpu.memory_space<vmem>>, vector<632x1xf32>
    %get3A_2 = arith.constant 0 : index
    %get3A_3 = arith.constant 0 : index
    %get3A_4 = arith.constant 0 : index
    %get3A_5 = vector.load %arg1[%get3A_2, %get3A_3, %get3A_4] : memref<2x632x128xf32, #tpu.memory_space<vmem>>, vector<1x632x128xf32>
    %get3A_6 = vector.shape_cast %get3A_5 : vector<1x632x128xf32> to vector<632x128xf32>
    %get3A_7 = arith.constant 1 : index
    %get3A_8 = arith.constant 0 : index
    %get3A_9 = arith.constant 0 : index
    %get3A_10 = vector.load %arg1[%get3A_7, %get3A_8, %get3A_9] : memref<2x632x128xf32, #tpu.memory_space<vmem>>, vector<1x632x128xf32>
    %get3A_11 = vector.shape_cast %get3A_10 : vector<1x632x128xf32> to vector<632x128xf32>
    %add3A = arith.addf %get3A_6, %get3A_11 : vector<632x128xf32>
    %get3A_12 = arith.constant 0 : index
    %get3A_13 = arith.constant 0 : index
    %get3A_14 = vector.load %arg2[%get3A_12, %get3A_13] : memref<632x128xf32, #tpu.memory_space<vmem>>, vector<632x128xf32>
    %add3A_15 = arith.addf %add3A, %get3A_14 : vector<632x128xf32>
    %mul3A = vector.broadcast %get3A_1 : vector<632x1xf32> to vector<632x128xf32>
    %mul3A_16 = arith.mulf %mul3A, %add3A_15 : vector<632x128xf32>
    %get3A_17 = arith.constant 0 : index
    %get3A_18 = arith.constant 0 : index
    %get3A_19 = vector.load %arg4[%get3A_17, %get3A_18] : memref<1x128xf32, #tpu.memory_space<vmem>>, vector<1x128xf32>
    %add3A_20 = vector.broadcast %get3A_19 : vector<1x128xf32> to vector<632x128xf32>
    %add3A_21 = arith.addf %mul3A_16, %add3A_20 : vector<632x128xf32>
    %max3A = arith.constant 0.000000e+00 : f32
    %max3A_22 = vector.broadcast %max3A : f32 to vector<632x128xf32>
    %max3A_23 = arith.maximumf %add3A_21, %max3A_22 : vector<632x128xf32>
    %get3A_24 = arith.constant 0 : index
    %get3A_25 = arith.constant 0 : index
    %get3A_26 = vector.load %arg5[%get3A_24, %get3A_25] : memref<128x128xf32, #tpu.memory_space<vmem>>, vector<128x128xf32>
    %dot_general3A = arith.constant dense<0.000000e+00> : vector<632x128xf32>
    %dot_general3A_27 = tpu.matmul %max3A_23, %get3A_26, %dot_general3A {dimension_numbers = #tpu.dot_dimension_numbers<[1], [0], [0], [1], [0, 0, 1, 1], [], []>, transpose_lhs_hint = false} : vector<632x128xf32>, vector<128x128xf32>, vector<632x128xf32> -> vector<632x128xf32>
    %get3A_28 = arith.constant 0 : index
    %get3A_29 = arith.constant 0 : index
    %get3A_30 = vector.load %arg6[%get3A_28, %get3A_29] : memref<1x128xf32, #tpu.memory_space<vmem>>, vector<1x128xf32>
    %add3A_31 = vector.broadcast %get3A_30 : vector<1x128xf32> to vector<632x128xf32>
    %add3A_32 = arith.addf %dot_general3A_27, %add3A_31 : vector<632x128xf32>
    %max3A_33 = arith.constant 0.000000e+00 : f32
    %max3A_34 = vector.broadcast %max3A_33 : f32 to vector<632x128xf32>
    %max3A_35 = arith.maximumf %add3A_32, %max3A_34 : vector<632x128xf32>
    %get3A_36 = arith.constant 0 : index
    %get3A_37 = arith.constant 0 : index
    %get3A_38 = vector.load %arg7[%get3A_36, %get3A_37] : memref<128x128xf32, #tpu.memory_space<vmem>>, vector<128x128xf32>
    %dot_general3A_39 = arith.constant dense<0.000000e+00> : vector<632x128xf32>
    %dot_general3A_40 = tpu.matmul %max3A_35, %get3A_38, %dot_general3A_39 {dimension_numbers = #tpu.dot_dimension_numbers<[1], [0], [0], [1], [0, 0, 1, 1], [], []>, transpose_lhs_hint = false} : vector<632x128xf32>, vector<128x128xf32>, vector<632x128xf32> -> vector<632x128xf32>
    %get3A_41 = arith.constant 0 : index
    %get3A_42 = arith.constant 0 : index
    %get3A_43 = vector.load %arg8[%get3A_41, %get3A_42] : memref<1x128xf32, #tpu.memory_space<vmem>>, vector<1x128xf32>
    %add3A_44 = vector.broadcast %get3A_43 : vector<1x128xf32> to vector<632x128xf32>
    %add3A_45 = arith.addf %dot_general3A_40, %add3A_44 : vector<632x128xf32>
    %max3A_46 = arith.constant 0.000000e+00 : f32
    %max3A_47 = vector.broadcast %max3A_46 : f32 to vector<632x128xf32>
    %max3A_48 = arith.maximumf %add3A_45, %max3A_47 : vector<632x128xf32>
    %get3A_49 = arith.constant 0 : index
    %get3A_50 = arith.constant 0 : index
    %get3A_51 = vector.load %arg9[%get3A_49, %get3A_50] : memref<128x64xf32, #tpu.memory_space<vmem>>, vector<128x64xf32>
    %dot_general3A_52 = arith.constant dense<0.000000e+00> : vector<632x64xf32>
    %dot_general3A_53 = tpu.matmul %max3A_48, %get3A_51, %dot_general3A_52 {dimension_numbers = #tpu.dot_dimension_numbers<[1], [0], [0], [1], [0, 0, 1, 1], [], []>, transpose_lhs_hint = false} : vector<632x128xf32>, vector<128x64xf32>, vector<632x64xf32> -> vector<632x64xf32>
    %mul3A_54 = vector.broadcast %get3A_1 : vector<632x1xf32> to vector<632x64xf32>
    %mul3A_55 = arith.mulf %mul3A_54, %dot_general3A_53 : vector<632x64xf32>
    %swap3A = arith.constant 0 : index
    %swap3A_56 = arith.constant 0 : index
    %swap3A_57 = vector.load %arg10[%swap3A, %swap3A_56] : memref<632x64xf32, #tpu.memory_space<vmem>>, vector<632x64xf32>
    tpu.vector_store %arg10[%swap3A, %swap3A_56], %mul3A_55 {strides = array<i32>} : memref<632x64xf32, #tpu.memory_space<vmem>>, vector<632x64xf32>,
    return
  }
  func.func @transform_0(%arg0: i32) -> (i32, i32, i32) {
    %c0_i32 = arith.constant 0 : i32
    %c0_i32_0 = arith.constant 0 : i32
    %c0_i32_1 = arith.constant 0 : i32
    return %c0_i32, %arg0, %c0_i32_0 : i32, i32, i32
  }
  func.func @transform_1(%arg0: i32) -> (i32, i32) {
    %c0_i32 = arith.constant 0 : i32
    %c0_i32_0 = arith.constant 0 : i32
    return %arg0, %c0_i32 : i32, i32
  }
  func.func @transform_2(%arg0: i32) -> (i32, i32) {
    %c0_i32 = arith.constant 0 : i32
    %c0_i32_0 = arith.constant 0 : i32
    return %arg0, %c0_i32 : i32, i32
  }
  func.func @transform_3(%arg0: i32) -> (i32, i32) {
    %c0_i32 = arith.constant 0 : i32
    %c0_i32_0 = arith.constant 0 : i32
    %c0_i32_1 = arith.constant 0 : i32
    return %c0_i32, %c0_i32_0 : i32, i32
  }
  func.func @transform_4(%arg0: i32) -> (i32, i32) {
    %c0_i32 = arith.constant 0 : i32
    %c0_i32_0 = arith.constant 0 : i32
    %c0_i32_1 = arith.constant 0 : i32
    return %c0_i32, %c0_i32_0 : i32, i32
  }
  func.func @transform_5(%arg0: i32) -> (i32, i32) {
    %c0_i32 = arith.constant 0 : i32
    %c0_i32_0 = arith.constant 0 : i32
    %c0_i32_1 = arith.constant 0 : i32
    return %c0_i32, %c0_i32_0 : i32, i32
  }
  func.func @transform_6(%arg0: i32) -> (i32, i32) {
    %c0_i32 = arith.constant 0 : i32
    %c0_i32_0 = arith.constant 0 : i32
    %c0_i32_1 = arith.constant 0 : i32
    return %c0_i32, %c0_i32_0 : i32, i32
  }
  func.func @transform_7(%arg0: i32) -> (i32, i32) {
    %c0_i32 = arith.constant 0 : i32
    %c0_i32_0 = arith.constant 0 : i32
    %c0_i32_1 = arith.constant 0 : i32
    return %c0_i32, %c0_i32_0 : i32, i32
  }
  func.func @transform_8(%arg0: i32) -> (i32, i32) {
    %c0_i32 = arith.constant 0 : i32
    %c0_i32_0 = arith.constant 0 : i32
    %c0_i32_1 = arith.constant 0 : i32
    return %c0_i32, %c0_i32_0 : i32, i32
  }
  func.func @transform_9(%arg0: i32) -> (i32, i32) {
    %c0_i32 = arith.constant 0 : i32
    %c0_i32_0 = arith.constant 0 : i32
    return %arg0, %c0_i32 : i32, i32
  }
}

module attributes {stable_mosaic.version = 14 : i64} {
  func.func @_tcc_body(%arg0: i32, %arg1: memref<2x2000x64xf32, #tpu.memory_space<vmem>>, %arg2: memref<2000x64xf32, #tpu.memory_space<vmem>>, %arg3: memref<2000x8xf32, #tpu.memory_space<vmem>>, %arg4: memref<1x64xf32, #tpu.memory_space<vmem>>, %arg5: memref<2000x64xf32, #tpu.memory_space<vmem>>) attributes {dimension_semantics = [#tpu.dimension_semantics<arbitrary>], iteration_bounds = array<i64: 5>, scalar_prefetch = 0 : i64, scratch_operands = 0 : i64, tpu.core_type = #tpu.core_type<tc>, window_params = [{transform_indices = @transform_0, window_bounds = array<i64: 2, 2000, 64>}, {transform_indices = @transform_1, window_bounds = array<i64: 2000, 64>}, {transform_indices = @transform_2, window_bounds = array<i64: 2000, 8>}, {pipeline_mode = #tpu.pipeline_mode<synchronous>, transform_indices = @transform_3, window_bounds = array<i64: 1, 64>}, {transform_indices = @transform_4, window_bounds = array<i64: 2000, 64>}]} {
    %get3A = arith.constant 0 : index
    %get3A_0 = arith.constant 0 : index
    %get3A_1 = vector.load %arg3[%get3A, %get3A_0] : memref<2000x8xf32, #tpu.memory_space<vmem>>, vector<2000x1xf32>
    %get3A_2 = arith.constant 0 : index
    %get3A_3 = arith.constant 0 : index
    %get3A_4 = arith.constant 0 : index
    %get3A_5 = vector.load %arg1[%get3A_2, %get3A_3, %get3A_4] : memref<2x2000x64xf32, #tpu.memory_space<vmem>>, vector<1x2000x64xf32>
    %get3A_6 = vector.shape_cast %get3A_5 : vector<1x2000x64xf32> to vector<2000x64xf32>
    %get3A_7 = arith.constant 1 : index
    %get3A_8 = arith.constant 0 : index
    %get3A_9 = arith.constant 0 : index
    %get3A_10 = vector.load %arg1[%get3A_7, %get3A_8, %get3A_9] : memref<2x2000x64xf32, #tpu.memory_space<vmem>>, vector<1x2000x64xf32>
    %get3A_11 = vector.shape_cast %get3A_10 : vector<1x2000x64xf32> to vector<2000x64xf32>
    %add3A = arith.addf %get3A_6, %get3A_11 : vector<2000x64xf32>
    %get3A_12 = arith.constant 0 : index
    %get3A_13 = arith.constant 0 : index
    %get3A_14 = vector.load %arg2[%get3A_12, %get3A_13] : memref<2000x64xf32, #tpu.memory_space<vmem>>, vector<2000x64xf32>
    %add3A_15 = arith.addf %add3A, %get3A_14 : vector<2000x64xf32>
    %mul3A = vector.broadcast %get3A_1 : vector<2000x1xf32> to vector<2000x64xf32>
    %mul3A_16 = arith.mulf %mul3A, %add3A_15 : vector<2000x64xf32>
    %get3A_17 = arith.constant 0 : index
    %get3A_18 = arith.constant 0 : index
    %get3A_19 = vector.load %arg4[%get3A_17, %get3A_18] : memref<1x64xf32, #tpu.memory_space<vmem>>, vector<1x64xf32>
    %add3A_20 = vector.broadcast %get3A_19 : vector<1x64xf32> to vector<2000x64xf32>
    %add3A_21 = arith.addf %mul3A_16, %add3A_20 : vector<2000x64xf32>
    %swap3A = arith.constant 0 : index
    %swap3A_22 = arith.constant 0 : index
    %swap3A_23 = vector.load %arg5[%swap3A, %swap3A_22] : memref<2000x64xf32, #tpu.memory_space<vmem>>, vector<2000x64xf32>
    tpu.vector_store %arg5[%swap3A, %swap3A_22], %add3A_21 {strides = array<i32>} : memref<2000x64xf32, #tpu.memory_space<vmem>>, vector<2000x64xf32>,
    return
  }
  func.func @transform_0(%arg0: i32) -> (i32, i32, i32) {
    %c0_i32 = arith.constant 0 : i32
    %c0_i32_0 = arith.constant 0 : i32
    %c0_i32_1 = arith.constant 0 : i32
    return %c0_i32, %arg0, %c0_i32_0 : i32, i32, i32
  }
  func.func @transform_1(%arg0: i32) -> (i32, i32) {
    %c0_i32 = arith.constant 0 : i32
    %c0_i32_0 = arith.constant 0 : i32
    return %arg0, %c0_i32 : i32, i32
  }
  func.func @transform_2(%arg0: i32) -> (i32, i32) {
    %c0_i32 = arith.constant 0 : i32
    %c0_i32_0 = arith.constant 0 : i32
    return %arg0, %c0_i32 : i32, i32
  }
  func.func @transform_3(%arg0: i32) -> (i32, i32) {
    %c0_i32 = arith.constant 0 : i32
    %c0_i32_0 = arith.constant 0 : i32
    %c0_i32_1 = arith.constant 0 : i32
    return %c0_i32, %c0_i32_0 : i32, i32
  }
  func.func @transform_4(%arg0: i32) -> (i32, i32) {
    %c0_i32 = arith.constant 0 : i32
    %c0_i32_0 = arith.constant 0 : i32
    return %arg0, %c0_i32 : i32, i32
  }
}

</mosaic_0001>

<sc_bundles>
// kernel: kernel.11.cloned.1.call-start
scs
__scs_entry_jumppad:
0x0: {  	(pc) =	sbr.rel $0x88, $3  }
0x1: {  	(tag) =	ssettag $0x0;
	lr =	simm.s32 $0x1  }
0x2: {  	[smem:$0x3F97] =	sst lr;
	_ =	strace $0xD0000000  }
0x3: {  	_ = 	snop  }
0x4: {  	_ = 	snop  }
0x5: {  	_ = 	snop  }
0x6: {  	_ = 	snop  }
0x7: {  	_ = 	snop  }
__scs_overlays_trampoline_lowered:
0x8: {  	[smem:$0x3FA6] =	sst s0  }
0x9: {  	[smem:$0x3FA7] =	sst s1  }
0xa: {  	[smem:$0x3FA8] =	sst s2  }
0xb: {  	[smem:$0x3FA9] =	sst s3  }
0xc: {  	[smem:$0x3FAA] =	sst s4  }
0xd: {  	[smem:$0x3FAB] =	sst s5  }
0xe: {  	[smem:$0x3FAC] =	sst s6  }
0xf: {  	[smem:$0x3FAD] =	sst s7  }
0x10: {  	[smem:$0x3FAE] =	sst s8  }
0x11: {  	[smem:$0x3FAF] =	sst s9;
	s0 =	simm.s32 @!p0 $0x0  }
0x12: {  	s1 =	sld [smem:$0x3F95];
	s0 =	simm.s32 @p0 $0x1  }
0x13: {  	[smem:$0x3FB0] =	sst s0;
	s0 =	simm.s32 @!p1 $0x0  }
0x14: {  	s2 =	sld [smem:$0x3F94];
	s0 =	simm.s32 @p1 $0x1  }
0x15: {  	[smem:$0x3FB1] =	sst s0;
	s0 =	simm.s32 @!p2 $0x0  }
0x16: {  	s3 =	sld [smem:$0x3FDB];
	s0 =	simm.s32 @p2 $0x1  }
0x17: {  	s4 =	simm.s32 $0x1BF5;
	[smem:$0x3FB3] =	sst s0  }
0x18: {  	s0 =	sld [smem:$0x3F96];
	_ =	swait.ge [sflag:s4], $0x0  }
0x19: {  	s7 =	sld [smem:$0x3F97]  }
0x1a: {  	s8 =	sadd.s32 $0xFFFFE003, lr  }
0x1b: {  	s9 =	sadd.s32 $0xFFFFFEF7, lr;
	s5 =	simm.s32 $0xFFFFFFFF;
	p2 =	slt.u32 s8, $0xFFFFF086  }
0x1c: {  	p1 =	slt.u32 s9, $0xF7A;
	s5 =	simm.s32 @!p2 $0x0  }
0x1d: {  	s5 =	simm.s32 @p1 $0x1;
	p0 =	seq.s32 s7, s2  }
0x1e: {  	s7 =	smul.u32 @!p0 $0xF7A, s2;
	p2 =	seq.s32 @!p0 s5, $0x0  }
0x1f: {  	s9 =	smul.u32 $0xF7A, s1;
	s8 =	simm.s32 @!p0 $0x1BF5;
	p2 =	por !p2, p0  }
0x20: {  	[sflag:s8] =	ssyncset.s32 @!p0 $0xFFFFF086;
	s6 =	sadd.s32 @!p0 s3, s7;
	s7 =	simm.s32 @!p0 $0x108  }
0x21: {  	s3 =	sadd.s32 s3, s9;
	s6 =	sadd.s32 @!p0 $0x88, s6;
	s7 =	simm.s32 @p2 $0x1082  }
0x22: {  	[simem:s7], [sflag:s8] =	dma.local @!p0 [hbm:s6], $0xF7A  }
0x23: {  	s9 =	sor.u32 $0xD0000000, s2;
	s6 =	simm.s32 $0x108;
	_ =	swait.ge @!p0 [sflag:s8], $0x0  }
0x24: {  	s3 =	sadd.s32 $0x88, s3;
	s6 =	simm.s32 @!p1 $0x1082;
	[sflag:s4] =	ssyncset.s32 $0xFFFFF086  }
0x25: {  	[simem:s6], [sflag:s4] =	dma.local [hbm:s3], $0xF7A  }
0x26: {  	[smem:$0x3F97] =	sst s1;
	(tag) =	ssettag s2;
	_ =	strace s9  }
0x27: {  	s1 =	sld [smem:$0x3FA7]  }
0x28: {  	s2 =	sld [smem:$0x3FA8]  }
0x29: {  	s4 =	sld [smem:$0x3FAA]  }
0x2a: {  	p0 =	seq.s32 s5, $0x0;
	s5 =	sld [smem:$0x3FAB]  }
0x2b: {  	s6 =	sld [smem:$0x3FAC]  }
0x2c: {  	s7 =	sld [smem:$0x3FAD]  }
0x2d: {  	s3 =	simm.s32 $0x108;
	s8 =	sld [smem:$0x3FAE]  }
0x2e: {  	s3 =	simm.s32 @!p0 $0x1082;
	s9 =	sld [smem:$0x3FAF]  }
0x2f: {  	lr =	sadd.s32 s0, s3;
	s0 =	sld [smem:$0x3FA6]  }
0x30: {  	s3 =	sld [smem:$0x3FA9]  }
0x31: {  	[smem:$0x3FB2] =	sst s10  }
0x32: {  	s10 =	sld [smem:$0x3FB0];
	_ =	sdelay $0x3  }
0x33: {  	p0 =	seq.s32 s10, $0x1;
	s10 =	sld [smem:$0x3FB2];
	_ =	sdelay $0x3  }
0x34: {  	[smem:$0x3FB2] =	sst s10  }
0x35: {  	s10 =	sld [smem:$0x3FB1];
	_ =	sdelay $0x3  }
0x36: {  	p1 =	seq.s32 s10, $0x1;
	s10 =	sld [smem:$0x3FB2];
	_ =	sdelay $0x3  }
0x37: {  	[smem:$0x3FB2] =	sst s10  }
0x38: {  	s10 =	sld [smem:$0x3FB3]  }
0x39: {  	_ = 	snop;
	(pc) =	sbr.ind lr, $3  }
0x3a: {  	_ = 	snop  }
0x3b: {  	_ = 	snop  }
0x3c: {  	p2 =	seq.s32 s10, $0x1;
	s10 =	sld [smem:$0x3FB2]  }
0x3d: {  	_ =	shalt  }
0x3e: {  	_ =	shalt  }
0x3f: {  	_ =	shalt  }
0x40: {  	_ =	shalt  }
0x41: {  	_ =	shalt  }
0x42: {  	_ =	shalt  }
0x43: {  	_ =	shalt  }
0x44: {  	_ =	shalt  }
0x45: {  	_ =	shalt  }
0x46: {  	_ =	shalt  }
0x47: {  	_ =	shalt  }
0x48: {  	_ =	shalt  }
0x49: {  	_ =	shalt  }
0x4a: {  	_ =	shalt  }
0x4b: {  	_ =	shalt  }
0x4c: {  	_ =	shalt  }
0x4d: {  	_ =	shalt  }
0x4e: {  	_ =	shalt  }
0x4f: {  	_ =	shalt  }
0x50: {  	_ =	shalt  }
0x51: {  	_ =	shalt  }
0x52: {  	_ =	shalt  }
0x53: {  	_ =	shalt  }
0x54: {  	_ =	shalt  }
0x55: {  	_ =	shalt  }
0x56: {  	_ =	shalt  }
0x57: {  	_ =	shalt  }
0x58: {  	_ =	shalt  }
0x59: {  	_ =	shalt  }
0x5a: {  	_ =	shalt  }
0x5b: {  	_ =	shalt  }
0x5c: {  	_ =	shalt  }
0x5d: {  	_ =	shalt  }
0x5e: {  	_ =	shalt  }
0x5f: {  	_ =	shalt  }
0x60: {  	_ =	shalt  }
0x61: {  	_ =	shalt  }
0x62: {  	_ =	shalt  }
0x63: {  	_ =	shalt  }
0x64: {  	_ =	shalt  }
0x65: {  	_ =	shalt  }
0x66: {  	_ =	shalt  }
0x67: {  	_ =	shalt  }
0x68: {  	_ =	shalt  }
0x69: {  	_ =	shalt  }
0x6a: {  	_ =	shalt  }
0x6b: {  	_ =	shalt  }
0x6c: {  	_ =	shalt  }
0x6d: {  	_ =	shalt  }
0x6e: {  	_ =	shalt  }
0x6f: {  	_ =	shalt  }
0x70: {  	_ =	shalt  }
0x71: {  	_ =	shalt  }
0x72: {  	_ =	shalt  }
0x73: {  	_ =	shalt  }
0x74: {  	_ =	shalt  }
0x75: {  	_ =	shalt  }
0x76: {  	_ =	shalt  }
0x77: {  	_ =	shalt  }
0x78: {  	_ =	shalt  }
0x79: {  	_ =	shalt  }
0x7a: {  	_ =	shalt  }
0x7b: {  	_ =	shalt  }
0x7c: {  	_ =	shalt  }
0x7d: {  	_ =	shalt  }
0x7e: {  	_ =	shalt  }
0x7f: {  	_ =	shalt  }
0x80: {  	_ =	shalt  }
0x81: {  	_ =	shalt  }
0x82: {  	_ =	shalt  }
0x83: {  	_ =	shalt  }
0x84: {  	_ =	shalt  }
0x85: {  	_ =	shalt  }
0x86: {  	_ =	shalt  }
0x87: {  	_ =	shalt  }
.Lfunc_end0:
.L_simem_size_0:
called_computation.1_lowered:
.L_overlay_start_0:
0x88: {  	s2 =	sld [smem:$0x3FD9]  }
0x89: {  	s3 =	sld [smem:$0x3FFE];
	_ =	sdelay $0x1  }
0x8a: {  	s1 =	srdreg.scid  }
0x8b: {  	s0 =	sand.u32 $0x1, s1  }
0x8c: {  	s16 =	sshll.u32 s0, $0xA;
	s2 =	sadd.s32 s3, s2  }
0x8d: {  	s2 =	sadd.s32 s2, s16  }
0x8e: {  	[smem:$0x3FBE] =	sst s2  }
0x8f: {  	_ = 	snop  }
0x90: {  	(tm) =	ssettm $0x1  }
0x91: {  	s17 =	sld [smem:$0x3FFB];
	_ =	sdelay $0x3  }
0x92: {  	_ =	strace s17  }
0x93: {  	s2 =	sld [smem:$0x3FFC];
	_ =	sdelay $0x3  }
0x94: {  	_ =	strace s2  }
0x95: {  	s2 =	sld [smem:$0x3FFD];
	_ =	sdelay $0x3  }
0x96: {  	_ =	strace s2  }
0x97: {  	_ =	strace $0x8FFFFFFF  }
0x98: {  	s18 =	sld [smem:$0x3FDB];
	_ =	sdelay $0x1  }
0x99: {  	s19 =	simm.s32 $_scs_section_size  }
0x9a: {  	s4 =	simm.s32 $_size__tile_overlayer_lowered;
	s5 =	simm.s32 $_tile_overlayer_lowered  }
0x9b: {  	s22 =	simm.s32 $0x1BFF;
	s21 =	sshll.u32 s5, $0x1;
	s2 =	sadd.s32 s19, s18  }
0x9c: {  	s6 =	simm.s32 $0x0;
	s20 =	sshll.u32 s4, $0x1;
	s4 =	sadd.s32 s21, s2  }
0x9d: {  	[timem:s6], [sflag:s22] =	dma.local [hbm:s4], s20  }
0x9e: {  	_ =	swait.ge [sflag:s22], s20  }
0x9f: {  	s3 =	ssub.s32 $0x0, s20;
	[sflag:s22] =	ssyncset.done $0x0  }
0xa0: {  	[sflag:s22] =	ssyncadd.s32 s3;
	_ =	sdelay $0x1  }
0xa1: {  	s23 =	simm.s32 $0x1B8B  }
0xa2: {  	_ =	swait.ge [sflag:s23], $0x1  }
0xa3: {  	[sflag:s23] =	ssyncset.done $0x0  }
0xa4: {  	s25 =	simm.s32 $0x1B8E;
	s24 =	sld [smem:$0x3FFE];
	[sflag:s23] =	ssyncadd.s32 $0xFFFFFFFF  }
0xa5: {  	s26 =	simm.s32 $execute0_lowered;
	[smem:$0x3FD2] =	sst s25  }
0xa6: {  	s4 =	sshll.u32 s26, $0x1;
	_ =	strace $0x80000049;
	[dreg:$0x1] =	wrdreg $0xFFFFFFFF  }
0xa7: {  	s28 =	simm.s32 $_size_execute0_lowered;
	s2 =	sadd.s32 s2, s4;
	[dreg:$0x0] =	wrdreg $0x0  }
0xa8: {  	s4 =	sshll.u32 s28, $0x1;
	[dreg:$0x2] =	wrdreg s2  }
0xa9: {  	[dreg:$0x3] =	wrdreg s4  }
0xaa: {  	[dreg:$0x4] =	wrdreg $0xC0  }
0xab: {  	_ =	task [dreg:s6], $0x5FFFF  }
0xac: {  	[dreg:$0x1] =	wrdreg $0xFFFFFFFF  }
0xad: {  	[dreg:$0x0] =	wrdreg $0x60  }
0xae: {  	[dreg:$0x2] =	wrdreg s24  }
0xaf: {  	[dreg:$0x3] =	wrdreg $0x90000  }
0xb0: {  	[dreg:$0x4] =	wrdreg $0x9  }
0xb1: {  	_ =	task.clear_ibuf [dreg:s6], $0x5FFFF;
	_ =	strace $0x90000049  }
0xb2: {  	s29 =	simm.s32 $0x9;
	_ =	strace $0x8000004B  }
0xb3: {  	_ =	swait.ge [sflag:s29], $0x1  }
0xb4: {  	[sflag:s29] =	ssyncadd.s32 $0xFFFFFFFF  }
0xb5: {  	_ =	strace $0x9000004B  }
0xb6: {  	_ =	sfence  }
0xb7: {  	s30 =	sld [smem:$0x0];
	_ =	sdelay $0x2  }
0xb8: {  	s31 =	sshll.u32 s1, $0xD;
	s1 =	sshrl.u32 s1, $0x2  }
0xb9: {  	s3 =	sand.u32 $0x4000, s31;
	s1 =	sadd.s32 s1, s30  }
0xba: {  	s0 =	sor.u32 s3, s0;
	s1 =	sshll.u32 s1, $0x11  }
0xbb: {  	s0 =	sor.u32 s1, s0  }
0xbc: {  	s0 =	sadd.s32 $0x8F2B, s0  }
0xbd: {  	[sflag:s0] =	ssyncadd.remote.s32 $0x1  }
0xbe: {  	_ =	sfence.sel $0xFFFF  }
0xbf: {  	[dreg:$0x0] =	wrdreg $0xFFFFFFFF;
	(pc) =	sbr.abs _section_cstart, $3  }
0xc0: {  	[dreg:$0x1] =	wrdreg $0xFFFFFFFF  }
0xc1: {  	_ =	task.clear_ibuf [dreg:s6], $0x2FFFF;
	_ =	strace $0x9FFFFFFF  }
0xc2: {  	(tm) =	ssettm $0x7FFFFFFF  }
0xc3: {  	_ =	shalt  }
tec
execute0_lowered:
.L_overlay_start_1:
0x0: {  	(tag) =	ssettag $0x1  }
0x1: {  	s7 =	rddreg [dreg:$0x0]  }
0x2: {  	s2 =	rddreg [dreg:$0x1]  }
0x3: {  	s0 =	rddreg [dreg:$0x2]  }
0x4: {  	s4 =	srdreg.scid;
	s1 =	stileid.u32  }
0x5: {  	s3 =	simm.s32 $0x0;
	s9 =	sand.u32 $0x1, s4;
	s8 =	smul.u32 $0x13C00, s1  }
0x6: {  	[smem:$0x7FF] =	sst s3;
	s4 =	sadd.s32 $0x5200, s7;
	s31 =	smul.u32 $0x1400, s1  }
0x7: {  	s30 =	sshll.u32 s1, $0x6;
	s5 =	smul.u32 $0x13C000, s9;
	_ =	strace $0x8000004A  }
0x8: {  	s10 =	ssub.s32 $0x2, s9;
	p0 =	seq.s32 s9, $0x0;
	s15 =	smul.u32 $0xE00, s9  }
0x9: {  	s12 =	sshrl.u32 s10, $0x1;
	s13 =	sadd.s32 s8, s2;
	s6 =	sadd.s32 s8, s5  }
0xa: {  	s5 =	sadd.s32 $0x54A00, s7;
	s10 =	ssub.s32 s10, s12;
	s11 =	sshrl.u32 s6, $0x3  }
0xb: {  	s6 =	sadd.s32 $0x2A00, s7;
	s11 =	sadd.s32 s11, s7;
	s7 =	simm.s32 $0xE0  }
0xc: {  	s8 =	sor.u32 $0x1C05, s30;
	s12 =	sadd.s32 s15, s31;
	s7 =	simm.s32 @!p0 $0x60  }
0xd: {  	s13 =	sshrl.u32 s13, $0x3;
	s10 =	smax.u32 s10, $0x1;
	s14 =	sshll.u32 s7, $0x9  }
0xe: {  	s9 =	sadd.s32 $0x68A00, s11;
	s11 =	sor.u32 $0x600, s14;
	s14 =	simm.s32 $0x5  }
.LBB2_1:
0xf: {  	[spmem:s13], [sflag:s8] =	dma.local [hbm:s6], $0x2780  }
0x10: {  	_ =	swait.ge [sflag:s14], $0x2780  }
0x11: {  	[sflag:s14] =	ssyncset.done $0x0  }
0x12: {  	s15 =	simm.s32 $0xFFFFFE80;
	s16 =	simm.s32 $0xFFFFFFFD;
	[sflag:s14] =	ssyncadd.s32 $0xFFFFD880  }
0x13: {  	s17 =	smov.u32 s12;
	s18 =	simm.s32 $0x0;
	[bflag:$0x0] =	sbarrier.arrive $0xFFFF  }
.LBB2_2:
0x14: {  	s19 =	sadd.s32 $0x3, s16  }
0x15: {  	p0 =	sge.u32 s19, s7;
	s20 =	sand.u32 $0xF, s19  }
0x16: {  	p1 =	sne.s32 @!p0 s20, $0x0  }
0x17: {  	p2 =	por p1, p0  }
0x18: {  	s21 =	sadd.s32 @!p2 $0x180, s15;
	s22 =	sand.u32 @!p2 $0x1FFFFF00, s17  }
0x19: {  	s23 =	simm.s32 @!p2 $0x0;
	s21 =	sand.u32 @!p2 $0x800, s21;
	s22 =	sadd.s32 @!p2 s5, s22  }
0x1a: {  	[tilespmem:s21], [sflag:$0x6] =	stream.linear.gather @!p2 [hbm4b:s22+s23], $0x800, $0x38;
	[tilespmem:$0x1CC00] =	vst v63  }
0x1b: {  	s21 =	sand.u32 @!p0 $0x3, s19  }
0x1c: {  	s22 =	simm.s32 @!p2 $0x6;
	p1 =	sgt.s32 @!p0 s21, $0x1  }
0x1d: {  	_ =	swait.ge @!p2 [sflag:s22], $0x800;
	p3 =	por !p1, p0  }
0x1e: {  	[sflag:s22] =	ssyncset.done @!p2 $0x0;
	p3 =	seq.s32 @!p3 s21, $0x2  }
0x1f: {  	[sflag:s22] =	ssyncadd.s32 @!p2 $0xFFFFF800;
	s22 =	sand.u32 @!p0 $0x2000, s18;
	p2 =	por @!p0 !p3, !p1  }
0x20: {  	s20 =	sshll.u32 @!p0 s20, $0x7;
	s22 =	sshrl.u32 @!p0 s22, $0x2;
	p2 =	por p2, p0  }
0x21: {  	s20 =	sor.u32 @!p0 s20, s22;
	s22 =	simm.s32 @!p2 $0x40;
	s23 =	simm.s32 @!p2 $0x5000  }
0x22: {  	[tilespmem:s23], [sflag:$0x3] =	stream.indirect.gather @!p2 [hbm4b:s4+s22], $0x80, s20, s22, $0xb8;
	[tilespmem:$0x1CC00] =	vst v63  }
0x23: {  	p2 =	por @!p0 p3, !p1  }
0x24: {  	p2 =	por p2, p0  }
0x25: {  	s22 =	simm.s32 @!p2 $0x40;
	s23 =	simm.s32 @!p2 $0x7000  }
0x26: {  	[tilespmem:s23], [sflag:$0x4] =	stream.indirect.gather @!p2 [hbm4b:s4+s22], $0x80, s20, s22, $0xb8;
	[tilespmem:$0x1CC00] =	vst v63  }
0x27: {  	p2 =	por p1, p0  }
0x28: {  	p2 =	seq.s32 @!p2 s21, $0x0  }
0x29: {  	p3 =	por @!p0 !p2, p1  }
0x2a: {  	p1 =	por @!p0 p2, p1;
	p3 =	por p3, p0  }
0x2b: {  	p0 =	por p1, p0;
	s21 =	simm.s32 @!p3 $0x40;
	s22 =	simm.s32 @!p3 $0x1000  }
0x2c: {  	[tilespmem:s22], [sflag:$0x1] =	stream.indirect.gather @!p3 [hbm4b:s4+s21], $0x80, s20, s21, $0xb8;
	[tilespmem:$0x1CC00] =	vst v63  }
0x2d: {  	s21 =	simm.s32 @!p0 $0x40;
	s22 =	simm.s32 @!p0 $0x3000  }
0x2e: {  	[tilespmem:s22], [sflag:$0x2] =	stream.indirect.gather @!p0 [hbm4b:s4+s21], $0x80, s20, s21, $0xb8;
	[tilespmem:$0x1CC00] =	vst v63  }
0x2f: {  	p0 =	slt.u32 s19, $0x3  }
0x30: {  	s19 =	sand.u32 @!p0 $0x3, s16  }
0x31: {  	p2 =	sgt.s32 @!p0 s19, $0x1  }
0x32: {  	p1 =	por !p2, p0  }
0x33: {  	p3 =	seq.s32 @!p1 s19, $0x2  }
0x34: {  	p5 =	por p2, p0;
	p4 =	por @!p0 p3, !p2  }
0x35: {  	p5 =	seq.s32 @!p5 s19, $0x0;
	p4 =	por p4, p0  }
0x36: {  	s20 =	simm.s32 @!p4 $0x4;
	p4 =	por @!p0 p5, p2  }
0x37: {  	p3 =	por @!p0 !p3, !p2;
	p2 =	por @!p0 !p5, p2;
	p4 =	por p4, p0  }
0x38: {  	p3 =	por !p3, p0;
	p2 =	por !p2, p0;
	s21 =	simm.s32 @!p4 $0x2  }
0x39: {  	s20 =	simm.s32 @p3 $0x3;
	s21 =	simm.s32 @p2 $0x1  }
0x3a: {  	s20 =	smov.u32 @p1 s21  }
0x3b: {  	_ =	swait.ge @!p0 [sflag:s20], $0x2000  }
0x3c: {  	[sflag:s20] =	ssyncset.done @!p0 $0x0  }
0x3d: {  	s19 =	sshll.u32 @!p0 s19, $0xD;
	[sflag:s20] =	ssyncadd.s32 @!p0 $0xFFFFE000;
	s20 =	sand.u32 @!p0 $0xF80, s15  }
0x3e: {  	s19 =	sor.u32 @!p0 $0x1000, s19;
	s21 =	simm.s32 @!p0 $0x40;
	s20 =	sor.u32 @!p0 $0x40, s20  }
0x3f: {  	[spmem:s2] =	stream.indirect.scatter.add.f32 @!p0 [tilespmem:s19], [sflag:$0x5], $0x80, s20, s21, $0xb8;
	[tilespmem:$0x1CC00] =	vst v63  }
0x40: {  	s19 =	simm.s32 @!p0 $0x5  }
0x41: {  	_ =	swait.ge @!p0 [sflag:s19], $0x2000  }
0x42: {  	s18 =	sadd.s32 $0x200, s18;
	[sflag:s19] =	ssyncset.done @!p0 $0x0  }
0x43: {  	[sflag:s19] =	ssyncadd.s32 @!p0 $0xFFFFE000;
	p0 =	sne.s32 s11, s18  }
.Ltmp0:
0x44: {  	_ = 	snop;
	(pc) =	sbr.rel @p0 .LBB2_2-.Ltmp0, $2  }
0x45: {  	_ =	sdelay $0x2  }
0x46: {  	s17 =	sadd.s32 $0x10, s17;
	s16 =	sadd.s32 $0x1, s16;
	s15 =	sadd.s32 $0x80, s15  }
0x47: {  	s3 =	sadd.s32 $0x1, s3  }
0x48: {  	p0 =	sne.s32 s3, s10  }
.Ltmp1:
0x49: {  	[bflag:$0x0] =	sbarrier.arrive $0xFFFF;
	(pc) =	sbr.rel @p0 .LBB2_1-.Ltmp1, $4  }
0x4a: {  	[hbm:s9], [sflag:s8] =	dma.local [spmem:s13], $0x2780  }
0x4b: {  	_ =	swait.ge [sflag:s14], $0x2780  }
0x4c: {  	[sflag:s14] =	ssyncset.done $0x0  }
0x4d: {  	[sflag:s14] =	ssyncadd.s32 $0xFFFFD880  }
0x4e: {  	_ =	sfence.sel $0x180000  }
0x4f: {  	[bflag:$0x0] =	sbarrier.arrive $0xFFFF  }
0x50: {  	p0 =	sne.s32 s1, $0x0;
	_ =	strace $0x9000004A  }
0x51: {  	s0 =	sadd.s32 @!p0 $0x100000, s0;
	[bflag:$0x2] =	sbarrier.arrive $0xFFFF  }
0x52: {  	[sflag:s0] =	ssyncadd.tile.s32 @!p0 $0x1;
	_ =	shalt  }
.Lfunc_end2:
_tile_overlayer_lowered:
.L_overlay_start_2:
0x53: {  	(tag) =	ssettag $0x2  }
0x54: {  	s0 =	rddreg [dreg:$0x0];
	s2 =	stileid.u32  }
0x55: {  	s1 =	rddreg [dreg:$0x1];
	p0 =	sne.s32 s2, $0x0  }
0x56: {  	s3 =	rddreg [dreg:$0x2];
	[bflag:$0x3] =	sbarrier.arrive $0xFFFF;
	s2 =	simm.s32 @!p0 $0x1C05  }
0x57: {  	[timem:s3], [sflag:s2] =	dma.local @!p0 [hbm:s0], s1  }
0x58: {  	s0 =	simm.s32 @!p0 $0x5  }
0x59: {  	_ =	swait.ge @!p0 [sflag:s0], s1  }
0x5a: {  	s1 =	ssub.s32 @!p0 $0x0, s1;
	[sflag:s0] =	ssyncset.done @!p0 $0x0  }
0x5b: {  	[sflag:s0] =	ssyncadd.s32 @!p0 s1  }
0x5c: {  	[bflag:$0x3] =	sbarrier.arrive $0xFFFF  }
0x5d: {  	_ =	shalt  }

// kernel: kernel.14.cloned.1.call-start
scs
__scs_entry_jumppad:
0x0: {  	(pc) =	sbr.rel $0x88, $3  }
0x1: {  	(tag) =	ssettag $0x0;
	lr =	simm.s32 $0x1  }
0x2: {  	[smem:$0x3F97] =	sst lr;
	_ =	strace $0xD0000000  }
0x3: {  	_ = 	snop  }
0x4: {  	_ = 	snop  }
0x5: {  	_ = 	snop  }
0x6: {  	_ = 	snop  }
0x7: {  	_ = 	snop  }
__scs_overlays_trampoline_lowered:
0x8: {  	[smem:$0x3FA6] =	sst s0  }
0x9: {  	[smem:$0x3FA7] =	sst s1  }
0xa: {  	[smem:$0x3FA8] =	sst s2  }
0xb: {  	[smem:$0x3FA9] =	sst s3  }
0xc: {  	[smem:$0x3FAA] =	sst s4  }
0xd: {  	[smem:$0x3FAB] =	sst s5  }
0xe: {  	[smem:$0x3FAC] =	sst s6  }
0xf: {  	[smem:$0x3FAD] =	sst s7  }
0x10: {  	[smem:$0x3FAE] =	sst s8  }
0x11: {  	[smem:$0x3FAF] =	sst s9;
	s0 =	simm.s32 @!p0 $0x0  }
0x12: {  	s1 =	sld [smem:$0x3F95];
	s0 =	simm.s32 @p0 $0x1  }
0x13: {  	[smem:$0x3FB0] =	sst s0;
	s0 =	simm.s32 @!p1 $0x0  }
0x14: {  	s2 =	sld [smem:$0x3F94];
	s0 =	simm.s32 @p1 $0x1  }
0x15: {  	[smem:$0x3FB1] =	sst s0;
	s0 =	simm.s32 @!p2 $0x0  }
0x16: {  	s3 =	sld [smem:$0x3FDB];
	s0 =	simm.s32 @p2 $0x1  }
0x17: {  	s4 =	simm.s32 $0x1BF5;
	[smem:$0x3FB3] =	sst s0  }
0x18: {  	s0 =	sld [smem:$0x3F96];
	_ =	swait.ge [sflag:s4], $0x0  }
0x19: {  	s7 =	sld [smem:$0x3F97]  }
0x1a: {  	s8 =	sadd.s32 $0xFFFFE003, lr  }
0x1b: {  	s9 =	sadd.s32 $0xFFFFFEF7, lr;
	s5 =	simm.s32 $0xFFFFFFFF;
	p2 =	slt.u32 s8, $0xFFFFF086  }
0x1c: {  	p1 =	slt.u32 s9, $0xF7A;
	s5 =	simm.s32 @!p2 $0x0  }
0x1d: {  	s5 =	simm.s32 @p1 $0x1;
	p0 =	seq.s32 s7, s2  }
0x1e: {  	s7 =	smul.u32 @!p0 $0xF7A, s2;
	p2 =	seq.s32 @!p0 s5, $0x0  }
0x1f: {  	s9 =	smul.u32 $0xF7A, s1;
	s8 =	simm.s32 @!p0 $0x1BF5;
	p2 =	por !p2, p0  }
0x20: {  	[sflag:s8] =	ssyncset.s32 @!p0 $0xFFFFF086;
	s6 =	sadd.s32 @!p0 s3, s7;
	s7 =	simm.s32 @!p0 $0x108  }
0x21: {  	s3 =	sadd.s32 s3, s9;
	s6 =	sadd.s32 @!p0 $0x88, s6;
	s7 =	simm.s32 @p2 $0x1082  }
0x22: {  	[simem:s7], [sflag:s8] =	dma.local @!p0 [hbm:s6], $0xF7A  }
0x23: {  	s9 =	sor.u32 $0xD0000000, s2;
	s6 =	simm.s32 $0x108;
	_ =	swait.ge @!p0 [sflag:s8], $0x0  }
0x24: {  	s3 =	sadd.s32 $0x88, s3;
	s6 =	simm.s32 @!p1 $0x1082;
	[sflag:s4] =	ssyncset.s32 $0xFFFFF086  }
0x25: {  	[simem:s6], [sflag:s4] =	dma.local [hbm:s3], $0xF7A  }
0x26: {  	[smem:$0x3F97] =	sst s1;
	(tag) =	ssettag s2;
	_ =	strace s9  }
0x27: {  	s1 =	sld [smem:$0x3FA7]  }
0x28: {  	s2 =	sld [smem:$0x3FA8]  }
0x29: {  	s4 =	sld [smem:$0x3FAA]  }
0x2a: {  	p0 =	seq.s32 s5, $0x0;
	s5 =	sld [smem:$0x3FAB]  }
0x2b: {  	s6 =	sld [smem:$0x3FAC]  }
0x2c: {  	s7 =	sld [smem:$0x3FAD]  }
0x2d: {  	s3 =	simm.s32 $0x108;
	s8 =	sld [smem:$0x3FAE]  }
0x2e: {  	s3 =	simm.s32 @!p0 $0x1082;
	s9 =	sld [smem:$0x3FAF]  }
0x2f: {  	lr =	sadd.s32 s0, s3;
	s0 =	sld [smem:$0x3FA6]  }
0x30: {  	s3 =	sld [smem:$0x3FA9]  }
0x31: {  	[smem:$0x3FB2] =	sst s10  }
0x32: {  	s10 =	sld [smem:$0x3FB0];
	_ =	sdelay $0x3  }
0x33: {  	p0 =	seq.s32 s10, $0x1;
	s10 =	sld [smem:$0x3FB2];
	_ =	sdelay $0x3  }
0x34: {  	[smem:$0x3FB2] =	sst s10  }
0x35: {  	s10 =	sld [smem:$0x3FB1];
	_ =	sdelay $0x3  }
0x36: {  	p1 =	seq.s32 s10, $0x1;
	s10 =	sld [smem:$0x3FB2];
	_ =	sdelay $0x3  }
0x37: {  	[smem:$0x3FB2] =	sst s10  }
0x38: {  	s10 =	sld [smem:$0x3FB3]  }
0x39: {  	_ = 	snop;
	(pc) =	sbr.ind lr, $3  }
0x3a: {  	_ = 	snop  }
0x3b: {  	_ = 	snop  }
0x3c: {  	p2 =	seq.s32 s10, $0x1;
	s10 =	sld [smem:$0x3FB2]  }
0x3d: {  	_ =	shalt  }
0x3e: {  	_ =	shalt  }
0x3f: {  	_ =	shalt  }
0x40: {  	_ =	shalt  }
0x41: {  	_ =	shalt  }
0x42: {  	_ =	shalt  }
0x43: {  	_ =	shalt  }
0x44: {  	_ =	shalt  }
0x45: {  	_ =	shalt  }
0x46: {  	_ =	shalt  }
0x47: {  	_ =	shalt  }
0x48: {  	_ =	shalt  }
0x49: {  	_ =	shalt  }
0x4a: {  	_ =	shalt  }
0x4b: {  	_ =	shalt  }
0x4c: {  	_ =	shalt  }
0x4d: {  	_ =	shalt  }
0x4e: {  	_ =	shalt  }
0x4f: {  	_ =	shalt  }
0x50: {  	_ =	shalt  }
0x51: {  	_ =	shalt  }
0x52: {  	_ =	shalt  }
0x53: {  	_ =	shalt  }
0x54: {  	_ =	shalt  }
0x55: {  	_ =	shalt  }
0x56: {  	_ =	shalt  }
0x57: {  	_ =	shalt  }
0x58: {  	_ =	shalt  }
0x59: {  	_ =	shalt  }
0x5a: {  	_ =	shalt  }
0x5b: {  	_ =	shalt  }
0x5c: {  	_ =	shalt  }
0x5d: {  	_ =	shalt  }
0x5e: {  	_ =	shalt  }
0x5f: {  	_ =	shalt  }
0x60: {  	_ =	shalt  }
0x61: {  	_ =	shalt  }
0x62: {  	_ =	shalt  }
0x63: {  	_ =	shalt  }
0x64: {  	_ =	shalt  }
0x65: {  	_ =	shalt  }
0x66: {  	_ =	shalt  }
0x67: {  	_ =	shalt  }
0x68: {  	_ =	shalt  }
0x69: {  	_ =	shalt  }
0x6a: {  	_ =	shalt  }
0x6b: {  	_ =	shalt  }
0x6c: {  	_ =	shalt  }
0x6d: {  	_ =	shalt  }
0x6e: {  	_ =	shalt  }
0x6f: {  	_ =	shalt  }
0x70: {  	_ =	shalt  }
0x71: {  	_ =	shalt  }
0x72: {  	_ =	shalt  }
0x73: {  	_ =	shalt  }
0x74: {  	_ =	shalt  }
0x75: {  	_ =	shalt  }
0x76: {  	_ =	shalt  }
0x77: {  	_ =	shalt  }
0x78: {  	_ =	shalt  }
0x79: {  	_ =	shalt  }
0x7a: {  	_ =	shalt  }
0x7b: {  	_ =	shalt  }
0x7c: {  	_ =	shalt  }
0x7d: {  	_ =	shalt  }
0x7e: {  	_ =	shalt  }
0x7f: {  	_ =	shalt  }
0x80: {  	_ =	shalt  }
0x81: {  	_ =	shalt  }
0x82: {  	_ =	shalt  }
0x83: {  	_ =	shalt  }
0x84: {  	_ =	shalt  }
0x85: {  	_ =	shalt  }
0x86: {  	_ =	shalt  }
0x87: {  	_ =	shalt  }
.Lfunc_end0:
.L_simem_size_0:
called_computation.2_lowered:
.L_overlay_start_0:
0x88: {  	s2 =	sld [smem:$0x3FD9]  }
0x89: {  	s3 =	sld [smem:$0x3FFE];
	_ =	sdelay $0x1  }
0x8a: {  	s1 =	srdreg.scid  }
0x8b: {  	s0 =	sand.u32 $0x1, s1  }
0x8c: {  	s17 =	sshll.u32 s0, $0xA;
	s2 =	sadd.s32 s3, s2  }
0x8d: {  	s2 =	sadd.s32 s2, s17  }
0x8e: {  	[smem:$0x3FBE] =	sst s2  }
0x8f: {  	_ = 	snop  }
0x90: {  	s2 =	sld [smem:$0x3FD0];
	(tm) =	ssettm $0x1  }
0x91: {  	s18 =	sld [smem:$0x3FFB];
	_ =	sdelay $0x3  }
0x92: {  	_ =	strace s18  }
0x93: {  	s3 =	sld [smem:$0x3FFC];
	_ =	sdelay $0x3  }
0x94: {  	_ =	strace s3  }
0x95: {  	s3 =	sld [smem:$0x3FFD];
	_ =	sdelay $0x3  }
0x96: {  	_ =	strace s3  }
0x97: {  	_ =	strace $0x8FFFFFFF  }
0x98: {  	s19 =	sld [smem:$0x3FDB];
	_ =	sdelay $0x1  }
0x99: {  	s4 =	simm.s32 $_scs_section_size  }
0x9a: {  	s5 =	simm.s32 $_size__tile_overlayer_lowered;
	s6 =	simm.s32 $_tile_overlayer_lowered  }
0x9b: {  	s22 =	simm.s32 $0x1BFF;
	s21 =	sshll.u32 s6, $0x1;
	s3 =	sadd.s32 s4, s19  }
0x9c: {  	s7 =	simm.s32 $0x0;
	s20 =	sshll.u32 s5, $0x1;
	s5 =	sadd.s32 s21, s3  }
0x9d: {  	[timem:s7], [sflag:s22] =	dma.local [hbm:s5], s20  }
0x9e: {  	_ =	swait.ge [sflag:s22], s20  }
0x9f: {  	s4 =	ssub.s32 $0x0, s20;
	[sflag:s22] =	ssyncset.done $0x0  }
0xa0: {  	[sflag:s22] =	ssyncadd.s32 s4;
	_ =	sdelay $0x1  }
0xa1: {  	s23 =	simm.s32 $0x1B8B  }
0xa2: {  	_ =	swait.ge [sflag:s23], $0x1  }
0xa3: {  	[sflag:s23] =	ssyncset.done $0x0  }
0xa4: {  	s25 =	simm.s32 $0x1B8E;
	s24 =	sld [smem:$0x3FFE];
	[sflag:s23] =	ssyncadd.s32 $0xFFFFFFFF  }
0xa5: {  	s26 =	simm.s32 $execute0_lowered;
	[smem:$0x3FD2] =	sst s25  }
0xa6: {  	s5 =	sshll.u32 s26, $0x1;
	_ =	strace $0x8000004C;
	[dreg:$0x1] =	wrdreg $0xFFFFFFFF  }
0xa7: {  	s28 =	simm.s32 $_size_execute0_lowered;
	s3 =	sadd.s32 s3, s5;
	[dreg:$0x0] =	wrdreg $0x0  }
0xa8: {  	s5 =	sshll.u32 s28, $0x1;
	[dreg:$0x2] =	wrdreg s3  }
0xa9: {  	[dreg:$0x3] =	wrdreg s5  }
0xaa: {  	[dreg:$0x4] =	wrdreg $0xC0  }
0xab: {  	_ =	task [dreg:s7], $0x5FFFF  }
0xac: {  	[dreg:$0x1] =	wrdreg $0xFFFFFFFF  }
0xad: {  	[dreg:$0x0] =	wrdreg $0x60  }
0xae: {  	[dreg:$0x2] =	wrdreg s2  }
0xaf: {  	[dreg:$0x3] =	wrdreg s24  }
0xb0: {  	[dreg:$0x4] =	wrdreg $0x50000  }
0xb1: {  	[dreg:$0x5] =	wrdreg $0x9  }
0xb2: {  	_ =	task.clear_ibuf [dreg:s7], $0x6FFFF;
	_ =	strace $0x9000004C  }
0xb3: {  	s29 =	simm.s32 $0x9;
	_ =	strace $0x8000004E  }
0xb4: {  	_ =	swait.ge [sflag:s29], $0x1  }
0xb5: {  	[sflag:s29] =	ssyncadd.s32 $0xFFFFFFFF  }
0xb6: {  	_ =	strace $0x9000004E  }
0xb7: {  	_ =	sfence  }
0xb8: {  	s30 =	sld [smem:$0x0];
	_ =	sdelay $0x2  }
0xb9: {  	s31 =	sshll.u32 s1, $0xD;
	s1 =	sshrl.u32 s1, $0x2  }
0xba: {  	s3 =	sand.u32 $0x4000, s31;
	s1 =	sadd.s32 s1, s30  }
0xbb: {  	s0 =	sor.u32 s3, s0;
	s1 =	sshll.u32 s1, $0x11  }
0xbc: {  	s0 =	sor.u32 s1, s0  }
0xbd: {  	s0 =	sadd.s32 $0x8F2B, s0  }
0xbe: {  	[sflag:s0] =	ssyncadd.remote.s32 $0x1  }
0xbf: {  	_ =	sfence.sel $0xFFFF  }
0xc0: {  	[dreg:$0x0] =	wrdreg $0xFFFFFFFF;
	(pc) =	sbr.abs _section_cstart, $3  }
0xc1: {  	[dreg:$0x1] =	wrdreg $0xFFFFFFFF  }
0xc2: {  	_ =	task.clear_ibuf [dreg:s7], $0x2FFFF;
	_ =	strace $0x9FFFFFFF  }
0xc3: {  	(tm) =	ssettm $0x7FFFFFFF  }
tec
execute0_lowered:
.L_overlay_start_1:
0x0: {  	(tag) =	ssettag $0x1  }
0x1: {  	s1 =	rddreg [dreg:$0x0]  }
0x2: {  	s7 =	rddreg [dreg:$0x1];
	s2 =	srdreg.scid  }
0x3: {  	s0 =	stileid.u32;
	s3 =	rddreg [dreg:$0x2];
	s4 =	simm.s32 $0x0  }
0x4: {  	s9 =	sand.u32 $0x1, s2;
	s8 =	smul.u32 $0x9E00, s0;
	s2 =	rddreg [dreg:$0x3]  }
0x5: {  	[smem:$0x7FF] =	sst s4;
	s31 =	smul.u32 $0x1400, s0  }
0x6: {  	s30 =	sshll.u32 s0, $0x6;
	s5 =	smul.u32 $0x9E000, s9;
	_ =	strace $0x8000004D  }
0x7: {  	s10 =	ssub.s32 $0x2, s9;
	p0 =	seq.s32 s9, $0x0;
	s15 =	smul.u32 $0xE00, s9  }
0x8: {  	s12 =	sshrl.u32 s10, $0x1;
	s13 =	sadd.s32 s8, s3;
	s6 =	sadd.s32 s8, s5  }
0x9: {  	s5 =	sadd.s32 $0x54A00, s7;
	s10 =	ssub.s32 s10, s12;
	s11 =	sshrl.u32 s6, $0x3  }
0xa: {  	s6 =	sadd.s32 $0x2A00, s7;
	s11 =	sadd.s32 s11, s7;
	s7 =	simm.s32 $0xE0  }
0xb: {  	s8 =	sor.u32 $0x1C05, s30;
	s12 =	sadd.s32 s15, s31;
	s7 =	simm.s32 @!p0 $0x60  }
0xc: {  	s13 =	sshrl.u32 s13, $0x3;
	s10 =	smax.u32 s10, $0x1;
	s14 =	sshll.u32 s7, $0x9  }
0xd: {  	s9 =	sadd.s32 $0x3E00, s11;
	s11 =	sor.u32 $0x600, s14;
	s14 =	simm.s32 $0x5  }
.LBB2_1:
0xe: {  	[spmem:s13], [sflag:s8] =	dma.local [hbm:s6], $0x13C0  }
0xf: {  	_ =	swait.ge [sflag:s14], $0x13C0  }
0x10: {  	[sflag:s14] =	ssyncset.done $0x0  }
0x11: {  	s15 =	simm.s32 $0xFFFFFE80;
	s16 =	simm.s32 $0xFFFFFFFD;
	[sflag:s14] =	ssyncadd.s32 $0xFFFFEC40  }
0x12: {  	s17 =	smov.u32 s12;
	s18 =	simm.s32 $0x0;
	[bflag:$0x0] =	sbarrier.arrive $0xFFFF  }
.LBB2_2:
0x13: {  	s19 =	sadd.s32 $0x3, s16  }
0x14: {  	p0 =	sge.u32 s19, s7;
	s20 =	sand.u32 $0xF, s19  }
0x15: {  	p1 =	sne.s32 @!p0 s20, $0x0  }
0x16: {  	p2 =	por p1, p0  }
0x17: {  	s21 =	sadd.s32 @!p2 $0x180, s15;
	s22 =	sand.u32 @!p2 $0x1FFFFF00, s17  }
0x18: {  	s23 =	simm.s32 @!p2 $0x0;
	s21 =	sand.u32 @!p2 $0x800, s21;
	s22 =	sadd.s32 @!p2 s5, s22  }
0x19: {  	[tilespmem:s21], [sflag:$0x6] =	stream.linear.gather @!p2 [hbm4b:s22+s23], $0x800, $0x38;
	[tilespmem:$0xEE00] =	vst v63  }
0x1a: {  	s21 =	sand.u32 @!p0 $0x3, s19  }
0x1b: {  	s22 =	simm.s32 @!p2 $0x6;
	p1 =	sgt.s32 @!p0 s21, $0x1  }
0x1c: {  	_ =	swait.ge @!p2 [sflag:s22], $0x800;
	p3 =	por !p1, p0  }
0x1d: {  	[sflag:s22] =	ssyncset.done @!p2 $0x0;
	p3 =	seq.s32 @!p3 s21, $0x2  }
0x1e: {  	[sflag:s22] =	ssyncadd.s32 @!p2 $0xFFFFF800;
	s22 =	sand.u32 @!p0 $0x2000, s18;
	p2 =	por @!p0 !p3, !p1  }
0x1f: {  	s20 =	sshll.u32 @!p0 s20, $0x7;
	s22 =	sshrl.u32 @!p0 s22, $0x2;
	p2 =	por p2, p0  }
0x20: {  	s20 =	sor.u32 @!p0 s20, s22;
	s22 =	simm.s32 @!p2 $0x40;
	s23 =	simm.s32 @!p2 $0x3000  }
0x21: {  	[tilespmem:s23], [sflag:$0x3] =	stream.indirect.gather @!p2 [hbm4b:s1+s22], $0x40, s20, s22, $0xb8;
	[tilespmem:$0xEE00] =	vst v63  }
0x22: {  	p2 =	por @!p0 p3, !p1  }
0x23: {  	p2 =	por p2, p0  }
0x24: {  	s22 =	simm.s32 @!p2 $0x40;
	s23 =	simm.s32 @!p2 $0x4000  }
0x25: {  	[tilespmem:s23], [sflag:$0x4] =	stream.indirect.gather @!p2 [hbm4b:s1+s22], $0x40, s20, s22, $0xb8;
	[tilespmem:$0xEE00] =	vst v63  }
0x26: {  	p2 =	por p1, p0  }
0x27: {  	p2 =	seq.s32 @!p2 s21, $0x0  }
0x28: {  	p3 =	por @!p0 !p2, p1  }
0x29: {  	p1 =	por @!p0 p2, p1;
	p3 =	por p3, p0  }
0x2a: {  	p0 =	por p1, p0;
	s21 =	simm.s32 @!p3 $0x40;
	s22 =	simm.s32 @!p3 $0x1000  }
0x2b: {  	[tilespmem:s22], [sflag:$0x1] =	stream.indirect.gather @!p3 [hbm4b:s1+s21], $0x40, s20, s21, $0xb8;
	[tilespmem:$0xEE00] =	vst v63  }
0x2c: {  	s21 =	simm.s32 @!p0 $0x40;
	s22 =	simm.s32 @!p0 $0x2000  }
0x2d: {  	[tilespmem:s22], [sflag:$0x2] =	stream.indirect.gather @!p0 [hbm4b:s1+s21], $0x40, s20, s21, $0xb8;
	[tilespmem:$0xEE00] =	vst v63  }
0x2e: {  	p0 =	slt.u32 s19, $0x3  }
0x2f: {  	s19 =	sand.u32 @!p0 $0x3, s16  }
0x30: {  	p2 =	sgt.s32 @!p0 s19, $0x1  }
0x31: {  	p1 =	por !p2, p0  }
0x32: {  	p3 =	seq.s32 @!p1 s19, $0x2  }
0x33: {  	p5 =	por p2, p0;
	p4 =	por @!p0 p3, !p2  }
0x34: {  	p5 =	seq.s32 @!p5 s19, $0x0;
	p4 =	por p4, p0  }
0x35: {  	s20 =	simm.s32 @!p4 $0x4;
	p4 =	por @!p0 p5, p2  }
0x36: {  	p3 =	por @!p0 !p3, !p2;
	p2 =	por @!p0 !p5, p2;
	p4 =	por p4, p0  }
0x37: {  	p3 =	por !p3, p0;
	p2 =	por !p2, p0;
	s21 =	simm.s32 @!p4 $0x2  }
0x38: {  	s20 =	simm.s32 @p3 $0x3;
	s21 =	simm.s32 @p2 $0x1  }
0x39: {  	s20 =	smov.u32 @p1 s21  }
0x3a: {  	_ =	swait.ge @!p0 [sflag:s20], $0x1000  }
0x3b: {  	[sflag:s20] =	ssyncset.done @!p0 $0x0  }
0x3c: {  	s19 =	sshll.u32 @!p0 s19, $0xC;
	[sflag:s20] =	ssyncadd.s32 @!p0 $0xFFFFF000;
	s20 =	sand.u32 @!p0 $0xF80, s15  }
0x3d: {  	s19 =	sadd.s32 @!p0 $0x1000, s19;
	s21 =	simm.s32 @!p0 $0x40;
	s20 =	sor.u32 @!p0 $0x40, s20  }
0x3e: {  	[spmem:s3] =	stream.indirect.scatter.add.f32 @!p0 [tilespmem:s19], [sflag:$0x5], $0x40, s20, s21, $0xb8;
	[tilespmem:$0xEE00] =	vst v63  }
0x3f: {  	s19 =	simm.s32 @!p0 $0x5  }
0x40: {  	_ =	swait.ge @!p0 [sflag:s19], $0x1000  }
0x41: {  	s18 =	sadd.s32 $0x200, s18;
	[sflag:s19] =	ssyncset.done @!p0 $0x0  }
0x42: {  	[sflag:s19] =	ssyncadd.s32 @!p0 $0xFFFFF000;
	p0 =	sne.s32 s11, s18  }
.Ltmp0:
0x43: {  	_ = 	snop;
	(pc) =	sbr.rel @p0 .LBB2_2-.Ltmp0, $2  }
0x44: {  	_ =	sdelay $0x2  }
0x45: {  	s17 =	sadd.s32 $0x10, s17;
	s16 =	sadd.s32 $0x1, s16;
	s15 =	sadd.s32 $0x80, s15  }
0x46: {  	s4 =	sadd.s32 $0x1, s4  }
0x47: {  	p0 =	sne.s32 s4, s10  }
.Ltmp1:
0x48: {  	[bflag:$0x0] =	sbarrier.arrive $0xFFFF;
	(pc) =	sbr.rel @p0 .LBB2_1-.Ltmp1, $4  }
0x49: {  	[hbm:s9], [sflag:s8] =	dma.local [spmem:s13], $0x13C0  }
0x4a: {  	_ =	swait.ge [sflag:s14], $0x13C0  }
0x4b: {  	[sflag:s14] =	ssyncset.done $0x0  }
0x4c: {  	[sflag:s14] =	ssyncadd.s32 $0xFFFFEC40  }
0x4d: {  	_ =	sfence.sel $0x180000  }
0x4e: {  	[bflag:$0x0] =	sbarrier.arrive $0xFFFF  }
0x4f: {  	p0 =	sne.s32 s0, $0x0;
	_ =	strace $0x9000004D  }
0x50: {  	s0 =	sadd.s32 @!p0 $0x100000, s2;
	[bflag:$0x2] =	sbarrier.arrive $0xFFFF  }
0x51: {  	[sflag:s0] =	ssyncadd.tile.s32 @!p0 $0x1;
	_ =	shalt  }
.Lfunc_end2:
_tile_overlayer_lowered:
.L_overlay_start_2:
0x52: {  	(tag) =	ssettag $0x2  }
0x53: {  	s0 =	rddreg [dreg:$0x0];
	s2 =	stileid.u32  }
0x54: {  	s1 =	rddreg [dreg:$0x1];
	p0 =	sne.s32 s2, $0x0  }
0x55: {  	s3 =	rddreg [dreg:$0x2];
	[bflag:$0x3] =	sbarrier.arrive $0xFFFF;
	s2 =	simm.s32 @!p0 $0x1C05  }
0x56: {  	[timem:s3], [sflag:s2] =	dma.local @!p0 [hbm:s0], s1  }
0x57: {  	s0 =	simm.s32 @!p0 $0x5  }
0x58: {  	_ =	swait.ge @!p0 [sflag:s0], s1  }
0x59: {  	s1 =	ssub.s32 @!p0 $0x0, s1;
	[sflag:s0] =	ssyncset.done @!p0 $0x0  }
0x5a: {  	[sflag:s0] =	ssyncadd.s32 @!p0 s1  }
0x5b: {  	[bflag:$0x3] =	sbarrier.arrive $0xFFFF  }
0x5c: {  	_ =	shalt  }

// kernel: kernel.8.cloned.1.call-start
scs
__scs_entry_jumppad:
0x0: {  	(pc) =	sbr.rel $0x88, $3  }
0x1: {  	(tag) =	ssettag $0x0;
	lr =	simm.s32 $0x1  }
0x2: {  	[smem:$0x3F97] =	sst lr;
	_ =	strace $0xD0000000  }
0x3: {  	_ = 	snop  }
0x4: {  	_ = 	snop  }
0x5: {  	_ = 	snop  }
0x6: {  	_ = 	snop  }
0x7: {  	_ = 	snop  }
__scs_overlays_trampoline_lowered:
0x8: {  	[smem:$0x3FA6] =	sst s0  }
0x9: {  	[smem:$0x3FA7] =	sst s1  }
0xa: {  	[smem:$0x3FA8] =	sst s2  }
0xb: {  	[smem:$0x3FA9] =	sst s3  }
0xc: {  	[smem:$0x3FAA] =	sst s4  }
0xd: {  	[smem:$0x3FAB] =	sst s5  }
0xe: {  	[smem:$0x3FAC] =	sst s6  }
0xf: {  	[smem:$0x3FAD] =	sst s7  }
0x10: {  	[smem:$0x3FAE] =	sst s8  }
0x11: {  	[smem:$0x3FAF] =	sst s9;
	s0 =	simm.s32 @!p0 $0x0  }
0x12: {  	s1 =	sld [smem:$0x3F95];
	s0 =	simm.s32 @p0 $0x1  }
0x13: {  	[smem:$0x3FB0] =	sst s0;
	s0 =	simm.s32 @!p1 $0x0  }
0x14: {  	s2 =	sld [smem:$0x3F94];
	s0 =	simm.s32 @p1 $0x1  }
0x15: {  	[smem:$0x3FB1] =	sst s0;
	s0 =	simm.s32 @!p2 $0x0  }
0x16: {  	s3 =	sld [smem:$0x3FDB];
	s0 =	simm.s32 @p2 $0x1  }
0x17: {  	s4 =	simm.s32 $0x1BF5;
	[smem:$0x3FB3] =	sst s0  }
0x18: {  	s0 =	sld [smem:$0x3F96];
	_ =	swait.ge [sflag:s4], $0x0  }
0x19: {  	s7 =	sld [smem:$0x3F97]  }
0x1a: {  	s8 =	sadd.s32 $0xFFFFE003, lr  }
0x1b: {  	s9 =	sadd.s32 $0xFFFFFEF7, lr;
	s5 =	simm.s32 $0xFFFFFFFF;
	p2 =	slt.u32 s8, $0xFFFFF086  }
0x1c: {  	p1 =	slt.u32 s9, $0xF7A;
	s5 =	simm.s32 @!p2 $0x0  }
0x1d: {  	s5 =	simm.s32 @p1 $0x1;
	p0 =	seq.s32 s7, s2  }
0x1e: {  	s7 =	smul.u32 @!p0 $0xF7A, s2;
	p2 =	seq.s32 @!p0 s5, $0x0  }
0x1f: {  	s9 =	smul.u32 $0xF7A, s1;
	s8 =	simm.s32 @!p0 $0x1BF5;
	p2 =	por !p2, p0  }
0x20: {  	[sflag:s8] =	ssyncset.s32 @!p0 $0xFFFFF086;
	s6 =	sadd.s32 @!p0 s3, s7;
	s7 =	simm.s32 @!p0 $0x108  }
0x21: {  	s3 =	sadd.s32 s3, s9;
	s6 =	sadd.s32 @!p0 $0x88, s6;
	s7 =	simm.s32 @p2 $0x1082  }
0x22: {  	[simem:s7], [sflag:s8] =	dma.local @!p0 [hbm:s6], $0xF7A  }
0x23: {  	s9 =	sor.u32 $0xD0000000, s2;
	s6 =	simm.s32 $0x108;
	_ =	swait.ge @!p0 [sflag:s8], $0x0  }
0x24: {  	s3 =	sadd.s32 $0x88, s3;
	s6 =	simm.s32 @!p1 $0x1082;
	[sflag:s4] =	ssyncset.s32 $0xFFFFF086  }
0x25: {  	[simem:s6], [sflag:s4] =	dma.local [hbm:s3], $0xF7A  }
0x26: {  	[smem:$0x3F97] =	sst s1;
	(tag) =	ssettag s2;
	_ =	strace s9  }
0x27: {  	s1 =	sld [smem:$0x3FA7]  }
0x28: {  	s2 =	sld [smem:$0x3FA8]  }
0x29: {  	s4 =	sld [smem:$0x3FAA]  }
0x2a: {  	p0 =	seq.s32 s5, $0x0;
	s5 =	sld [smem:$0x3FAB]  }
0x2b: {  	s6 =	sld [smem:$0x3FAC]  }
0x2c: {  	s7 =	sld [smem:$0x3FAD]  }
0x2d: {  	s3 =	simm.s32 $0x108;
	s8 =	sld [smem:$0x3FAE]  }
0x2e: {  	s3 =	simm.s32 @!p0 $0x1082;
	s9 =	sld [smem:$0x3FAF]  }
0x2f: {  	lr =	sadd.s32 s0, s3;
	s0 =	sld [smem:$0x3FA6]  }
0x30: {  	s3 =	sld [smem:$0x3FA9]  }
0x31: {  	[smem:$0x3FB2] =	sst s10  }
0x32: {  	s10 =	sld [smem:$0x3FB0];
	_ =	sdelay $0x3  }
0x33: {  	p0 =	seq.s32 s10, $0x1;
	s10 =	sld [smem:$0x3FB2];
	_ =	sdelay $0x3  }
0x34: {  	[smem:$0x3FB2] =	sst s10  }
0x35: {  	s10 =	sld [smem:$0x3FB1];
	_ =	sdelay $0x3  }
0x36: {  	p1 =	seq.s32 s10, $0x1;
	s10 =	sld [smem:$0x3FB2];
	_ =	sdelay $0x3  }
0x37: {  	[smem:$0x3FB2] =	sst s10  }
0x38: {  	s10 =	sld [smem:$0x3FB3]  }
0x39: {  	_ = 	snop;
	(pc) =	sbr.ind lr, $3  }
0x3a: {  	_ = 	snop  }
0x3b: {  	_ = 	snop  }
0x3c: {  	p2 =	seq.s32 s10, $0x1;
	s10 =	sld [smem:$0x3FB2]  }
0x3d: {  	_ =	shalt  }
0x3e: {  	_ =	shalt  }
0x3f: {  	_ =	shalt  }
0x40: {  	_ =	shalt  }
0x41: {  	_ =	shalt  }
0x42: {  	_ =	shalt  }
0x43: {  	_ =	shalt  }
0x44: {  	_ =	shalt  }
0x45: {  	_ =	shalt  }
0x46: {  	_ =	shalt  }
0x47: {  	_ =	shalt  }
0x48: {  	_ =	shalt  }
0x49: {  	_ =	shalt  }
0x4a: {  	_ =	shalt  }
0x4b: {  	_ =	shalt  }
0x4c: {  	_ =	shalt  }
0x4d: {  	_ =	shalt  }
0x4e: {  	_ =	shalt  }
0x4f: {  	_ =	shalt  }
0x50: {  	_ =	shalt  }
0x51: {  	_ =	shalt  }
0x52: {  	_ =	shalt  }
0x53: {  	_ =	shalt  }
0x54: {  	_ =	shalt  }
0x55: {  	_ =	shalt  }
0x56: {  	_ =	shalt  }
0x57: {  	_ =	shalt  }
0x58: {  	_ =	shalt  }
0x59: {  	_ =	shalt  }
0x5a: {  	_ =	shalt  }
0x5b: {  	_ =	shalt  }
0x5c: {  	_ =	shalt  }
0x5d: {  	_ =	shalt  }
0x5e: {  	_ =	shalt  }
0x5f: {  	_ =	shalt  }
0x60: {  	_ =	shalt  }
0x61: {  	_ =	shalt  }
0x62: {  	_ =	shalt  }
0x63: {  	_ =	shalt  }
0x64: {  	_ =	shalt  }
0x65: {  	_ =	shalt  }
0x66: {  	_ =	shalt  }
0x67: {  	_ =	shalt  }
0x68: {  	_ =	shalt  }
0x69: {  	_ =	shalt  }
0x6a: {  	_ =	shalt  }
0x6b: {  	_ =	shalt  }
0x6c: {  	_ =	shalt  }
0x6d: {  	_ =	shalt  }
0x6e: {  	_ =	shalt  }
0x6f: {  	_ =	shalt  }
0x70: {  	_ =	shalt  }
0x71: {  	_ =	shalt  }
0x72: {  	_ =	shalt  }
0x73: {  	_ =	shalt  }
0x74: {  	_ =	shalt  }
0x75: {  	_ =	shalt  }
0x76: {  	_ =	shalt  }
0x77: {  	_ =	shalt  }
0x78: {  	_ =	shalt  }
0x79: {  	_ =	shalt  }
0x7a: {  	_ =	shalt  }
0x7b: {  	_ =	shalt  }
0x7c: {  	_ =	shalt  }
0x7d: {  	_ =	shalt  }
0x7e: {  	_ =	shalt  }
0x7f: {  	_ =	shalt  }
0x80: {  	_ =	shalt  }
0x81: {  	_ =	shalt  }
0x82: {  	_ =	shalt  }
0x83: {  	_ =	shalt  }
0x84: {  	_ =	shalt  }
0x85: {  	_ =	shalt  }
0x86: {  	_ =	shalt  }
0x87: {  	_ =	shalt  }
.Lfunc_end0:
.L_simem_size_0:
called_computation_lowered:
.L_overlay_start_0:
0x88: {  	s2 =	sld [smem:$0x3FD9]  }
0x89: {  	s3 =	sld [smem:$0x3FFE];
	_ =	sdelay $0x1  }
0x8a: {  	s1 =	srdreg.scid  }
0x8b: {  	s0 =	sand.u32 $0x1, s1  }
0x8c: {  	s17 =	sshll.u32 s0, $0xA;
	s2 =	sadd.s32 s3, s2  }
0x8d: {  	s2 =	sadd.s32 s2, s17  }
0x8e: {  	[smem:$0x3FBE] =	sst s2  }
0x8f: {  	_ = 	snop  }
0x90: {  	s2 =	sld [smem:$0x3FD0];
	(tm) =	ssettm $0x1  }
0x91: {  	s18 =	sld [smem:$0x3FFB];
	_ =	sdelay $0x3  }
0x92: {  	_ =	strace s18  }
0x93: {  	s3 =	sld [smem:$0x3FFC];
	_ =	sdelay $0x3  }
0x94: {  	_ =	strace s3  }
0x95: {  	s3 =	sld [smem:$0x3FFD];
	_ =	sdelay $0x3  }
0x96: {  	_ =	strace s3  }
0x97: {  	_ =	strace $0x8FFFFFFF  }
0x98: {  	s19 =	sld [smem:$0x3FDB];
	_ =	sdelay $0x1  }
0x99: {  	s4 =	simm.s32 $_scs_section_size  }
0x9a: {  	s5 =	simm.s32 $_size__tile_overlayer_lowered;
	s6 =	simm.s32 $_tile_overlayer_lowered  }
0x9b: {  	s22 =	simm.s32 $0x1BFF;
	s21 =	sshll.u32 s6, $0x1;
	s3 =	sadd.s32 s4, s19  }
0x9c: {  	s7 =	simm.s32 $0x0;
	s20 =	sshll.u32 s5, $0x1;
	s5 =	sadd.s32 s21, s3  }
0x9d: {  	[timem:s7], [sflag:s22] =	dma.local [hbm:s5], s20  }
0x9e: {  	_ =	swait.ge [sflag:s22], s20  }
0x9f: {  	s4 =	ssub.s32 $0x0, s20;
	[sflag:s22] =	ssyncset.done $0x0  }
0xa0: {  	[sflag:s22] =	ssyncadd.s32 s4;
	_ =	sdelay $0x1  }
0xa1: {  	s23 =	simm.s32 $0x1B8B  }
0xa2: {  	_ =	swait.ge [sflag:s23], $0x1  }
0xa3: {  	[sflag:s23] =	ssyncset.done $0x0  }
0xa4: {  	s25 =	simm.s32 $0x1B8E;
	s24 =	sld [smem:$0x3FFE];
	[sflag:s23] =	ssyncadd.s32 $0xFFFFFFFF  }
0xa5: {  	s26 =	simm.s32 $execute0_lowered;
	[smem:$0x3FD2] =	sst s25  }
0xa6: {  	s5 =	sshll.u32 s26, $0x1;
	_ =	strace $0x80000046;
	[dreg:$0x1] =	wrdreg $0xFFFFFFFF  }
0xa7: {  	s28 =	simm.s32 $_size_execute0_lowered;
	s3 =	sadd.s32 s3, s5;
	[dreg:$0x0] =	wrdreg $0x0  }
0xa8: {  	s5 =	sshll.u32 s28, $0x1;
	[dreg:$0x2] =	wrdreg s3  }
0xa9: {  	[dreg:$0x3] =	wrdreg s5  }
0xaa: {  	[dreg:$0x4] =	wrdreg $0xC0  }
0xab: {  	_ =	task [dreg:s7], $0x5FFFF  }
0xac: {  	[dreg:$0x1] =	wrdreg $0xFFFFFFFF  }
0xad: {  	[dreg:$0x0] =	wrdreg $0x60  }
0xae: {  	[dreg:$0x2] =	wrdreg s2  }
0xaf: {  	[dreg:$0x3] =	wrdreg s24  }
0xb0: {  	[dreg:$0x4] =	wrdreg $0x68000  }
0xb1: {  	[dreg:$0x5] =	wrdreg $0x9  }
0xb2: {  	_ =	task.clear_ibuf [dreg:s7], $0x6FFFF;
	_ =	strace $0x90000046  }
0xb3: {  	s29 =	simm.s32 $0x9;
	_ =	strace $0x80000048  }
0xb4: {  	_ =	swait.ge [sflag:s29], $0x1  }
0xb5: {  	[sflag:s29] =	ssyncadd.s32 $0xFFFFFFFF  }
0xb6: {  	_ =	strace $0x90000048  }
0xb7: {  	_ =	sfence  }
0xb8: {  	s30 =	sld [smem:$0x0];
	_ =	sdelay $0x2  }
0xb9: {  	s31 =	sshll.u32 s1, $0xD;
	s1 =	sshrl.u32 s1, $0x2  }
0xba: {  	s3 =	sand.u32 $0x4000, s31;
	s1 =	sadd.s32 s1, s30  }
0xbb: {  	s0 =	sor.u32 s3, s0;
	s1 =	sshll.u32 s1, $0x11  }
0xbc: {  	s0 =	sor.u32 s1, s0  }
0xbd: {  	s0 =	sadd.s32 $0x8F2B, s0  }
0xbe: {  	[sflag:s0] =	ssyncadd.remote.s32 $0x1  }
0xbf: {  	_ =	sfence.sel $0xFFFF  }
0xc0: {  	[dreg:$0x0] =	wrdreg $0xFFFFFFFF;
	(pc) =	sbr.abs _section_cstart, $3  }
0xc1: {  	[dreg:$0x1] =	wrdreg $0xFFFFFFFF  }
0xc2: {  	_ =	task.clear_ibuf [dreg:s7], $0x2FFFF;
	_ =	strace $0x9FFFFFFF  }
0xc3: {  	(tm) =	ssettm $0x7FFFFFFF  }
tec
execute0_lowered:
.L_overlay_start_1:
0x0: {  	(tag) =	ssettag $0x1  }
0x1: {  	s7 =	rddreg [dreg:$0x0]  }
0x2: {  	s6 =	rddreg [dreg:$0x1]  }
0x3: {  	s2 =	rddreg [dreg:$0x2]  }
0x4: {  	s0 =	rddreg [dreg:$0x3]  }
0x5: {  	s4 =	srdreg.scid;
	s1 =	stileid.u32;
	s3 =	simm.s32 $0x0  }
0x6: {  	s13 =	simm.s32 $0x80;
	s14 =	simm.s32 $0x100;
	s15 =	simm.s32 $0x180  }
0x7: {  	s16 =	simm.s32 $0x1;
	s17 =	simm.s32 $0x0;
	s8 =	sand.u32 $0x1, s4  }
0x8: {  	s9 =	smul.u32 $0x13C00, s1;
	[smem:$0x7FF] =	sst s3;
	s4 =	sadd.s32 $0x5200, s6  }
0x9: {  	s5 =	sadd.s32 $0x2A00, s6;
	s11 =	sshll.u32 s1, $0x1;
	s31 =	sshll.u32 s1, $0x6  }
0xa: {  	s10 =	smul.u32 $0x13C000, s8;
	_ =	strace $0x80000047;
	s12 =	ssub.s32 $0x2, s8  }
0xb: {  	s8 =	sor.u32 s8, s11;
	s11 =	simm.s32 $0x2;
	s28 =	sshrl.u32 s12, $0x1  }
0xc: {  	s8 =	smul.u32 $0x500, s8;
	s30 =	sadd.s32 s9, s2;
	s10 =	sadd.s32 s9, s10  }
0xd: {  	s29 =	ssub.s32 s12, s28;
	s12 =	simm.s32 $0x2800;
	s10 =	sshrl.u32 s10, $0x3  }
0xe: {  	s7 =	sadd.s32 s7, s8;
	s9 =	smax.u32 s29, $0x1;
	s10 =	sadd.s32 s10, s6  }
0xf: {  	s6 =	sor.u32 $0x1C02, s31;
	s8 =	sadd.s32 $0x5A00, s10;
	s10 =	sshrl.u32 s30, $0x3  }
.LBB2_1:
0x10: {  	[spmem:s10], [sflag:s6] =	dma.local [hbm:s5], $0x2780  }
0x11: {  	_ =	swait.ge [sflag:s11], $0x2780  }
0x12: {  	[sflag:s11] =	ssyncset.done $0x0  }
0x13: {  	[sflag:s11] =	ssyncadd.s32 $0xFFFFD880  }
0x14: {  	[tilespmem:s3], [sflag:$0x2] =	stream.linear.gather [hbm4b:s7+s3], $0x2800, $0x38;
	[tilespmem:$0x1A400] =	vst v63  }
0x15: {  	_ =	swait.ge [sflag:s11], $0x2800  }
0x16: {  	[sflag:s11] =	ssyncset.done $0x0  }
0x17: {  	[sflag:s11] =	ssyncadd.s32 $0xFFFFD800  }
0x18: {  	[tilespmem:s12], [sflag:$0x2] =	stream.linear.gather [hbm4b:s4+s3], $0x4000, $0x38;
	[tilespmem:$0x1A400] =	vst v63  }
0x19: {  	_ =	swait.ge [sflag:s11], $0x4000  }
0x1a: {  	[sflag:s11] =	ssyncset.done $0x0  }
0x1b: {  	[sflag:s11] =	ssyncadd.s32 $0xFFFFC000  }
0x1c: {  	[bflag:$0x0] =	sbarrier.arrive $0xFFFF  }
0x1d: {  	[spmem:s2] =	stream.indirect.scatter.add.f32 [tilespmem:s12], [sflag:$0x1], $0x80, s3, s13, $0xb8;
	[tilespmem:$0x1A400] =	vst v63  }
0x1e: {  	_ = 	snop  }
0x1f: {  	[spmem:s2] =	stream.indirect.scatter.add.f32 [tilespmem:s12], [sflag:$0x1], $0x80, s13, s13, $0xb8;
	[tilespmem:$0x1A400] =	vst v63  }
0x20: {  	_ = 	snop  }
0x21: {  	[spmem:s2] =	stream.indirect.scatter.add.f32 [tilespmem:s12], [sflag:$0x1], $0x80, s14, s13, $0xb8;
	[tilespmem:$0x1A400] =	vst v63  }
0x22: {  	_ = 	snop  }
0x23: {  	[spmem:s2] =	stream.indirect.scatter.add.f32 [tilespmem:s12], [sflag:$0x1], $0x80, s15, s13, $0xb8;
	[tilespmem:$0x1A400] =	vst v63  }
0x24: {  	s18 =	simm.s32 $0x200  }
0x25: {  	[spmem:s2] =	stream.indirect.scatter.add.f32 [tilespmem:s12], [sflag:$0x1], $0x80, s18, s13, $0xb8;
	[tilespmem:$0x1A400] =	vst v63  }
0x26: {  	_ =	swait.ge [sflag:s16], $0x4000  }
0x27: {  	s18 =	simm.s32 $0xA00;
	[sflag:s16] =	ssyncset.done $0x0  }
.LBB2_2:
0x28: {  	s19 =	sshra.s32 s18, $0x2;
	[sflag:s16] =	ssyncadd.s32 $0xFFFFC000;
	p0 =	sne.s32 s18, $0x9E00  }
0x29: {  	[spmem:s2] =	stream.indirect.scatter.add.f32 [tilespmem:s12], [sflag:$0x1], $0x80, s19, s13, $0xb8;
	[tilespmem:$0x1A400] =	vst v63  }
.Ltmp0:
0x2a: {  	_ = 	snop;
	(pc) =	sbr.rel @p0 .LBB2_2-.Ltmp0, $4  }
0x2b: {  	_ = 	snop  }
0x2c: {  	s18 =	sadd.s32 $0x200, s18  }
0x2d: {  	_ =	swait.ge [sflag:s16], $0x4000  }
0x2e: {  	[sflag:s16] =	ssyncset.done $0x0  }
0x2f: {  	[sflag:s16] =	ssyncadd.s32 $0xFFFFC000  }
0x30: {  	_ =	swait.ge [sflag:s16], $0x4000  }
0x31: {  	[sflag:s16] =	ssyncset.done $0x0  }
0x32: {  	[sflag:s16] =	ssyncadd.s32 $0xFFFFC000  }
0x33: {  	_ =	swait.ge [sflag:s16], $0x4000  }
0x34: {  	[sflag:s16] =	ssyncset.done $0x0  }
0x35: {  	[sflag:s16] =	ssyncadd.s32 $0xFFFFC000  }
0x36: {  	_ =	swait.ge [sflag:s16], $0x4000  }
0x37: {  	[sflag:s16] =	ssyncset.done $0x0  }
0x38: {  	[sflag:s16] =	ssyncadd.s32 $0xFFFFC000  }
0x39: {  	_ =	swait.ge [sflag:s16], $0x4000  }
0x3a: {  	s17 =	sadd.s32 $0x1, s17;
	[sflag:s16] =	ssyncset.done $0x0  }
0x3b: {  	p0 =	sne.s32 s17, s9;
	[sflag:s16] =	ssyncadd.s32 $0xFFFFC000  }
.Ltmp1:
0x3c: {  	[bflag:$0x0] =	sbarrier.arrive $0xFFFF;
	(pc) =	sbr.rel @p0 .LBB2_1-.Ltmp1, $4  }
0x3d: {  	[hbm:s8], [sflag:s6] =	dma.local [spmem:s10], $0x2780  }
0x3e: {  	_ =	swait.ge [sflag:s11], $0x2780  }
0x3f: {  	[sflag:s11] =	ssyncset.done $0x0  }
0x40: {  	[sflag:s11] =	ssyncadd.s32 $0xFFFFD880  }
0x41: {  	_ =	sfence.sel $0x180000  }
0x42: {  	[bflag:$0x0] =	sbarrier.arrive $0xFFFF  }
0x43: {  	p0 =	sne.s32 s1, $0x0;
	_ =	strace $0x90000047  }
0x44: {  	s0 =	sadd.s32 @!p0 $0x100000, s0;
	[bflag:$0x2] =	sbarrier.arrive $0xFFFF  }
0x45: {  	[sflag:s0] =	ssyncadd.tile.s32 @!p0 $0x1;
	_ =	shalt  }
.Lfunc_end2:
_tile_overlayer_lowered:
.L_overlay_start_2:
0x46: {  	(tag) =	ssettag $0x2  }
0x47: {  	s0 =	rddreg [dreg:$0x0];
	s2 =	stileid.u32  }
0x48: {  	s1 =	rddreg [dreg:$0x1];
	p0 =	sne.s32 s2, $0x0  }
0x49: {  	s3 =	rddreg [dreg:$0x2];
	[bflag:$0x3] =	sbarrier.arrive $0xFFFF;
	s2 =	simm.s32 @!p0 $0x1C02  }
0x4a: {  	[timem:s3], [sflag:s2] =	dma.local @!p0 [hbm:s0], s1  }
0x4b: {  	s0 =	simm.s32 @!p0 $0x2  }
0x4c: {  	_ =	swait.ge @!p0 [sflag:s0], s1  }
0x4d: {  	s1 =	ssub.s32 @!p0 $0x0, s1;
	[sflag:s0] =	ssyncset.done @!p0 $0x0  }
0x4e: {  	[sflag:s0] =	ssyncadd.s32 @!p0 s1  }
0x4f: {  	[bflag:$0x3] =	sbarrier.arrive $0xFFFF  }
0x50: {  	_ =	shalt  }

</sc_bundles>
